<compile_context>
chip_gen: v7x
topology: tpu7x:2x2x1
jax: 0.10.2.dev20260603
libtpu: 0.0.44.dev20260713+nightly
codegen_flags: <defaults>
</compile_context>

<pallas_src>
import jax
import jax.numpy as jnp
from jax import lax
from jax.experimental import pallas as pl
from jax.experimental.pallas import tpu as pltpu
from jax.experimental.pallas import tpu_sc as plsc

N = 10000
E = 320000
D = 128
DE = 16

NW = 32
EPW = E // NW
_f32 = jnp.float32
_i32 = jnp.int32



_EB = 8000
_HB = 256


def _edge_lin_body(ea_ref, w0_ref, b0_ref, w1_ref, b1_ref,
                   h_ref, ws_ref, wd_ref,
                   c0_ref, c1_ref, a_ref, b_ref):
    ea = ea_ref[...]
    c0_ref[...] = jnp.dot(ea, w0_ref[...], preferred_element_type=_f32) + b0_ref[...]
    c1_ref[...] = jnp.dot(ea, w1_ref[...], preferred_element_type=_f32) + b1_ref[...]
    h = h_ref[...]
    a_ref[...] = jnp.dot(h, ws_ref[...], preferred_element_type=_f32)
    b_ref[...] = jnp.dot(h, wd_ref[...], preferred_element_type=_f32)


def _edge_lin(ea, w0, b0, w1, b1, h, ws, wd):
    return pl.pallas_call(
        _edge_lin_body,
        grid=(E // _EB,),
        in_specs=[
            pl.BlockSpec((_EB, DE), lambda i: (i, 0)),
            pl.BlockSpec((DE, D), lambda i: (0, 0)),
            pl.BlockSpec((1, D), lambda i: (0, 0)),
            pl.BlockSpec((DE, D), lambda i: (0, 0)),
            pl.BlockSpec((1, D), lambda i: (0, 0)),
            pl.BlockSpec((_HB, D), lambda i: (i, 0)),
            pl.BlockSpec((D, D), lambda i: (0, 0)),
            pl.BlockSpec((D, D), lambda i: (0, 0)),
        ],
        out_specs=[
            pl.BlockSpec((_EB, D), lambda i: (i, 0)),
            pl.BlockSpec((_EB, D), lambda i: (i, 0)),
            pl.BlockSpec((_HB, D), lambda i: (i, 0)),
            pl.BlockSpec((_HB, D), lambda i: (i, 0)),
        ],
        out_shape=[jax.ShapeDtypeStruct((E, D), _f32),
                   jax.ShapeDtypeStruct((E, D), _f32),
                   jax.ShapeDtypeStruct((N, D), _f32),
                   jax.ShapeDtypeStruct((N, D), _f32)],
    )(ea, w0, b0.reshape(1, D), w1, b1.reshape(1, D), h, ws, wd)


_NB = 1000


def _up_ab_body(h_ref, agg_ref, wuh_ref, wua_ref, bu_ref, ws_ref, wd_ref,
                h1_ref, a1_ref, b1_ref):
    aggs = agg_ref[0] + agg_ref[1]
    h1 = jnp.maximum(
        jnp.dot(h_ref[...], wuh_ref[...], preferred_element_type=_f32)
        + jnp.dot(aggs, wua_ref[...], preferred_element_type=_f32)
        + bu_ref[...], 0.0)
    h1_ref[...] = h1
    a1_ref[...] = jnp.dot(h1, ws_ref[...], preferred_element_type=_f32)
    b1_ref[...] = jnp.dot(h1, wd_ref[...], preferred_element_type=_f32)


def _up_ab(h, agg, wuh, wua, bu, ws, wd):
    return pl.pallas_call(
        _up_ab_body,
        grid=(N // _NB,),
        in_specs=[
            pl.BlockSpec((_NB, D), lambda i: (i, 0)),
            pl.BlockSpec((2, _NB, D), lambda i: (0, i, 0)),
            pl.BlockSpec((D, D), lambda i: (0, 0)),
            pl.BlockSpec((D, D), lambda i: (0, 0)),
            pl.BlockSpec((1, D), lambda i: (0, 0)),
            pl.BlockSpec((D, D), lambda i: (0, 0)),
            pl.BlockSpec((D, D), lambda i: (0, 0)),
        ],
        out_specs=[
            pl.BlockSpec((_NB, D), lambda i: (i, 0)),
            pl.BlockSpec((_NB, D), lambda i: (i, 0)),
            pl.BlockSpec((_NB, D), lambda i: (i, 0)),
        ],
        out_shape=[jax.ShapeDtypeStruct((N, D), _f32)] * 3,
    )(h, agg, wuh, wua, bu.reshape(1, D), ws, wd)


def _up_final_body(h_ref, agg_ref, wuh_ref, wua_ref, bu_ref, out_ref):
    aggs = agg_ref[0] + agg_ref[1]
    out_ref[...] = (
        jnp.dot(h_ref[...], wuh_ref[...], preferred_element_type=_f32)
        + jnp.dot(aggs, wua_ref[...], preferred_element_type=_f32)
        + bu_ref[...])


def _up_final(h, agg, wuh, wua, bu):
    return pl.pallas_call(
        _up_final_body,
        grid=(N // _NB,),
        in_specs=[
            pl.BlockSpec((_NB, D), lambda i: (i, 0)),
            pl.BlockSpec((2, _NB, D), lambda i: (0, i, 0)),
            pl.BlockSpec((D, D), lambda i: (0, 0)),
            pl.BlockSpec((D, D), lambda i: (0, 0)),
            pl.BlockSpec((1, D), lambda i: (0, 0)),
        ],
        out_specs=pl.BlockSpec((_NB, D), lambda i: (i, 0)),
        out_shape=jax.ShapeDtypeStruct((N, D), _f32),
    )(h, agg, wuh, wua, bu.reshape(1, D))



K = 80
NCHUNK = EPW // K
NSLOT = 4


def _sc_mpnn_body(a_hbm, b_hbm, c_hbm, src_hbm, dst_hbm, zeros_hbm, out_hbm,
                  msg0, sidx0, didx0, msg1, sidx1, didx1,
                  msg2, sidx2, didx2, msg3, sidx3, didx3,
                  agg_sh,
                  ic0, ab0, sc0, ic1, ab1, sc1,
                  ic2, ab2, sc2, ic3, ab3, sc3):
    core = lax.axis_index("c")
    sub = lax.axis_index("s")
    w = sub * 2 + core

    @pl.when(sub == 0)
    def _():
        pltpu.sync_copy(zeros_hbm, agg_sh)
    plsc.subcore_barrier()

    def ic_pairs(g, slot):
        msg, sidx, didx = slot[:3]
        base = w * EPW + g * K
        return [
            (src_hbm.at[pl.ds(base, K)], sidx),
            (dst_hbm.at[pl.ds(base, K)], didx),
            (c_hbm.at[pl.ds(base, K)], msg),
        ]

    def issue_ic(g, slot):
        for s, d in ic_pairs(g, slot):
            pltpu.async_copy(s, d, slot[3])

    def drain_ic(g, slot):
        for s, d in ic_pairs(g, slot):
            pltpu.make_async_copy(s, d, slot[3]).wait()

    def issue_a(slot):
        msg, sidx = slot[0], slot[1]
        pltpu.async_copy(a_hbm.at[sidx], msg, slot[4], add=True)

    def drain_a(slot):
        msg, sidx = slot[0], slot[1]
        pltpu.make_async_copy(a_hbm.at[sidx], msg, slot[4]).wait()

    def issue_b(slot):
        msg, didx = slot[0], slot[2]
        pltpu.async_copy(b_hbm.at[didx], msg, slot[4], add=True)

    def drain_b(slot):
        msg, didx = slot[0], slot[2]
        pltpu.make_async_copy(b_hbm.at[didx], msg, slot[4]).wait()

    def issue_sc(slot):
        msg, didx = slot[0], slot[2]
        pltpu.async_copy(msg, agg_sh.at[didx], slot[5], add=True)

    def drain_sc(slot):
        msg, didx = slot[0], slot[2]
        pltpu.make_async_copy(msg, agg_sh.at[didx], slot[5]).wait()

    def relu(slot):
        msg = slot[0]

        def relu_row(e, c2):
            for j in range(D // 16):
                sl = pl.ds(j * 16, 16)
                msg[e, sl] = jnp.maximum(msg[e, sl], 0.0)
            return c2
        lax.fori_loop(0, K, relu_row, 0)

    slots = ((msg0, sidx0, didx0, ic0, ab0, sc0),
             (msg1, sidx1, didx1, ic1, ab1, sc1),
             (msg2, sidx2, didx2, ic2, ab2, sc2),
             (msg3, sidx3, didx3, ic3, ab3, sc3))

    issue_ic(0, slots[0])
    issue_ic(1, slots[1])
    issue_ic(2, slots[2])
    drain_ic(0, slots[0])
    issue_a(slots[0])
    drain_ic(1, slots[1])
    issue_a(slots[1])
    drain_a(slots[0])
    issue_b(slots[0])

    def chunk_body(g, carry):
        def run(s0, s1, s2, s3):
            drain_b(s0)

            @pl.when(g >= 1)
            def _():
                drain_sc(s3)

            @pl.when(g + 3 < NCHUNK)
            def _():
                issue_ic(g + 3, s3)

            @pl.when(g + 1 < NCHUNK)
            def _():
                drain_a(s1)
                issue_b(s1)

            @pl.when(g + 2 < NCHUNK)
            def _():
                drain_ic(g + 2, s2)
                issue_a(s2)

            relu(s0)
            issue_sc(s0)

        for r in range(NSLOT):
            @pl.when(g % NSLOT == r)
            def _(r=r):
                run(slots[r], slots[(r + 1) % NSLOT],
                    slots[(r + 2) % NSLOT], slots[(r + 3) % NSLOT])
        return carry

    lax.fori_loop(0, NCHUNK, chunk_body, 0)

    drain_sc(slots[(NCHUNK - 1) % NSLOT])

    plsc.subcore_barrier()

    @pl.when(sub < 15)
    def _():
        off = pl.multiple_of(sub * 632, 8)
        pltpu.sync_copy(agg_sh.at[pl.ds(off, 632)],
                        out_hbm.at[core, pl.ds(off, 632)])

    @pl.when(sub == 15)
    def _():
        pltpu.sync_copy(agg_sh.at[pl.ds(9480, 520)],
                        out_hbm.at[core, pl.ds(9480, 520)])


_MPNN_SC = None


def _mpnn_layer_sc(*args):
    global _MPNN_SC
    if _MPNN_SC is None:
        _MPNN_SC = pl.kernel(
            _sc_mpnn_body,
            out_type=jax.ShapeDtypeStruct((2, N, D), _f32),
            mesh=plsc.VectorSubcoreMesh(core_axis_name="c",
                                        subcore_axis_name="s"),
            scratch_types=(
                [pltpu.VMEM((K, D), _f32),
                 pltpu.VMEM((K,), _i32),
                 pltpu.VMEM((K,), _i32)] * NSLOT
                + [pltpu.VMEM_SHARED((N, D), _f32)]
                + [pltpu.SemaphoreType.DMA] * (3 * NSLOT)
            ),
        )
    return _MPNN_SC(*args)



def kernel(x, edge_index, edge_attr, Wm0, bm0, Wu0, bu0, Wm1, bm1, Wu1, bu1):
    h0 = jnp.squeeze(x, -1)
    src = edge_index[0]
    dst = edge_index[1]
    zeros = jnp.zeros((N, D), _f32)

    c0, c1, a0, b0 = _edge_lin(edge_attr, Wm0[2 * D:], bm0, Wm1[2 * D:], bm1,
                               h0, Wm0[:D], Wm0[D:2 * D])
    agg0 = _mpnn_layer_sc(a0, b0, c0, src, dst, zeros)
    h1, a1, b1 = _up_ab(h0, agg0, Wu0[:D], Wu0[D:], bu0,
                        Wm1[:D], Wm1[D:2 * D])
    agg1 = _mpnn_layer_sc(a1, b1, c1, src, dst, zeros)
    h2 = _up_final(h1, agg1, Wu1[:D], Wu1[D:], bu1)
    return h2[:, :, None]

# --- scband reference (transcript-rebuilt; emitter-appended) ---
"""Pipeline reference for scband-mpnn-8899172238004 (READ-ONLY COPY).

The authoritative reference and input builder live on the scoring server;
editing this copy changes nothing except your own understanding.
"""

import jax, jax.numpy as jnp
import numpy as np

N = 10000
E = 320000
D = 128
DE = 16

def setup_inputs(seed: int = 0):
    key = jax.random.key(seed)
    ks = jax.random.split(key, 8)
    x = jax.random.normal(ks[0], (N, D, 1), dtype=jnp.float32)
    edge_index = jax.random.randint(ks[1], (2, E), 0, N, dtype=jnp.int32)
    edge_attr = jax.random.normal(ks[2], (E, DE), dtype=jnp.float32)
    def lin(k, fi, fo):
        kw, kb = jax.random.split(k)
        W = jax.random.normal(kw, (fi, fo), dtype=jnp.float32) / np.sqrt(fi)
        b = jax.random.normal(kb, (fo,), dtype=jnp.float32) * 0.01
        return W, b
    Wm0, bm0 = lin(ks[3], 2 * D + DE, 128)
    Wu0, bu0 = lin(ks[4], D + 128, 128)
    Wm1, bm1 = lin(ks[5], 2 * 128 + DE, 128)
    Wu1, bu1 = lin(ks[6], 128 + 128, 128)
    return {"x": x, "edge_index": edge_index, "edge_attr": edge_attr,
            "Wm0": Wm0, "bm0": bm0, "Wu0": Wu0, "bu0": bu0,
            "Wm1": Wm1, "bm1": bm1, "Wu1": Wu1, "bu1": bu1}

def reference(x, edge_index, edge_attr, Wm0, bm0, Wu0, bu0, Wm1, bm1, Wu1, bu1):
    # MPNN forward: x is [N, D, 1]; squeeze last dim, run 2 MPNNLayer blocks, re-expand.
    h = jnp.squeeze(x, -1)
    src = edge_index[0]
    dst = edge_index[1]
    # block 0: message MLP on [h_src, h_dst, edge_attr], scatter-add to dst, update MLP on [h, agg]; final_activation=True
    msg_in = jnp.concatenate([h[src], h[dst], edge_attr], axis=-1)
    m = jax.nn.relu(msg_in @ Wm0 + bm0)
    agg = jax.ops.segment_sum(m, dst, num_segments=N)
    h = jax.nn.relu(jnp.concatenate([h, agg], axis=-1) @ Wu0 + bu0)
    # block 1 (last): final_activation=False
    msg_in = jnp.concatenate([h[src], h[dst], edge_attr], axis=-1)
    m = jax.nn.relu(msg_in @ Wm1 + bm1)
    agg = jax.ops.segment_sum(m, dst, num_segments=N)
    h = jnp.concatenate([h, agg], axis=-1) @ Wu1 + bu1
    return h[:, :, None]

if __name__ == "__main__":
    import jax
    _d = setup_inputs()
    print(jax.jit(kernel)(*tuple(_d.values())))

</pallas_src>

<mosaic_0001>
#map = affine_map<(d0, d1) -> (0, 0)>
#map1 = affine_map<(d0, d1) -> (0)>
#map2 = affine_map<(d0, d1) -> (0, 0, 0)>
module attributes {stable_mosaic.version = 14 : i64} {
  func.func @_sc_mpnn_body(%arg0: i32, %arg1: i32, %arg2: memref<10000x128xf32, #tpu.memory_space<hbm>>, %arg3: memref<10000x128xf32, #tpu.memory_space<hbm>>, %arg4: memref<320000x128xf32, #tpu.memory_space<hbm>>, %arg5: memref<320000xi32, #tpu.memory_space<hbm>>, %arg6: memref<320000xi32, #tpu.memory_space<hbm>>, %arg7: memref<10000x128xf32, #tpu.memory_space<hbm>>, %arg8: memref<2x10000x128xf32, #tpu.memory_space<hbm>>, %arg9: memref<80x128xf32, #tpu.memory_space<vmem>>, %arg10: memref<80xi32, #tpu.memory_space<vmem>>, %arg11: memref<80xi32, #tpu.memory_space<vmem>>, %arg12: memref<80x128xf32, #tpu.memory_space<vmem>>, %arg13: memref<80xi32, #tpu.memory_space<vmem>>, %arg14: memref<80xi32, #tpu.memory_space<vmem>>, %arg15: memref<80x128xf32, #tpu.memory_space<vmem>>, %arg16: memref<80xi32, #tpu.memory_space<vmem>>, %arg17: memref<80xi32, #tpu.memory_space<vmem>>, %arg18: memref<80x128xf32, #tpu.memory_space<vmem>>, %arg19: memref<80xi32, #tpu.memory_space<vmem>>, %arg20: memref<80xi32, #tpu.memory_space<vmem>>, %arg21: memref<10000x128xf32, #tpu.memory_space<vmem_shared>>, %arg22: memref<!tpu.dma_semaphore, #tpu.memory_space<semaphore_mem>>, %arg23: memref<!tpu.dma_semaphore, #tpu.memory_space<semaphore_mem>>, %arg24: memref<!tpu.dma_semaphore, #tpu.memory_space<semaphore_mem>>, %arg25: memref<!tpu.dma_semaphore, #tpu.memory_space<semaphore_mem>>, %arg26: memref<!tpu.dma_semaphore, #tpu.memory_space<semaphore_mem>>, %arg27: memref<!tpu.dma_semaphore, #tpu.memory_space<semaphore_mem>>, %arg28: memref<!tpu.dma_semaphore, #tpu.memory_space<semaphore_mem>>, %arg29: memref<!tpu.dma_semaphore, #tpu.memory_space<semaphore_mem>>, %arg30: memref<!tpu.dma_semaphore, #tpu.memory_space<semaphore_mem>>, %arg31: memref<!tpu.dma_semaphore, #tpu.memory_space<semaphore_mem>>, %arg32: memref<!tpu.dma_semaphore, #tpu.memory_space<semaphore_mem>>, %arg33: memref<!tpu.dma_semaphore, #tpu.memory_space<semaphore_mem>>) attributes {dimension_semantics = [#tpu.dimension_semantics<core_parallel>, #tpu.dimension_semantics<subcore_parallel>], iteration_bounds = array<i64: 2, 16>, scalar_prefetch = 0 : i64, scratch_operands = 25 : i64, tpu.core_type = #tpu.core_type<sc_vector_subcore>, window_params = [{transform_indices = #map}, {transform_indices = #map}, {transform_indices = #map}, {transform_indices = #map1}, {transform_indices = #map1}, {transform_indices = #map}, {transform_indices = #map2}]} {
    %mul3A = arith.constant 2 : i32
    %mul3A_0 = arith.muli %arg1, %mul3A : i32
    %add3A = arith.addi %mul3A_0, %arg0 : i32
    %eq3A = arith.constant 0 : i32
    %eq3A_1 = arith.cmpi eq, %arg1, %eq3A : i32
    %convert_element_type3A = arith.extui %eq3A_1 : i1 to i32
    %cond3A = arith.constant 0 : i32
    %cond3A_2 = arith.cmpi ne, %convert_element_type3A, %cond3A : i32
    scf.if %cond3A_2 {
      "tpu.region"() ({
        %run_scoped3A = tpu.sem_alloc : memref<!tpu.dma_semaphore, #tpu.memory_space<semaphore_mem>>
        tpu.enqueue_dma source(%arg7 : memref<10000x128xf32, #tpu.memory_space<hbm>>) target(%arg21 : memref<10000x128xf32, #tpu.memory_space<vmem_shared>>) target_semaphore(%run_scoped3A : memref<!tpu.dma_semaphore, #tpu.memory_space<semaphore_mem>>)
        tpu.wait_dma2 semaphore(%run_scoped3A : memref<!tpu.dma_semaphore, #tpu.memory_space<semaphore_mem>>) src(%arg7 : memref<10000x128xf32, #tpu.memory_space<hbm>>) dst(%arg21 : memref<10000x128xf32, #tpu.memory_space<vmem_shared>>)
        tpu.yield
      }) : () -> ()
    } else {
    }
    %barrier3A = arith.constant 0 : index
    tpu.barrier barrier_id(%barrier3A)
    %mul3A_3 = arith.constant 10000 : i32
    %mul3A_4 = arith.muli %add3A, %mul3A_3 : i32
    %add3A_5 = arith.constant 0 : i32
    %add3A_6 = arith.addi %mul3A_4, %add3A_5 : i32
    %dma_start3A = tpu.memref_slice %arg5[%add3A_6] : memref<320000xi32, #tpu.memory_space<hbm>> -> memref<80xi32, #tpu.memory_space<hbm>>
    %dma_start3A_7 = tpu.memref_slice %arg5[%add3A_6] : memref<320000xi32, #tpu.memory_space<hbm>> -> memref<80xi32, #tpu.memory_space<hbm>>
    tpu.enqueue_dma source(%dma_start3A_7 : memref<80xi32, #tpu.memory_space<hbm>>) target(%arg10 : memref<80xi32, #tpu.memory_space<vmem>>) target_semaphore(%arg22 : memref<!tpu.dma_semaphore, #tpu.memory_space<semaphore_mem>>)
    %dma_start3A_8 = tpu.memref_slice %arg6[%add3A_6] : memref<320000xi32, #tpu.memory_space<hbm>> -> memref<80xi32, #tpu.memory_space<hbm>>
    %dma_start3A_9 = tpu.memref_slice %arg6[%add3A_6] : memref<320000xi32, #tpu.memory_space<hbm>> -> memref<80xi32, #tpu.memory_space<hbm>>
    tpu.enqueue_dma source(%dma_start3A_9 : memref<80xi32, #tpu.memory_space<hbm>>) target(%arg11 : memref<80xi32, #tpu.memory_space<vmem>>) target_semaphore(%arg22 : memref<!tpu.dma_semaphore, #tpu.memory_space<semaphore_mem>>)
    %dma_start3A_10 = arith.constant 0 : i32
    %dma_start3A_11 = tpu.memref_slice %arg4[%add3A_6, %dma_start3A_10] : memref<320000x128xf32, #tpu.memory_space<hbm>> -> memref<80x128xf32, #tpu.memory_space<hbm>>
    %dma_start3A_12 = arith.constant 0 : i32
    %dma_start3A_13 = tpu.memref_slice %arg4[%add3A_6, %dma_start3A_12] : memref<320000x128xf32, #tpu.memory_space<hbm>> -> memref<80x128xf32, #tpu.memory_space<hbm>>
    tpu.enqueue_dma source(%dma_start3A_13 : memref<80x128xf32, #tpu.memory_space<hbm>>) target(%arg9 : memref<80x128xf32, #tpu.memory_space<vmem>>) target_semaphore(%arg22 : memref<!tpu.dma_semaphore, #tpu.memory_space<semaphore_mem>>)
    %mul3A_14 = arith.constant 10000 : i32
    %mul3A_15 = arith.muli %add3A, %mul3A_14 : i32
    %add3A_16 = arith.constant 80 : i32
    %add3A_17 = arith.addi %mul3A_15, %add3A_16 : i32
    %dma_start3A_18 = tpu.memref_slice %arg5[%add3A_17] : memref<320000xi32, #tpu.memory_space<hbm>> -> memref<80xi32, #tpu.memory_space<hbm>>
    %dma_start3A_19 = tpu.memref_slice %arg5[%add3A_17] : memref<320000xi32, #tpu.memory_space<hbm>> -> memref<80xi32, #tpu.memory_space<hbm>>
    tpu.enqueue_dma source(%dma_start3A_19 : memref<80xi32, #tpu.memory_space<hbm>>) target(%arg13 : memref<80xi32, #tpu.memory_space<vmem>>) target_semaphore(%arg25 : memref<!tpu.dma_semaphore, #tpu.memory_space<semaphore_mem>>)
    %dma_start3A_20 = tpu.memref_slice %arg6[%add3A_17] : memref<320000xi32, #tpu.memory_space<hbm>> -> memref<80xi32, #tpu.memory_space<hbm>>
    %dma_start3A_21 = tpu.memref_slice %arg6[%add3A_17] : memref<320000xi32, #tpu.memory_space<hbm>> -> memref<80xi32, #tpu.memory_space<hbm>>
    tpu.enqueue_dma source(%dma_start3A_21 : memref<80xi32, #tpu.memory_space<hbm>>) target(%arg14 : memref<80xi32, #tpu.memory_space<vmem>>) target_semaphore(%arg25 : memref<!tpu.dma_semaphore, #tpu.memory_space<semaphore_mem>>)
    %dma_start3A_22 = arith.constant 0 : i32
    %dma_start3A_23 = tpu.memref_slice %arg4[%add3A_17, %dma_start3A_22] : memref<320000x128xf32, #tpu.memory_space<hbm>> -> memref<80x128xf32, #tpu.memory_space<hbm>>
    %dma_start3A_24 = arith.constant 0 : i32
    %dma_start3A_25 = tpu.memref_slice %arg4[%add3A_17, %dma_start3A_24] : memref<320000x128xf32, #tpu.memory_space<hbm>> -> memref<80x128xf32, #tpu.memory_space<hbm>>
    tpu.enqueue_dma source(%dma_start3A_25 : memref<80x128xf32, #tpu.memory_space<hbm>>) target(%arg12 : memref<80x128xf32, #tpu.memory_space<vmem>>) target_semaphore(%arg25 : memref<!tpu.dma_semaphore, #tpu.memory_space<semaphore_mem>>)
    %mul3A_26 = arith.constant 10000 : i32
    %mul3A_27 = arith.muli %add3A, %mul3A_26 : i32
    %add3A_28 = arith.constant 160 : i32
    %add3A_29 = arith.addi %mul3A_27, %add3A_28 : i32
    %dma_start3A_30 = tpu.memref_slice %arg5[%add3A_29] : memref<320000xi32, #tpu.memory_space<hbm>> -> memref<80xi32, #tpu.memory_space<hbm>>
    %dma_start3A_31 = tpu.memref_slice %arg5[%add3A_29] : memref<320000xi32, #tpu.memory_space<hbm>> -> memref<80xi32, #tpu.memory_space<hbm>>
    tpu.enqueue_dma source(%dma_start3A_31 : memref<80xi32, #tpu.memory_space<hbm>>) target(%arg16 : memref<80xi32, #tpu.memory_space<vmem>>) target_semaphore(%arg28 : memref<!tpu.dma_semaphore, #tpu.memory_space<semaphore_mem>>)
    %dma_start3A_32 = tpu.memref_slice %arg6[%add3A_29] : memref<320000xi32, #tpu.memory_space<hbm>> -> memref<80xi32, #tpu.memory_space<hbm>>
    %dma_start3A_33 = tpu.memref_slice %arg6[%add3A_29] : memref<320000xi32, #tpu.memory_space<hbm>> -> memref<80xi32, #tpu.memory_space<hbm>>
    tpu.enqueue_dma source(%dma_start3A_33 : memref<80xi32, #tpu.memory_space<hbm>>) target(%arg17 : memref<80xi32, #tpu.memory_space<vmem>>) target_semaphore(%arg28 : memref<!tpu.dma_semaphore, #tpu.memory_space<semaphore_mem>>)
    %dma_start3A_34 = arith.constant 0 : i32
    %dma_start3A_35 = tpu.memref_slice %arg4[%add3A_29, %dma_start3A_34] : memref<320000x128xf32, #tpu.memory_space<hbm>> -> memref<80x128xf32, #tpu.memory_space<hbm>>
    %dma_start3A_36 = arith.constant 0 : i32
    %dma_start3A_37 = tpu.memref_slice %arg4[%add3A_29, %dma_start3A_36] : memref<320000x128xf32, #tpu.memory_space<hbm>> -> memref<80x128xf32, #tpu.memory_space<hbm>>
    tpu.enqueue_dma source(%dma_start3A_37 : memref<80x128xf32, #tpu.memory_space<hbm>>) target(%arg15 : memref<80x128xf32, #tpu.memory_space<vmem>>) target_semaphore(%arg28 : memref<!tpu.dma_semaphore, #tpu.memory_space<semaphore_mem>>)
    %mul3A_38 = arith.constant 10000 : i32
    %mul3A_39 = arith.muli %add3A, %mul3A_38 : i32
    %add3A_40 = arith.constant 0 : i32
    %add3A_41 = arith.addi %mul3A_39, %add3A_40 : i32
    %dma_wait3A = tpu.memref_slice %arg5[%add3A_41] : memref<320000xi32, #tpu.memory_space<hbm>> -> memref<80xi32, #tpu.memory_space<hbm>>
    %dma_wait3A_42 = tpu.memref_slice %arg5[%add3A_41] : memref<320000xi32, #tpu.memory_space<hbm>> -> memref<80xi32, #tpu.memory_space<hbm>>
    tpu.wait_dma2 semaphore(%arg22 : memref<!tpu.dma_semaphore, #tpu.memory_space<semaphore_mem>>) src(%dma_wait3A_42 : memref<80xi32, #tpu.memory_space<hbm>>) dst(%arg10 : memref<80xi32, #tpu.memory_space<vmem>>)
    %dma_wait3A_43 = tpu.memref_slice %arg6[%add3A_41] : memref<320000xi32, #tpu.memory_space<hbm>> -> memref<80xi32, #tpu.memory_space<hbm>>
    %dma_wait3A_44 = tpu.memref_slice %arg6[%add3A_41] : memref<320000xi32, #tpu.memory_space<hbm>> -> memref<80xi32, #tpu.memory_space<hbm>>
    tpu.wait_dma2 semaphore(%arg22 : memref<!tpu.dma_semaphore, #tpu.memory_space<semaphore_mem>>) src(%dma_wait3A_44 : memref<80xi32, #tpu.memory_space<hbm>>) dst(%arg11 : memref<80xi32, #tpu.memory_space<vmem>>)
    %dma_wait3A_45 = arith.constant 0 : i32
    %dma_wait3A_46 = tpu.memref_slice %arg4[%add3A_41, %dma_wait3A_45] : memref<320000x128xf32, #tpu.memory_space<hbm>> -> memref<80x128xf32, #tpu.memory_space<hbm>>
    %dma_wait3A_47 = arith.constant 0 : i32
    %dma_wait3A_48 = tpu.memref_slice %arg4[%add3A_41, %dma_wait3A_47] : memref<320000x128xf32, #tpu.memory_space<hbm>> -> memref<80x128xf32, #tpu.memory_space<hbm>>
    tpu.wait_dma2 semaphore(%arg22 : memref<!tpu.dma_semaphore, #tpu.memory_space<semaphore_mem>>) src(%dma_wait3A_48 : memref<80x128xf32, #tpu.memory_space<hbm>>) dst(%arg9 : memref<80x128xf32, #tpu.memory_space<vmem>>)
    %dma_start3A_49 = arith.constant 0 : i32
    %dma_start3A_50 = arith.constant 0 : i32
    %dma_start3A_51 = tpu.memref_slice %arg2[%dma_start3A_49, %dma_start3A_50] : memref<10000x128xf32, #tpu.memory_space<hbm>> -> memref<10000x128xf32, #tpu.memory_space<hbm>>
    tpu.enqueue_indirect_dma source(%dma_start3A_51 : memref<10000x128xf32, #tpu.memory_space<hbm>>) target(%arg9 : memref<80x128xf32, #tpu.memory_space<vmem>>) offsets(%arg10 : memref<80xi32, #tpu.memory_space<vmem>>) semaphore(%arg23 : memref<!tpu.dma_semaphore, #tpu.memory_space<semaphore_mem>>) {add = true}
    %mul3A_52 = arith.constant 10000 : i32
    %mul3A_53 = arith.muli %add3A, %mul3A_52 : i32
    %add3A_54 = arith.constant 80 : i32
    %add3A_55 = arith.addi %mul3A_53, %add3A_54 : i32
    %dma_wait3A_56 = tpu.memref_slice %arg5[%add3A_55] : memref<320000xi32, #tpu.memory_space<hbm>> -> memref<80xi32, #tpu.memory_space<hbm>>
    %dma_wait3A_57 = tpu.memref_slice %arg5[%add3A_55] : memref<320000xi32, #tpu.memory_space<hbm>> -> memref<80xi32, #tpu.memory_space<hbm>>
    tpu.wait_dma2 semaphore(%arg25 : memref<!tpu.dma_semaphore, #tpu.memory_space<semaphore_mem>>) src(%dma_wait3A_57 : memref<80xi32, #tpu.memory_space<hbm>>) dst(%arg13 : memref<80xi32, #tpu.memory_space<vmem>>)
    %dma_wait3A_58 = tpu.memref_slice %arg6[%add3A_55] : memref<320000xi32, #tpu.memory_space<hbm>> -> memref<80xi32, #tpu.memory_space<hbm>>
    %dma_wait3A_59 = tpu.memref_slice %arg6[%add3A_55] : memref<320000xi32, #tpu.memory_space<hbm>> -> memref<80xi32, #tpu.memory_space<hbm>>
    tpu.wait_dma2 semaphore(%arg25 : memref<!tpu.dma_semaphore, #tpu.memory_space<semaphore_mem>>) src(%dma_wait3A_59 : memref<80xi32, #tpu.memory_space<hbm>>) dst(%arg14 : memref<80xi32, #tpu.memory_space<vmem>>)
    %dma_wait3A_60 = arith.constant 0 : i32
    %dma_wait3A_61 = tpu.memref_slice %arg4[%add3A_55, %dma_wait3A_60] : memref<320000x128xf32, #tpu.memory_space<hbm>> -> memref<80x128xf32, #tpu.memory_space<hbm>>
    %dma_wait3A_62 = arith.constant 0 : i32
    %dma_wait3A_63 = tpu.memref_slice %arg4[%add3A_55, %dma_wait3A_62] : memref<320000x128xf32, #tpu.memory_space<hbm>> -> memref<80x128xf32, #tpu.memory_space<hbm>>
    tpu.wait_dma2 semaphore(%arg25 : memref<!tpu.dma_semaphore, #tpu.memory_space<semaphore_mem>>) src(%dma_wait3A_63 : memref<80x128xf32, #tpu.memory_space<hbm>>) dst(%arg12 : memref<80x128xf32, #tpu.memory_space<vmem>>)
    %dma_start3A_64 = arith.constant 0 : i32
    %dma_start3A_65 = arith.constant 0 : i32
    %dma_start3A_66 = tpu.memref_slice %arg2[%dma_start3A_64, %dma_start3A_65] : memref<10000x128xf32, #tpu.memory_space<hbm>> -> memref<10000x128xf32, #tpu.memory_space<hbm>>
    tpu.enqueue_indirect_dma source(%dma_start3A_66 : memref<10000x128xf32, #tpu.memory_space<hbm>>) target(%arg12 : memref<80x128xf32, #tpu.memory_space<vmem>>) offsets(%arg13 : memref<80xi32, #tpu.memory_space<vmem>>) semaphore(%arg26 : memref<!tpu.dma_semaphore, #tpu.memory_space<semaphore_mem>>) {add = true}
    %dma_wait3A_67 = arith.constant 0 : i32
    %dma_wait3A_68 = arith.constant 0 : i32
    %dma_wait3A_69 = tpu.memref_slice %arg2[%dma_wait3A_67, %dma_wait3A_68] : memref<10000x128xf32, #tpu.memory_space<hbm>> -> memref<10000x128xf32, #tpu.memory_space<hbm>>
    tpu.wait_indirect_dma semaphore(%arg23 : memref<!tpu.dma_semaphore, #tpu.memory_space<semaphore_mem>>) src(%dma_wait3A_69 : memref<10000x128xf32, #tpu.memory_space<hbm>>) dst(%arg9 : memref<80x128xf32, #tpu.memory_space<vmem>>)
    %dma_start3A_70 = arith.constant 0 : i32
    %dma_start3A_71 = arith.constant 0 : i32
    %dma_start3A_72 = tpu.memref_slice %arg3[%dma_start3A_70, %dma_start3A_71] : memref<10000x128xf32, #tpu.memory_space<hbm>> -> memref<10000x128xf32, #tpu.memory_space<hbm>>
    tpu.enqueue_indirect_dma source(%dma_start3A_72 : memref<10000x128xf32, #tpu.memory_space<hbm>>) target(%arg9 : memref<80x128xf32, #tpu.memory_space<vmem>>) offsets(%arg11 : memref<80xi32, #tpu.memory_space<vmem>>) semaphore(%arg23 : memref<!tpu.dma_semaphore, #tpu.memory_space<semaphore_mem>>) {add = true}
    %scan3A = arith.constant 0 : i32
    %scan3A_73 = arith.constant 0 : i32
    %scan3A_74 = arith.constant 125 : i32
    %scan3A_75 = arith.addi %scan3A_73, %scan3A_74 : i32
    %scan3A_76 = arith.constant 1 : i32
    scf.for %scan3A_91 = %scan3A_73 to %scan3A_75 step %scan3A_76  : i32 {
      %jit3A = arith.constant 4 : i32
      %eq3A_92 = arith.constant 0 : i32
      %eq3A_93 = arith.cmpi eq, %jit3A, %eq3A_92 : i32
      %jit3A_94 = arith.constant 1 : i32
      %select_n3A = arith.select %eq3A_93, %jit3A_94, %jit3A : i32
      %rem3A = arith.remsi %scan3A_91, %select_n3A : i32
      %ne3A = arith.constant 0 : i32
      %ne3A_95 = arith.cmpi ne, %rem3A, %ne3A : i32
      %lt3A_96 = arith.constant 0 : i32
      %lt3A_97 = arith.cmpi slt, %rem3A, %lt3A_96 : i32
      %lt3A_98 = arith.constant 0 : i32
      %lt3A_99 = arith.cmpi slt, %select_n3A, %lt3A_98 : i32
      %ne3A_100 = arith.xori %lt3A_97, %lt3A_99 : i1
      %and3A = arith.andi %ne3A_100, %ne3A_95 : i1
      %add3A_101 = arith.addi %rem3A, %select_n3A : i32
      %select_n3A_102 = arith.select %and3A, %add3A_101, %rem3A : i32
      %eq3A_103 = arith.constant 0 : i32
      %eq3A_104 = arith.cmpi eq, %select_n3A_102, %eq3A_103 : i32
      %convert_element_type3A_105 = arith.extui %eq3A_104 : i1 to i32
      %cond3A_106 = arith.constant 0 : i32
      %cond3A_107 = arith.cmpi ne, %convert_element_type3A_105, %cond3A_106 : i32
      scf.if %cond3A_107 {
        %dma_wait3A_171 = arith.constant 0 : i32
        %dma_wait3A_172 = arith.constant 0 : i32
        %dma_wait3A_173 = tpu.memref_slice %arg3[%dma_wait3A_171, %dma_wait3A_172] : memref<10000x128xf32, #tpu.memory_space<hbm>> -> memref<10000x128xf32, #tpu.memory_space<hbm>>
        tpu.wait_indirect_dma semaphore(%arg23 : memref<!tpu.dma_semaphore, #tpu.memory_space<semaphore_mem>>) src(%dma_wait3A_173 : memref<10000x128xf32, #tpu.memory_space<hbm>>) dst(%arg9 : memref<80x128xf32, #tpu.memory_space<vmem>>)
        %ge3A = arith.constant 1 : i32
        %ge3A_174 = arith.cmpi sge, %scan3A_91, %ge3A : i32
        %convert_element_type3A_175 = arith.extui %ge3A_174 : i1 to i32
        %cond3A_176 = arith.constant 0 : i32
        %cond3A_177 = arith.cmpi ne, %convert_element_type3A_175, %cond3A_176 : i32
        scf.if %cond3A_177 {
          %dma_wait3A_208 = arith.constant 0 : i32
          %dma_wait3A_209 = arith.constant 0 : i32
          %dma_wait3A_210 = tpu.memref_slice %arg21[%dma_wait3A_208, %dma_wait3A_209] : memref<10000x128xf32, #tpu.memory_space<vmem_shared>> -> memref<10000x128xf32, #tpu.memory_space<vmem_shared>>
          tpu.wait_indirect_dma semaphore(%arg33 : memref<!tpu.dma_semaphore, #tpu.memory_space<semaphore_mem>>) src(%arg18 : memref<80x128xf32, #tpu.memory_space<vmem>>) dst(%dma_wait3A_210 : memref<10000x128xf32, #tpu.memory_space<vmem_shared>>)
        } else {
        }
        %add3A_178 = arith.constant 3 : i32
        %add3A_179 = arith.addi %scan3A_91, %add3A_178 : i32
        %lt3A_180 = arith.constant 125 : i32
        %lt3A_181 = arith.cmpi slt, %add3A_179, %lt3A_180 : i32
        %convert_element_type3A_182 = arith.extui %lt3A_181 : i1 to i32
        %cond3A_183 = arith.constant 0 : i32
        %cond3A_184 = arith.cmpi ne, %convert_element_type3A_182, %cond3A_183 : i32
        scf.if %cond3A_184 {
          %add3A_208 = arith.constant 3 : i32
          %add3A_209 = arith.addi %scan3A_91, %add3A_208 : i32
          %mul3A_210 = arith.constant 10000 : i32
          %mul3A_211 = arith.muli %add3A, %mul3A_210 : i32
          %mul3A_212 = arith.constant 80 : i32
          %mul3A_213 = arith.muli %add3A_209, %mul3A_212 : i32
          %add3A_214 = arith.addi %mul3A_211, %mul3A_213 : i32
          %dma_start3A_215 = tpu.memref_slice %arg5[%add3A_214] : memref<320000xi32, #tpu.memory_space<hbm>> -> memref<80xi32, #tpu.memory_space<hbm>>
          %dma_start3A_216 = tpu.memref_slice %arg5[%add3A_214] : memref<320000xi32, #tpu.memory_space<hbm>> -> memref<80xi32, #tpu.memory_space<hbm>>
          tpu.enqueue_dma source(%dma_start3A_216 : memref<80xi32, #tpu.memory_space<hbm>>) target(%arg19 : memref<80xi32, #tpu.memory_space<vmem>>) target_semaphore(%arg31 : memref<!tpu.dma_semaphore, #tpu.memory_space<semaphore_mem>>)
          %dma_start3A_217 = tpu.memref_slice %arg6[%add3A_214] : memref<320000xi32, #tpu.memory_space<hbm>> -> memref<80xi32, #tpu.memory_space<hbm>>
          %dma_start3A_218 = tpu.memref_slice %arg6[%add3A_214] : memref<320000xi32, #tpu.memory_space<hbm>> -> memref<80xi32, #tpu.memory_space<hbm>>
          tpu.enqueue_dma source(%dma_start3A_218 : memref<80xi32, #tpu.memory_space<hbm>>) target(%arg20 : memref<80xi32, #tpu.memory_space<vmem>>) target_semaphore(%arg31 : memref<!tpu.dma_semaphore, #tpu.memory_space<semaphore_mem>>)
          %dma_start3A_219 = arith.constant 0 : i32
          %dma_start3A_220 = tpu.memref_slice %arg4[%add3A_214, %dma_start3A_219] : memref<320000x128xf32, #tpu.memory_space<hbm>> -> memref<80x128xf32, #tpu.memory_space<hbm>>
          %dma_start3A_221 = arith.constant 0 : i32
          %dma_start3A_222 = tpu.memref_slice %arg4[%add3A_214, %dma_start3A_221] : memref<320000x128xf32, #tpu.memory_space<hbm>> -> memref<80x128xf32, #tpu.memory_space<hbm>>
          tpu.enqueue_dma source(%dma_start3A_222 : memref<80x128xf32, #tpu.memory_space<hbm>>) target(%arg18 : memref<80x128xf32, #tpu.memory_space<vmem>>) target_semaphore(%arg31 : memref<!tpu.dma_semaphore, #tpu.memory_space<semaphore_mem>>)
        } else {
        }
        %add3A_185 = arith.constant 1 : i32
        %add3A_186 = arith.addi %scan3A_91, %add3A_185 : i32
        %lt3A_187 = arith.constant 125 : i32
        %lt3A_188 = arith.cmpi slt, %add3A_186, %lt3A_187 : i32
        %convert_element_type3A_189 = arith.extui %lt3A_188 : i1 to i32
        %cond3A_190 = arith.constant 0 : i32
        %cond3A_191 = arith.cmpi ne, %convert_element_type3A_189, %cond3A_190 : i32
        scf.if %cond3A_191 {
          %dma_wait3A_208 = arith.constant 0 : i32
          %dma_wait3A_209 = arith.constant 0 : i32
          %dma_wait3A_210 = tpu.memref_slice %arg2[%dma_wait3A_208, %dma_wait3A_209] : memref<10000x128xf32, #tpu.memory_space<hbm>> -> memref<10000x128xf32, #tpu.memory_space<hbm>>
          tpu.wait_indirect_dma semaphore(%arg26 : memref<!tpu.dma_semaphore, #tpu.memory_space<semaphore_mem>>) src(%dma_wait3A_210 : memref<10000x128xf32, #tpu.memory_space<hbm>>) dst(%arg12 : memref<80x128xf32, #tpu.memory_space<vmem>>)
          %dma_start3A_211 = arith.constant 0 : i32
          %dma_start3A_212 = arith.constant 0 : i32
          %dma_start3A_213 = tpu.memref_slice %arg3[%dma_start3A_211, %dma_start3A_212] : memref<10000x128xf32, #tpu.memory_space<hbm>> -> memref<10000x128xf32, #tpu.memory_space<hbm>>
          tpu.enqueue_indirect_dma source(%dma_start3A_213 : memref<10000x128xf32, #tpu.memory_space<hbm>>) target(%arg12 : memref<80x128xf32, #tpu.memory_space<vmem>>) offsets(%arg14 : memref<80xi32, #tpu.memory_space<vmem>>) semaphore(%arg26 : memref<!tpu.dma_semaphore, #tpu.memory_space<semaphore_mem>>) {add = true}
        } else {
        }
        %add3A_192 = arith.constant 2 : i32
        %add3A_193 = arith.addi %scan3A_91, %add3A_192 : i32
        %lt3A_194 = arith.constant 125 : i32
        %lt3A_195 = arith.cmpi slt, %add3A_193, %lt3A_194 : i32
        %convert_element_type3A_196 = arith.extui %lt3A_195 : i1 to i32
        %cond3A_197 = arith.constant 0 : i32
        %cond3A_198 = arith.cmpi ne, %convert_element_type3A_196, %cond3A_197 : i32
        scf.if %cond3A_198 {
          %add3A_208 = arith.constant 2 : i32
          %add3A_209 = arith.addi %scan3A_91, %add3A_208 : i32
          %mul3A_210 = arith.constant 10000 : i32
          %mul3A_211 = arith.muli %add3A, %mul3A_210 : i32
          %mul3A_212 = arith.constant 80 : i32
          %mul3A_213 = arith.muli %add3A_209, %mul3A_212 : i32
          %add3A_214 = arith.addi %mul3A_211, %mul3A_213 : i32
          %dma_wait3A_215 = tpu.memref_slice %arg5[%add3A_214] : memref<320000xi32, #tpu.memory_space<hbm>> -> memref<80xi32, #tpu.memory_space<hbm>>
          %dma_wait3A_216 = tpu.memref_slice %arg5[%add3A_214] : memref<320000xi32, #tpu.memory_space<hbm>> -> memref<80xi32, #tpu.memory_space<hbm>>
          tpu.wait_dma2 semaphore(%arg28 : memref<!tpu.dma_semaphore, #tpu.memory_space<semaphore_mem>>) src(%dma_wait3A_216 : memref<80xi32, #tpu.memory_space<hbm>>) dst(%arg16 : memref<80xi32, #tpu.memory_space<vmem>>)
          %dma_wait3A_217 = tpu.memref_slice %arg6[%add3A_214] : memref<320000xi32, #tpu.memory_space<hbm>> -> memref<80xi32, #tpu.memory_space<hbm>>
          %dma_wait3A_218 = tpu.memref_slice %arg6[%add3A_214] : memref<320000xi32, #tpu.memory_space<hbm>> -> memref<80xi32, #tpu.memory_space<hbm>>
          tpu.wait_dma2 semaphore(%arg28 : memref<!tpu.dma_semaphore, #tpu.memory_space<semaphore_mem>>) src(%dma_wait3A_218 : memref<80xi32, #tpu.memory_space<hbm>>) dst(%arg17 : memref<80xi32, #tpu.memory_space<vmem>>)
          %dma_wait3A_219 = arith.constant 0 : i32
          %dma_wait3A_220 = tpu.memref_slice %arg4[%add3A_214, %dma_wait3A_219] : memref<320000x128xf32, #tpu.memory_space<hbm>> -> memref<80x128xf32, #tpu.memory_space<hbm>>
          %dma_wait3A_221 = arith.constant 0 : i32
          %dma_wait3A_222 = tpu.memref_slice %arg4[%add3A_214, %dma_wait3A_221] : memref<320000x128xf32, #tpu.memory_space<hbm>> -> memref<80x128xf32, #tpu.memory_space<hbm>>
          tpu.wait_dma2 semaphore(%arg28 : memref<!tpu.dma_semaphore, #tpu.memory_space<semaphore_mem>>) src(%dma_wait3A_222 : memref<80x128xf32, #tpu.memory_space<hbm>>) dst(%arg15 : memref<80x128xf32, #tpu.memory_space<vmem>>)
          %dma_start3A_223 = arith.constant 0 : i32
          %dma_start3A_224 = arith.constant 0 : i32
          %dma_start3A_225 = tpu.memref_slice %arg2[%dma_start3A_223, %dma_start3A_224] : memref<10000x128xf32, #tpu.memory_space<hbm>> -> memref<10000x128xf32, #tpu.memory_space<hbm>>
          tpu.enqueue_indirect_dma source(%dma_start3A_225 : memref<10000x128xf32, #tpu.memory_space<hbm>>) target(%arg15 : memref<80x128xf32, #tpu.memory_space<vmem>>) offsets(%arg16 : memref<80xi32, #tpu.memory_space<vmem>>) semaphore(%arg29 : memref<!tpu.dma_semaphore, #tpu.memory_space<semaphore_mem>>) {add = true}
        } else {
        }
        %scan3A_199 = arith.constant 0 : i32
        %scan3A_200 = arith.constant 0 : i32
        %scan3A_201 = arith.constant 80 : i32
        %scan3A_202 = arith.addi %scan3A_200, %scan3A_201 : i32
        %scan3A_203 = arith.constant 1 : i32
        scf.for %scan3A_208 = %scan3A_200 to %scan3A_202 step %scan3A_203  : i32 {
          %get3A = arith.index_cast %scan3A_208 : i32 to index
          %get3A_209 = arith.constant 0 : index
          %get3A_210 = tpu.vector_load %arg9[%get3A, %get3A_209] {strides = array<i32>} : memref<80x128xf32, #tpu.memory_space<vmem>>, vector<1x16xf32>,
          %get3A_211 = vector.shape_cast %get3A_210 : vector<1x16xf32> to vector<16xf32>
          %max3A = arith.constant 0.000000e+00 : f32
          %max3A_212 = vector.broadcast %max3A : f32 to vector<16xf32>
          %max3A_213 = arith.maximumf %get3A_211, %max3A_212 : vector<16xf32>
          %swap3A = arith.index_cast %scan3A_208 : i32 to index
          %swap3A_214 = arith.constant 0 : index
          %swap3A_215 = tpu.vector_load %arg9[%swap3A, %swap3A_214] {strides = array<i32>} : memref<80x128xf32, #tpu.memory_space<vmem>>, vector<1x16xf32>,
          %swap3A_216 = vector.shape_cast %swap3A_215 : vector<1x16xf32> to vector<16xf32>
          %swap3A_217 = vector.shape_cast %max3A_213 : vector<16xf32> to vector<1x16xf32>
          tpu.vector_store %arg9[%swap3A, %swap3A_214], %swap3A_217 {strides = array<i32>} : memref<80x128xf32, #tpu.memory_space<vmem>>, vector<1x16xf32>,
          %get3A_218 = arith.index_cast %scan3A_208 : i32 to index
          %get3A_219 = arith.constant 16 : index
          %get3A_220 = tpu.vector_load %arg9[%get3A_218, %get3A_219] {strides = array<i32>} : memref<80x128xf32, #tpu.memory_space<vmem>>, vector<1x16xf32>,
          %get3A_221 = vector.shape_cast %get3A_220 : vector<1x16xf32> to vector<16xf32>
          %max3A_222 = arith.constant 0.000000e+00 : f32
          %max3A_223 = vector.broadcast %max3A_222 : f32 to vector<16xf32>
          %max3A_224 = arith.maximumf %get3A_221, %max3A_223 : vector<16xf32>
          %swap3A_225 = arith.index_cast %scan3A_208 : i32 to index
          %swap3A_226 = arith.constant 16 : index
          %swap3A_227 = tpu.vector_load %arg9[%swap3A_225, %swap3A_226] {strides = array<i32>} : memref<80x128xf32, #tpu.memory_space<vmem>>, vector<1x16xf32>,
          %swap3A_228 = vector.shape_cast %swap3A_227 : vector<1x16xf32> to vector<16xf32>
          %swap3A_229 = vector.shape_cast %max3A_224 : vector<16xf32> to vector<1x16xf32>
          tpu.vector_store %arg9[%swap3A_225, %swap3A_226], %swap3A_229 {strides = array<i32>} : memref<80x128xf32, #tpu.memory_space<vmem>>, vector<1x16xf32>,
          %get3A_230 = arith.index_cast %scan3A_208 : i32 to index
          %get3A_231 = arith.constant 32 : index
          %get3A_232 = tpu.vector_load %arg9[%get3A_230, %get3A_231] {strides = array<i32>} : memref<80x128xf32, #tpu.memory_space<vmem>>, vector<1x16xf32>,
          %get3A_233 = vector.shape_cast %get3A_232 : vector<1x16xf32> to vector<16xf32>
          %max3A_234 = arith.constant 0.000000e+00 : f32
          %max3A_235 = vector.broadcast %max3A_234 : f32 to vector<16xf32>
          %max3A_236 = arith.maximumf %get3A_233, %max3A_235 : vector<16xf32>
          %swap3A_237 = arith.index_cast %scan3A_208 : i32 to index
          %swap3A_238 = arith.constant 32 : index
          %swap3A_239 = tpu.vector_load %arg9[%swap3A_237, %swap3A_238] {strides = array<i32>} : memref<80x128xf32, #tpu.memory_space<vmem>>, vector<1x16xf32>,
          %swap3A_240 = vector.shape_cast %swap3A_239 : vector<1x16xf32> to vector<16xf32>
          %swap3A_241 = vector.shape_cast %max3A_236 : vector<16xf32> to vector<1x16xf32>
          tpu.vector_store %arg9[%swap3A_237, %swap3A_238], %swap3A_241 {strides = array<i32>} : memref<80x128xf32, #tpu.memory_space<vmem>>, vector<1x16xf32>,
          %get3A_242 = arith.index_cast %scan3A_208 : i32 to index
          %get3A_243 = arith.constant 48 : index
          %get3A_244 = tpu.vector_load %arg9[%get3A_242, %get3A_243] {strides = array<i32>} : memref<80x128xf32, #tpu.memory_space<vmem>>, vector<1x16xf32>,
          %get3A_245 = vector.shape_cast %get3A_244 : vector<1x16xf32> to vector<16xf32>
          %max3A_246 = arith.constant 0.000000e+00 : f32
          %max3A_247 = vector.broadcast %max3A_246 : f32 to vector<16xf32>
          %max3A_248 = arith.maximumf %get3A_245, %max3A_247 : vector<16xf32>
          %swap3A_249 = arith.index_cast %scan3A_208 : i32 to index
          %swap3A_250 = arith.constant 48 : index
          %swap3A_251 = tpu.vector_load %arg9[%swap3A_249, %swap3A_250] {strides = array<i32>} : memref<80x128xf32, #tpu.memory_space<vmem>>, vector<1x16xf32>,
          %swap3A_252 = vector.shape_cast %swap3A_251 : vector<1x16xf32> to vector<16xf32>
          %swap3A_253 = vector.shape_cast %max3A_248 : vector<16xf32> to vector<1x16xf32>
          tpu.vector_store %arg9[%swap3A_249, %swap3A_250], %swap3A_253 {strides = array<i32>} : memref<80x128xf32, #tpu.memory_space<vmem>>, vector<1x16xf32>,
          %get3A_254 = arith.index_cast %scan3A_208 : i32 to index
          %get3A_255 = arith.constant 64 : index
          %get3A_256 = tpu.vector_load %arg9[%get3A_254, %get3A_255] {strides = array<i32>} : memref<80x128xf32, #tpu.memory_space<vmem>>, vector<1x16xf32>,
          %get3A_257 = vector.shape_cast %get3A_256 : vector<1x16xf32> to vector<16xf32>
          %max3A_258 = arith.constant 0.000000e+00 : f32
          %max3A_259 = vector.broadcast %max3A_258 : f32 to vector<16xf32>
          %max3A_260 = arith.maximumf %get3A_257, %max3A_259 : vector<16xf32>
          %swap3A_261 = arith.index_cast %scan3A_208 : i32 to index
          %swap3A_262 = arith.constant 64 : index
          %swap3A_263 = tpu.vector_load %arg9[%swap3A_261, %swap3A_262] {strides = array<i32>} : memref<80x128xf32, #tpu.memory_space<vmem>>, vector<1x16xf32>,
          %swap3A_264 = vector.shape_cast %swap3A_263 : vector<1x16xf32> to vector<16xf32>
          %swap3A_265 = vector.shape_cast %max3A_260 : vector<16xf32> to vector<1x16xf32>
          tpu.vector_store %arg9[%swap3A_261, %swap3A_262], %swap3A_265 {strides = array<i32>} : memref<80x128xf32, #tpu.memory_space<vmem>>, vector<1x16xf32>,
          %get3A_266 = arith.index_cast %scan3A_208 : i32 to index
          %get3A_267 = arith.constant 80 : index
          %get3A_268 = tpu.vector_load %arg9[%get3A_266, %get3A_267] {strides = array<i32>} : memref<80x128xf32, #tpu.memory_space<vmem>>, vector<1x16xf32>,
          %get3A_269 = vector.shape_cast %get3A_268 : vector<1x16xf32> to vector<16xf32>
          %max3A_270 = arith.constant 0.000000e+00 : f32
          %max3A_271 = vector.broadcast %max3A_270 : f32 to vector<16xf32>
          %max3A_272 = arith.maximumf %get3A_269, %max3A_271 : vector<16xf32>
          %swap3A_273 = arith.index_cast %scan3A_208 : i32 to index
          %swap3A_274 = arith.constant 80 : index
          %swap3A_275 = tpu.vector_load %arg9[%swap3A_273, %swap3A_274] {strides = array<i32>} : memref<80x128xf32, #tpu.memory_space<vmem>>, vector<1x16xf32>,
          %swap3A_276 = vector.shape_cast %swap3A_275 : vector<1x16xf32> to vector<16xf32>
          %swap3A_277 = vector.shape_cast %max3A_272 : vector<16xf32> to vector<1x16xf32>
          tpu.vector_store %arg9[%swap3A_273, %swap3A_274], %swap3A_277 {strides = array<i32>} : memref<80x128xf32, #tpu.memory_space<vmem>>, vector<1x16xf32>,
          %get3A_278 = arith.index_cast %scan3A_208 : i32 to index
          %get3A_279 = arith.constant 96 : index
          %get3A_280 = tpu.vector_load %arg9[%get3A_278, %get3A_279] {strides = array<i32>} : memref<80x128xf32, #tpu.memory_space<vmem>>, vector<1x16xf32>,
          %get3A_281 = vector.shape_cast %get3A_280 : vector<1x16xf32> to vector<16xf32>
          %max3A_282 = arith.constant 0.000000e+00 : f32
          %max3A_283 = vector.broadcast %max3A_282 : f32 to vector<16xf32>
          %max3A_284 = arith.maximumf %get3A_281, %max3A_283 : vector<16xf32>
          %swap3A_285 = arith.index_cast %scan3A_208 : i32 to index
          %swap3A_286 = arith.constant 96 : index
          %swap3A_287 = tpu.vector_load %arg9[%swap3A_285, %swap3A_286] {strides = array<i32>} : memref<80x128xf32, #tpu.memory_space<vmem>>, vector<1x16xf32>,
          %swap3A_288 = vector.shape_cast %swap3A_287 : vector<1x16xf32> to vector<16xf32>
          %swap3A_289 = vector.shape_cast %max3A_284 : vector<16xf32> to vector<1x16xf32>
          tpu.vector_store %arg9[%swap3A_285, %swap3A_286], %swap3A_289 {strides = array<i32>} : memref<80x128xf32, #tpu.memory_space<vmem>>, vector<1x16xf32>,
          %get3A_290 = arith.index_cast %scan3A_208 : i32 to index
          %get3A_291 = arith.constant 112 : index
          %get3A_292 = tpu.vector_load %arg9[%get3A_290, %get3A_291] {strides = array<i32>} : memref<80x128xf32, #tpu.memory_space<vmem>>, vector<1x16xf32>,
          %get3A_293 = vector.shape_cast %get3A_292 : vector<1x16xf32> to vector<16xf32>
          %max3A_294 = arith.constant 0.000000e+00 : f32
          %max3A_295 = vector.broadcast %max3A_294 : f32 to vector<16xf32>
          %max3A_296 = arith.maximumf %get3A_293, %max3A_295 : vector<16xf32>
          %swap3A_297 = arith.index_cast %scan3A_208 : i32 to index
          %swap3A_298 = arith.constant 112 : index
          %swap3A_299 = tpu.vector_load %arg9[%swap3A_297, %swap3A_298] {strides = array<i32>} : memref<80x128xf32, #tpu.memory_space<vmem>>, vector<1x16xf32>,
          %swap3A_300 = vector.shape_cast %swap3A_299 : vector<1x16xf32> to vector<16xf32>
          %swap3A_301 = vector.shape_cast %max3A_296 : vector<16xf32> to vector<1x16xf32>
          tpu.vector_store %arg9[%swap3A_297, %swap3A_298], %swap3A_301 {strides = array<i32>} : memref<80x128xf32, #tpu.memory_space<vmem>>, vector<1x16xf32>,
        }
        %scan3A_204 = arith.constant 80 : i32
        %dma_start3A_205 = arith.constant 0 : i32
        %dma_start3A_206 = arith.constant 0 : i32
        %dma_start3A_207 = tpu.memref_slice %arg21[%dma_start3A_205, %dma_start3A_206] : memref<10000x128xf32, #tpu.memory_space<vmem_shared>> -> memref<10000x128xf32, #tpu.memory_space<vmem_shared>>
        tpu.enqueue_indirect_dma source(%arg9 : memref<80x128xf32, #tpu.memory_space<vmem>>) target(%dma_start3A_207 : memref<10000x128xf32, #tpu.memory_space<vmem_shared>>) offsets(%arg11 : memref<80xi32, #tpu.memory_space<vmem>>) semaphore(%arg24 : memref<!tpu.dma_semaphore, #tpu.memory_space<semaphore_mem>>) {add = true}
      } else {
      }
      %jit3A_108 = arith.constant 4 : i32
      %eq3A_109 = arith.constant 0 : i32
      %eq3A_110 = arith.cmpi eq, %jit3A_108, %eq3A_109 : i32
      %jit3A_111 = arith.constant 1 : i32
      %select_n3A_112 = arith.select %eq3A_110, %jit3A_111, %jit3A_108 : i32
      %rem3A_113 = arith.remsi %scan3A_91, %select_n3A_112 : i32
      %ne3A_114 = arith.constant 0 : i32
      %ne3A_115 = arith.cmpi ne, %rem3A_113, %ne3A_114 : i32
      %lt3A_116 = arith.constant 0 : i32
      %lt3A_117 = arith.cmpi slt, %rem3A_113, %lt3A_116 : i32
      %lt3A_118 = arith.constant 0 : i32
      %lt3A_119 = arith.cmpi slt, %select_n3A_112, %lt3A_118 : i32
      %ne3A_120 = arith.xori %lt3A_117, %lt3A_119 : i1
      %and3A_121 = arith.andi %ne3A_120, %ne3A_115 : i1
      %add3A_122 = arith.addi %rem3A_113, %select_n3A_112 : i32
      %select_n3A_123 = arith.select %and3A_121, %add3A_122, %rem3A_113 : i32
      %eq3A_124 = arith.constant 1 : i32
      %eq3A_125 = arith.cmpi eq, %select_n3A_123, %eq3A_124 : i32
      %convert_element_type3A_126 = arith.extui %eq3A_125 : i1 to i32
      %cond3A_127 = arith.constant 0 : i32
      %cond3A_128 = arith.cmpi ne, %convert_element_type3A_126, %cond3A_127 : i32
      scf.if %cond3A_128 {
        %dma_wait3A_171 = arith.constant 0 : i32
        %dma_wait3A_172 = arith.constant 0 : i32
        %dma_wait3A_173 = tpu.memref_slice %arg3[%dma_wait3A_171, %dma_wait3A_172] : memref<10000x128xf32, #tpu.memory_space<hbm>> -> memref<10000x128xf32, #tpu.memory_space<hbm>>
        tpu.wait_indirect_dma semaphore(%arg26 : memref<!tpu.dma_semaphore, #tpu.memory_space<semaphore_mem>>) src(%dma_wait3A_173 : memref<10000x128xf32, #tpu.memory_space<hbm>>) dst(%arg12 : memref<80x128xf32, #tpu.memory_space<vmem>>)
        %ge3A = arith.constant 1 : i32
        %ge3A_174 = arith.cmpi sge, %scan3A_91, %ge3A : i32
        %convert_element_type3A_175 = arith.extui %ge3A_174 : i1 to i32
        %cond3A_176 = arith.constant 0 : i32
        %cond3A_177 = arith.cmpi ne, %convert_element_type3A_175, %cond3A_176 : i32
        scf.if %cond3A_177 {
          %dma_wait3A_208 = arith.constant 0 : i32
          %dma_wait3A_209 = arith.constant 0 : i32
          %dma_wait3A_210 = tpu.memref_slice %arg21[%dma_wait3A_208, %dma_wait3A_209] : memref<10000x128xf32, #tpu.memory_space<vmem_shared>> -> memref<10000x128xf32, #tpu.memory_space<vmem_shared>>
          tpu.wait_indirect_dma semaphore(%arg24 : memref<!tpu.dma_semaphore, #tpu.memory_space<semaphore_mem>>) src(%arg9 : memref<80x128xf32, #tpu.memory_space<vmem>>) dst(%dma_wait3A_210 : memref<10000x128xf32, #tpu.memory_space<vmem_shared>>)
        } else {
        }
        %add3A_178 = arith.constant 3 : i32
        %add3A_179 = arith.addi %scan3A_91, %add3A_178 : i32
        %lt3A_180 = arith.constant 125 : i32
        %lt3A_181 = arith.cmpi slt, %add3A_179, %lt3A_180 : i32
        %convert_element_type3A_182 = arith.extui %lt3A_181 : i1 to i32
        %cond3A_183 = arith.constant 0 : i32
        %cond3A_184 = arith.cmpi ne, %convert_element_type3A_182, %cond3A_183 : i32
        scf.if %cond3A_184 {
          %add3A_208 = arith.constant 3 : i32
          %add3A_209 = arith.addi %scan3A_91, %add3A_208 : i32
          %mul3A_210 = arith.constant 10000 : i32
          %mul3A_211 = arith.muli %add3A, %mul3A_210 : i32
          %mul3A_212 = arith.constant 80 : i32
          %mul3A_213 = arith.muli %add3A_209, %mul3A_212 : i32
          %add3A_214 = arith.addi %mul3A_211, %mul3A_213 : i32
          %dma_start3A_215 = tpu.memref_slice %arg5[%add3A_214] : memref<320000xi32, #tpu.memory_space<hbm>> -> memref<80xi32, #tpu.memory_space<hbm>>
          %dma_start3A_216 = tpu.memref_slice %arg5[%add3A_214] : memref<320000xi32, #tpu.memory_space<hbm>> -> memref<80xi32, #tpu.memory_space<hbm>>
          tpu.enqueue_dma source(%dma_start3A_216 : memref<80xi32, #tpu.memory_space<hbm>>) target(%arg10 : memref<80xi32, #tpu.memory_space<vmem>>) target_semaphore(%arg22 : memref<!tpu.dma_semaphore, #tpu.memory_space<semaphore_mem>>)
          %dma_start3A_217 = tpu.memref_slice %arg6[%add3A_214] : memref<320000xi32, #tpu.memory_space<hbm>> -> memref<80xi32, #tpu.memory_space<hbm>>
          %dma_start3A_218 = tpu.memref_slice %arg6[%add3A_214] : memref<320000xi32, #tpu.memory_space<hbm>> -> memref<80xi32, #tpu.memory_space<hbm>>
          tpu.enqueue_dma source(%dma_start3A_218 : memref<80xi32, #tpu.memory_space<hbm>>) target(%arg11 : memref<80xi32, #tpu.memory_space<vmem>>) target_semaphore(%arg22 : memref<!tpu.dma_semaphore, #tpu.memory_space<semaphore_mem>>)
          %dma_start3A_219 = arith.constant 0 : i32
          %dma_start3A_220 = tpu.memref_slice %arg4[%add3A_214, %dma_start3A_219] : memref<320000x128xf32, #tpu.memory_space<hbm>> -> memref<80x128xf32, #tpu.memory_space<hbm>>
          %dma_start3A_221 = arith.constant 0 : i32
          %dma_start3A_222 = tpu.memref_slice %arg4[%add3A_214, %dma_start3A_221] : memref<320000x128xf32, #tpu.memory_space<hbm>> -> memref<80x128xf32, #tpu.memory_space<hbm>>
          tpu.enqueue_dma source(%dma_start3A_222 : memref<80x128xf32, #tpu.memory_space<hbm>>) target(%arg9 : memref<80x128xf32, #tpu.memory_space<vmem>>) target_semaphore(%arg22 : memref<!tpu.dma_semaphore, #tpu.memory_space<semaphore_mem>>)
        } else {
        }
        %add3A_185 = arith.constant 1 : i32
        %add3A_186 = arith.addi %scan3A_91, %add3A_185 : i32
        %lt3A_187 = arith.constant 125 : i32
        %lt3A_188 = arith.cmpi slt, %add3A_186, %lt3A_187 : i32
        %convert_element_type3A_189 = arith.extui %lt3A_188 : i1 to i32
        %cond3A_190 = arith.constant 0 : i32
        %cond3A_191 = arith.cmpi ne, %convert_element_type3A_189, %cond3A_190 : i32
        scf.if %cond3A_191 {
          %dma_wait3A_208 = arith.constant 0 : i32
          %dma_wait3A_209 = arith.constant 0 : i32
          %dma_wait3A_210 = tpu.memref_slice %arg2[%dma_wait3A_208, %dma_wait3A_209] : memref<10000x128xf32, #tpu.memory_space<hbm>> -> memref<10000x128xf32, #tpu.memory_space<hbm>>
          tpu.wait_indirect_dma semaphore(%arg29 : memref<!tpu.dma_semaphore, #tpu.memory_space<semaphore_mem>>) src(%dma_wait3A_210 : memref<10000x128xf32, #tpu.memory_space<hbm>>) dst(%arg15 : memref<80x128xf32, #tpu.memory_space<vmem>>)
          %dma_start3A_211 = arith.constant 0 : i32
          %dma_start3A_212 = arith.constant 0 : i32
          %dma_start3A_213 = tpu.memref_slice %arg3[%dma_start3A_211, %dma_start3A_212] : memref<10000x128xf32, #tpu.memory_space<hbm>> -> memref<10000x128xf32, #tpu.memory_space<hbm>>
          tpu.enqueue_indirect_dma source(%dma_start3A_213 : memref<10000x128xf32, #tpu.memory_space<hbm>>) target(%arg15 : memref<80x128xf32, #tpu.memory_space<vmem>>) offsets(%arg17 : memref<80xi32, #tpu.memory_space<vmem>>) semaphore(%arg29 : memref<!tpu.dma_semaphore, #tpu.memory_space<semaphore_mem>>) {add = true}
        } else {
        }
        %add3A_192 = arith.constant 2 : i32
        %add3A_193 = arith.addi %scan3A_91, %add3A_192 : i32
        %lt3A_194 = arith.constant 125 : i32
        %lt3A_195 = arith.cmpi slt, %add3A_193, %lt3A_194 : i32
        %convert_element_type3A_196 = arith.extui %lt3A_195 : i1 to i32
        %cond3A_197 = arith.constant 0 : i32
        %cond3A_198 = arith.cmpi ne, %convert_element_type3A_196, %cond3A_197 : i32
        scf.if %cond3A_198 {
          %add3A_208 = arith.constant 2 : i32
          %add3A_209 = arith.addi %scan3A_91, %add3A_208 : i32
          %mul3A_210 = arith.constant 10000 : i32
          %mul3A_211 = arith.muli %add3A, %mul3A_210 : i32
          %mul3A_212 = arith.constant 80 : i32
          %mul3A_213 = arith.muli %add3A_209, %mul3A_212 : i32
          %add3A_214 = arith.addi %mul3A_211, %mul3A_213 : i32
          %dma_wait3A_215 = tpu.memref_slice %arg5[%add3A_214] : memref<320000xi32, #tpu.memory_space<hbm>> -> memref<80xi32, #tpu.memory_space<hbm>>
          %dma_wait3A_216 = tpu.memref_slice %arg5[%add3A_214] : memref<320000xi32, #tpu.memory_space<hbm>> -> memref<80xi32, #tpu.memory_space<hbm>>
          tpu.wait_dma2 semaphore(%arg31 : memref<!tpu.dma_semaphore, #tpu.memory_space<semaphore_mem>>) src(%dma_wait3A_216 : memref<80xi32, #tpu.memory_space<hbm>>) dst(%arg19 : memref<80xi32, #tpu.memory_space<vmem>>)
          %dma_wait3A_217 = tpu.memref_slice %arg6[%add3A_214] : memref<320000xi32, #tpu.memory_space<hbm>> -> memref<80xi32, #tpu.memory_space<hbm>>
          %dma_wait3A_218 = tpu.memref_slice %arg6[%add3A_214] : memref<320000xi32, #tpu.memory_space<hbm>> -> memref<80xi32, #tpu.memory_space<hbm>>
          tpu.wait_dma2 semaphore(%arg31 : memref<!tpu.dma_semaphore, #tpu.memory_space<semaphore_mem>>) src(%dma_wait3A_218 : memref<80xi32, #tpu.memory_space<hbm>>) dst(%arg20 : memref<80xi32, #tpu.memory_space<vmem>>)
          %dma_wait3A_219 = arith.constant 0 : i32
          %dma_wait3A_220 = tpu.memref_slice %arg4[%add3A_214, %dma_wait3A_219] : memref<320000x128xf32, #tpu.memory_space<hbm>> -> memref<80x128xf32, #tpu.memory_space<hbm>>
          %dma_wait3A_221 = arith.constant 0 : i32
          %dma_wait3A_222 = tpu.memref_slice %arg4[%add3A_214, %dma_wait3A_221] : memref<320000x128xf32, #tpu.memory_space<hbm>> -> memref<80x128xf32, #tpu.memory_space<hbm>>
          tpu.wait_dma2 semaphore(%arg31 : memref<!tpu.dma_semaphore, #tpu.memory_space<semaphore_mem>>) src(%dma_wait3A_222 : memref<80x128xf32, #tpu.memory_space<hbm>>) dst(%arg18 : memref<80x128xf32, #tpu.memory_space<vmem>>)
          %dma_start3A_223 = arith.constant 0 : i32
          %dma_start3A_224 = arith.constant 0 : i32
          %dma_start3A_225 = tpu.memref_slice %arg2[%dma_start3A_223, %dma_start3A_224] : memref<10000x128xf32, #tpu.memory_space<hbm>> -> memref<10000x128xf32, #tpu.memory_space<hbm>>
          tpu.enqueue_indirect_dma source(%dma_start3A_225 : memref<10000x128xf32, #tpu.memory_space<hbm>>) target(%arg18 : memref<80x128xf32, #tpu.memory_space<vmem>>) offsets(%arg19 : memref<80xi32, #tpu.memory_space<vmem>>) semaphore(%arg32 : memref<!tpu.dma_semaphore, #tpu.memory_space<semaphore_mem>>) {add = true}
        } else {
        }
        %scan3A_199 = arith.constant 0 : i32
        %scan3A_200 = arith.constant 0 : i32
        %scan3A_201 = arith.constant 80 : i32
        %scan3A_202 = arith.addi %scan3A_200, %scan3A_201 : i32
        %scan3A_203 = arith.constant 1 : i32
        scf.for %scan3A_208 = %scan3A_200 to %scan3A_202 step %scan3A_203  : i32 {
          %get3A = arith.index_cast %scan3A_208 : i32 to index
          %get3A_209 = arith.constant 0 : index
          %get3A_210 = tpu.vector_load %arg12[%get3A, %get3A_209] {strides = array<i32>} : memref<80x128xf32, #tpu.memory_space<vmem>>, vector<1x16xf32>,
          %get3A_211 = vector.shape_cast %get3A_210 : vector<1x16xf32> to vector<16xf32>
          %max3A = arith.constant 0.000000e+00 : f32
          %max3A_212 = vector.broadcast %max3A : f32 to vector<16xf32>
          %max3A_213 = arith.maximumf %get3A_211, %max3A_212 : vector<16xf32>
          %swap3A = arith.index_cast %scan3A_208 : i32 to index
          %swap3A_214 = arith.constant 0 : index
          %swap3A_215 = tpu.vector_load %arg12[%swap3A, %swap3A_214] {strides = array<i32>} : memref<80x128xf32, #tpu.memory_space<vmem>>, vector<1x16xf32>,
          %swap3A_216 = vector.shape_cast %swap3A_215 : vector<1x16xf32> to vector<16xf32>
          %swap3A_217 = vector.shape_cast %max3A_213 : vector<16xf32> to vector<1x16xf32>
          tpu.vector_store %arg12[%swap3A, %swap3A_214], %swap3A_217 {strides = array<i32>} : memref<80x128xf32, #tpu.memory_space<vmem>>, vector<1x16xf32>,
          %get3A_218 = arith.index_cast %scan3A_208 : i32 to index
          %get3A_219 = arith.constant 16 : index
          %get3A_220 = tpu.vector_load %arg12[%get3A_218, %get3A_219] {strides = array<i32>} : memref<80x128xf32, #tpu.memory_space<vmem>>, vector<1x16xf32>,
          %get3A_221 = vector.shape_cast %get3A_220 : vector<1x16xf32> to vector<16xf32>
          %max3A_222 = arith.constant 0.000000e+00 : f32
          %max3A_223 = vector.broadcast %max3A_222 : f32 to vector<16xf32>
          %max3A_224 = arith.maximumf %get3A_221, %max3A_223 : vector<16xf32>
          %swap3A_225 = arith.index_cast %scan3A_208 : i32 to index
          %swap3A_226 = arith.constant 16 : index
          %swap3A_227 = tpu.vector_load %arg12[%swap3A_225, %swap3A_226] {strides = array<i32>} : memref<80x128xf32, #tpu.memory_space<vmem>>, vector<1x16xf32>,
          %swap3A_228 = vector.shape_cast %swap3A_227 : vector<1x16xf32> to vector<16xf32>
          %swap3A_229 = vector.shape_cast %max3A_224 : vector<16xf32> to vector<1x16xf32>
          tpu.vector_store %arg12[%swap3A_225, %swap3A_226], %swap3A_229 {strides = array<i32>} : memref<80x128xf32, #tpu.memory_space<vmem>>, vector<1x16xf32>,
          %get3A_230 = arith.index_cast %scan3A_208 : i32 to index
          %get3A_231 = arith.constant 32 : index
          %get3A_232 = tpu.vector_load %arg12[%get3A_230, %get3A_231] {strides = array<i32>} : memref<80x128xf32, #tpu.memory_space<vmem>>, vector<1x16xf32>,
          %get3A_233 = vector.shape_cast %get3A_232 : vector<1x16xf32> to vector<16xf32>
          %max3A_234 = arith.constant 0.000000e+00 : f32
          %max3A_235 = vector.broadcast %max3A_234 : f32 to vector<16xf32>
          %max3A_236 = arith.maximumf %get3A_233, %max3A_235 : vector<16xf32>
          %swap3A_237 = arith.index_cast %scan3A_208 : i32 to index
          %swap3A_238 = arith.constant 32 : index
          %swap3A_239 = tpu.vector_load %arg12[%swap3A_237, %swap3A_238] {strides = array<i32>} : memref<80x128xf32, #tpu.memory_space<vmem>>, vector<1x16xf32>,
          %swap3A_240 = vector.shape_cast %swap3A_239 : vector<1x16xf32> to vector<16xf32>
          %swap3A_241 = vector.shape_cast %max3A_236 : vector<16xf32> to vector<1x16xf32>
          tpu.vector_store %arg12[%swap3A_237, %swap3A_238], %swap3A_241 {strides = array<i32>} : memref<80x128xf32, #tpu.memory_space<vmem>>, vector<1x16xf32>,
          %get3A_242 = arith.index_cast %scan3A_208 : i32 to index
          %get3A_243 = arith.constant 48 : index
          %get3A_244 = tpu.vector_load %arg12[%get3A_242, %get3A_243] {strides = array<i32>} : memref<80x128xf32, #tpu.memory_space<vmem>>, vector<1x16xf32>,
          %get3A_245 = vector.shape_cast %get3A_244 : vector<1x16xf32> to vector<16xf32>
          %max3A_246 = arith.constant 0.000000e+00 : f32
          %max3A_247 = vector.broadcast %max3A_246 : f32 to vector<16xf32>
          %max3A_248 = arith.maximumf %get3A_245, %max3A_247 : vector<16xf32>
          %swap3A_249 = arith.index_cast %scan3A_208 : i32 to index
          %swap3A_250 = arith.constant 48 : index
          %swap3A_251 = tpu.vector_load %arg12[%swap3A_249, %swap3A_250] {strides = array<i32>} : memref<80x128xf32, #tpu.memory_space<vmem>>, vector<1x16xf32>,
          %swap3A_252 = vector.shape_cast %swap3A_251 : vector<1x16xf32> to vector<16xf32>
          %swap3A_253 = vector.shape_cast %max3A_248 : vector<16xf32> to vector<1x16xf32>
          tpu.vector_store %arg12[%swap3A_249, %swap3A_250], %swap3A_253 {strides = array<i32>} : memref<80x128xf32, #tpu.memory_space<vmem>>, vector<1x16xf32>,
          %get3A_254 = arith.index_cast %scan3A_208 : i32 to index
          %get3A_255 = arith.constant 64 : index
          %get3A_256 = tpu.vector_load %arg12[%get3A_254, %get3A_255] {strides = array<i32>} : memref<80x128xf32, #tpu.memory_space<vmem>>, vector<1x16xf32>,
          %get3A_257 = vector.shape_cast %get3A_256 : vector<1x16xf32> to vector<16xf32>
          %max3A_258 = arith.constant 0.000000e+00 : f32
          %max3A_259 = vector.broadcast %max3A_258 : f32 to vector<16xf32>
          %max3A_260 = arith.maximumf %get3A_257, %max3A_259 : vector<16xf32>
          %swap3A_261 = arith.index_cast %scan3A_208 : i32 to index
          %swap3A_262 = arith.constant 64 : index
          %swap3A_263 = tpu.vector_load %arg12[%swap3A_261, %swap3A_262] {strides = array<i32>} : memref<80x128xf32, #tpu.memory_space<vmem>>, vector<1x16xf32>,
          %swap3A_264 = vector.shape_cast %swap3A_263 : vector<1x16xf32> to vector<16xf32>
          %swap3A_265 = vector.shape_cast %max3A_260 : vector<16xf32> to vector<1x16xf32>
          tpu.vector_store %arg12[%swap3A_261, %swap3A_262], %swap3A_265 {strides = array<i32>} : memref<80x128xf32, #tpu.memory_space<vmem>>, vector<1x16xf32>,
          %get3A_266 = arith.index_cast %scan3A_208 : i32 to index
          %get3A_267 = arith.constant 80 : index
          %get3A_268 = tpu.vector_load %arg12[%get3A_266, %get3A_267] {strides = array<i32>} : memref<80x128xf32, #tpu.memory_space<vmem>>, vector<1x16xf32>,
          %get3A_269 = vector.shape_cast %get3A_268 : vector<1x16xf32> to vector<16xf32>
          %max3A_270 = arith.constant 0.000000e+00 : f32
          %max3A_271 = vector.broadcast %max3A_270 : f32 to vector<16xf32>
          %max3A_272 = arith.maximumf %get3A_269, %max3A_271 : vector<16xf32>
          %swap3A_273 = arith.index_cast %scan3A_208 : i32 to index
          %swap3A_274 = arith.constant 80 : index
          %swap3A_275 = tpu.vector_load %arg12[%swap3A_273, %swap3A_274] {strides = array<i32>} : memref<80x128xf32, #tpu.memory_space<vmem>>, vector<1x16xf32>,
          %swap3A_276 = vector.shape_cast %swap3A_275 : vector<1x16xf32> to vector<16xf32>
          %swap3A_277 = vector.shape_cast %max3A_272 : vector<16xf32> to vector<1x16xf32>
          tpu.vector_store %arg12[%swap3A_273, %swap3A_274], %swap3A_277 {strides = array<i32>} : memref<80x128xf32, #tpu.memory_space<vmem>>, vector<1x16xf32>,
          %get3A_278 = arith.index_cast %scan3A_208 : i32 to index
          %get3A_279 = arith.constant 96 : index
          %get3A_280 = tpu.vector_load %arg12[%get3A_278, %get3A_279] {strides = array<i32>} : memref<80x128xf32, #tpu.memory_space<vmem>>, vector<1x16xf32>,
          %get3A_281 = vector.shape_cast %get3A_280 : vector<1x16xf32> to vector<16xf32>
          %max3A_282 = arith.constant 0.000000e+00 : f32
          %max3A_283 = vector.broadcast %max3A_282 : f32 to vector<16xf32>
          %max3A_284 = arith.maximumf %get3A_281, %max3A_283 : vector<16xf32>
          %swap3A_285 = arith.index_cast %scan3A_208 : i32 to index
          %swap3A_286 = arith.constant 96 : index
          %swap3A_287 = tpu.vector_load %arg12[%swap3A_285, %swap3A_286] {strides = array<i32>} : memref<80x128xf32, #tpu.memory_space<vmem>>, vector<1x16xf32>,
          %swap3A_288 = vector.shape_cast %swap3A_287 : vector<1x16xf32> to vector<16xf32>
          %swap3A_289 = vector.shape_cast %max3A_284 : vector<16xf32> to vector<1x16xf32>
          tpu.vector_store %arg12[%swap3A_285, %swap3A_286], %swap3A_289 {strides = array<i32>} : memref<80x128xf32, #tpu.memory_space<vmem>>, vector<1x16xf32>,
          %get3A_290 = arith.index_cast %scan3A_208 : i32 to index
          %get3A_291 = arith.constant 112 : index
          %get3A_292 = tpu.vector_load %arg12[%get3A_290, %get3A_291] {strides = array<i32>} : memref<80x128xf32, #tpu.memory_space<vmem>>, vector<1x16xf32>,
          %get3A_293 = vector.shape_cast %get3A_292 : vector<1x16xf32> to vector<16xf32>
          %max3A_294 = arith.constant 0.000000e+00 : f32
          %max3A_295 = vector.broadcast %max3A_294 : f32 to vector<16xf32>
          %max3A_296 = arith.maximumf %get3A_293, %max3A_295 : vector<16xf32>
          %swap3A_297 = arith.index_cast %scan3A_208 : i32 to index
          %swap3A_298 = arith.constant 112 : index
          %swap3A_299 = tpu.vector_load %arg12[%swap3A_297, %swap3A_298] {strides = array<i32>} : memref<80x128xf32, #tpu.memory_space<vmem>>, vector<1x16xf32>,
          %swap3A_300 = vector.shape_cast %swap3A_299 : vector<1x16xf32> to vector<16xf32>
          %swap3A_301 = vector.shape_cast %max3A_296 : vector<16xf32> to vector<1x16xf32>
          tpu.vector_store %arg12[%swap3A_297, %swap3A_298], %swap3A_301 {strides = array<i32>} : memref<80x128xf32, #tpu.memory_space<vmem>>, vector<1x16xf32>,
        }
        %scan3A_204 = arith.constant 80 : i32
        %dma_start3A_205 = arith.constant 0 : i32
        %dma_start3A_206 = arith.constant 0 : i32
        %dma_start3A_207 = tpu.memref_slice %arg21[%dma_start3A_205, %dma_start3A_206] : memref<10000x128xf32, #tpu.memory_space<vmem_shared>> -> memref<10000x128xf32, #tpu.memory_space<vmem_shared>>
        tpu.enqueue_indirect_dma source(%arg12 : memref<80x128xf32, #tpu.memory_space<vmem>>) target(%dma_start3A_207 : memref<10000x128xf32, #tpu.memory_space<vmem_shared>>) offsets(%arg14 : memref<80xi32, #tpu.memory_space<vmem>>) semaphore(%arg27 : memref<!tpu.dma_semaphore, #tpu.memory_space<semaphore_mem>>) {add = true}
      } else {
      }
      %jit3A_129 = arith.constant 4 : i32
      %eq3A_130 = arith.constant 0 : i32
      %eq3A_131 = arith.cmpi eq, %jit3A_129, %eq3A_130 : i32
      %jit3A_132 = arith.constant 1 : i32
      %select_n3A_133 = arith.select %eq3A_131, %jit3A_132, %jit3A_129 : i32
      %rem3A_134 = arith.remsi %scan3A_91, %select_n3A_133 : i32
      %ne3A_135 = arith.constant 0 : i32
      %ne3A_136 = arith.cmpi ne, %rem3A_134, %ne3A_135 : i32
      %lt3A_137 = arith.constant 0 : i32
      %lt3A_138 = arith.cmpi slt, %rem3A_134, %lt3A_137 : i32
      %lt3A_139 = arith.constant 0 : i32
      %lt3A_140 = arith.cmpi slt, %select_n3A_133, %lt3A_139 : i32
      %ne3A_141 = arith.xori %lt3A_138, %lt3A_140 : i1
      %and3A_142 = arith.andi %ne3A_141, %ne3A_136 : i1
      %add3A_143 = arith.addi %rem3A_134, %select_n3A_133 : i32
      %select_n3A_144 = arith.select %and3A_142, %add3A_143, %rem3A_134 : i32
      %eq3A_145 = arith.constant 2 : i32
      %eq3A_146 = arith.cmpi eq, %select_n3A_144, %eq3A_145 : i32
      %convert_element_type3A_147 = arith.extui %eq3A_146 : i1 to i32
      %cond3A_148 = arith.constant 0 : i32
      %cond3A_149 = arith.cmpi ne, %convert_element_type3A_147, %cond3A_148 : i32
      scf.if %cond3A_149 {
        %dma_wait3A_171 = arith.constant 0 : i32
        %dma_wait3A_172 = arith.constant 0 : i32
        %dma_wait3A_173 = tpu.memref_slice %arg3[%dma_wait3A_171, %dma_wait3A_172] : memref<10000x128xf32, #tpu.memory_space<hbm>> -> memref<10000x128xf32, #tpu.memory_space<hbm>>
        tpu.wait_indirect_dma semaphore(%arg29 : memref<!tpu.dma_semaphore, #tpu.memory_space<semaphore_mem>>) src(%dma_wait3A_173 : memref<10000x128xf32, #tpu.memory_space<hbm>>) dst(%arg15 : memref<80x128xf32, #tpu.memory_space<vmem>>)
        %ge3A = arith.constant 1 : i32
        %ge3A_174 = arith.cmpi sge, %scan3A_91, %ge3A : i32
        %convert_element_type3A_175 = arith.extui %ge3A_174 : i1 to i32
        %cond3A_176 = arith.constant 0 : i32
        %cond3A_177 = arith.cmpi ne, %convert_element_type3A_175, %cond3A_176 : i32
        scf.if %cond3A_177 {
          %dma_wait3A_208 = arith.constant 0 : i32
          %dma_wait3A_209 = arith.constant 0 : i32
          %dma_wait3A_210 = tpu.memref_slice %arg21[%dma_wait3A_208, %dma_wait3A_209] : memref<10000x128xf32, #tpu.memory_space<vmem_shared>> -> memref<10000x128xf32, #tpu.memory_space<vmem_shared>>
          tpu.wait_indirect_dma semaphore(%arg27 : memref<!tpu.dma_semaphore, #tpu.memory_space<semaphore_mem>>) src(%arg12 : memref<80x128xf32, #tpu.memory_space<vmem>>) dst(%dma_wait3A_210 : memref<10000x128xf32, #tpu.memory_space<vmem_shared>>)
        } else {
        }
        %add3A_178 = arith.constant 3 : i32
        %add3A_179 = arith.addi %scan3A_91, %add3A_178 : i32
        %lt3A_180 = arith.constant 125 : i32
        %lt3A_181 = arith.cmpi slt, %add3A_179, %lt3A_180 : i32
        %convert_element_type3A_182 = arith.extui %lt3A_181 : i1 to i32
        %cond3A_183 = arith.constant 0 : i32
        %cond3A_184 = arith.cmpi ne, %convert_element_type3A_182, %cond3A_183 : i32
        scf.if %cond3A_184 {
          %add3A_208 = arith.constant 3 : i32
          %add3A_209 = arith.addi %scan3A_91, %add3A_208 : i32
          %mul3A_210 = arith.constant 10000 : i32
          %mul3A_211 = arith.muli %add3A, %mul3A_210 : i32
          %mul3A_212 = arith.constant 80 : i32
          %mul3A_213 = arith.muli %add3A_209, %mul3A_212 : i32
          %add3A_214 = arith.addi %mul3A_211, %mul3A_213 : i32
          %dma_start3A_215 = tpu.memref_slice %arg5[%add3A_214] : memref<320000xi32, #tpu.memory_space<hbm>> -> memref<80xi32, #tpu.memory_space<hbm>>
          %dma_start3A_216 = tpu.memref_slice %arg5[%add3A_214] : memref<320000xi32, #tpu.memory_space<hbm>> -> memref<80xi32, #tpu.memory_space<hbm>>
          tpu.enqueue_dma source(%dma_start3A_216 : memref<80xi32, #tpu.memory_space<hbm>>) target(%arg13 : memref<80xi32, #tpu.memory_space<vmem>>) target_semaphore(%arg25 : memref<!tpu.dma_semaphore, #tpu.memory_space<semaphore_mem>>)
          %dma_start3A_217 = tpu.memref_slice %arg6[%add3A_214] : memref<320000xi32, #tpu.memory_space<hbm>> -> memref<80xi32, #tpu.memory_space<hbm>>
          %dma_start3A_218 = tpu.memref_slice %arg6[%add3A_214] : memref<320000xi32, #tpu.memory_space<hbm>> -> memref<80xi32, #tpu.memory_space<hbm>>
          tpu.enqueue_dma source(%dma_start3A_218 : memref<80xi32, #tpu.memory_space<hbm>>) target(%arg14 : memref<80xi32, #tpu.memory_space<vmem>>) target_semaphore(%arg25 : memref<!tpu.dma_semaphore, #tpu.memory_space<semaphore_mem>>)
          %dma_start3A_219 = arith.constant 0 : i32
          %dma_start3A_220 = tpu.memref_slice %arg4[%add3A_214, %dma_start3A_219] : memref<320000x128xf32, #tpu.memory_space<hbm>> -> memref<80x128xf32, #tpu.memory_space<hbm>>
          %dma_start3A_221 = arith.constant 0 : i32
          %dma_start3A_222 = tpu.memref_slice %arg4[%add3A_214, %dma_start3A_221] : memref<320000x128xf32, #tpu.memory_space<hbm>> -> memref<80x128xf32, #tpu.memory_space<hbm>>
          tpu.enqueue_dma source(%dma_start3A_222 : memref<80x128xf32, #tpu.memory_space<hbm>>) target(%arg12 : memref<80x128xf32, #tpu.memory_space<vmem>>) target_semaphore(%arg25 : memref<!tpu.dma_semaphore, #tpu.memory_space<semaphore_mem>>)
        } else {
        }
        %add3A_185 = arith.constant 1 : i32
        %add3A_186 = arith.addi %scan3A_91, %add3A_185 : i32
        %lt3A_187 = arith.constant 125 : i32
        %lt3A_188 = arith.cmpi slt, %add3A_186, %lt3A_187 : i32
        %convert_element_type3A_189 = arith.extui %lt3A_188 : i1 to i32
        %cond3A_190 = arith.constant 0 : i32
        %cond3A_191 = arith.cmpi ne, %convert_element_type3A_189, %cond3A_190 : i32
        scf.if %cond3A_191 {
          %dma_wait3A_208 = arith.constant 0 : i32
          %dma_wait3A_209 = arith.constant 0 : i32
          %dma_wait3A_210 = tpu.memref_slice %arg2[%dma_wait3A_208, %dma_wait3A_209] : memref<10000x128xf32, #tpu.memory_space<hbm>> -> memref<10000x128xf32, #tpu.memory_space<hbm>>
          tpu.wait_indirect_dma semaphore(%arg32 : memref<!tpu.dma_semaphore, #tpu.memory_space<semaphore_mem>>) src(%dma_wait3A_210 : memref<10000x128xf32, #tpu.memory_space<hbm>>) dst(%arg18 : memref<80x128xf32, #tpu.memory_space<vmem>>)
          %dma_start3A_211 = arith.constant 0 : i32
          %dma_start3A_212 = arith.constant 0 : i32
          %dma_start3A_213 = tpu.memref_slice %arg3[%dma_start3A_211, %dma_start3A_212] : memref<10000x128xf32, #tpu.memory_space<hbm>> -> memref<10000x128xf32, #tpu.memory_space<hbm>>
          tpu.enqueue_indirect_dma source(%dma_start3A_213 : memref<10000x128xf32, #tpu.memory_space<hbm>>) target(%arg18 : memref<80x128xf32, #tpu.memory_space<vmem>>) offsets(%arg20 : memref<80xi32, #tpu.memory_space<vmem>>) semaphore(%arg32 : memref<!tpu.dma_semaphore, #tpu.memory_space<semaphore_mem>>) {add = true}
        } else {
        }
        %add3A_192 = arith.constant 2 : i32
        %add3A_193 = arith.addi %scan3A_91, %add3A_192 : i32
        %lt3A_194 = arith.constant 125 : i32
        %lt3A_195 = arith.cmpi slt, %add3A_193, %lt3A_194 : i32
        %convert_element_type3A_196 = arith.extui %lt3A_195 : i1 to i32
        %cond3A_197 = arith.constant 0 : i32
        %cond3A_198 = arith.cmpi ne, %convert_element_type3A_196, %cond3A_197 : i32
        scf.if %cond3A_198 {
          %add3A_208 = arith.constant 2 : i32
          %add3A_209 = arith.addi %scan3A_91, %add3A_208 : i32
          %mul3A_210 = arith.constant 10000 : i32
          %mul3A_211 = arith.muli %add3A, %mul3A_210 : i32
          %mul3A_212 = arith.constant 80 : i32
          %mul3A_213 = arith.muli %add3A_209, %mul3A_212 : i32
          %add3A_214 = arith.addi %mul3A_211, %mul3A_213 : i32
          %dma_wait3A_215 = tpu.memref_slice %arg5[%add3A_214] : memref<320000xi32, #tpu.memory_space<hbm>> -> memref<80xi32, #tpu.memory_space<hbm>>
          %dma_wait3A_216 = tpu.memref_slice %arg5[%add3A_214] : memref<320000xi32, #tpu.memory_space<hbm>> -> memref<80xi32, #tpu.memory_space<hbm>>
          tpu.wait_dma2 semaphore(%arg22 : memref<!tpu.dma_semaphore, #tpu.memory_space<semaphore_mem>>) src(%dma_wait3A_216 : memref<80xi32, #tpu.memory_space<hbm>>) dst(%arg10 : memref<80xi32, #tpu.memory_space<vmem>>)
          %dma_wait3A_217 = tpu.memref_slice %arg6[%add3A_214] : memref<320000xi32, #tpu.memory_space<hbm>> -> memref<80xi32, #tpu.memory_space<hbm>>
          %dma_wait3A_218 = tpu.memref_slice %arg6[%add3A_214] : memref<320000xi32, #tpu.memory_space<hbm>> -> memref<80xi32, #tpu.memory_space<hbm>>
          tpu.wait_dma2 semaphore(%arg22 : memref<!tpu.dma_semaphore, #tpu.memory_space<semaphore_mem>>) src(%dma_wait3A_218 : memref<80xi32, #tpu.memory_space<hbm>>) dst(%arg11 : memref<80xi32, #tpu.memory_space<vmem>>)
          %dma_wait3A_219 = arith.constant 0 : i32
          %dma_wait3A_220 = tpu.memref_slice %arg4[%add3A_214, %dma_wait3A_219] : memref<320000x128xf32, #tpu.memory_space<hbm>> -> memref<80x128xf32, #tpu.memory_space<hbm>>
          %dma_wait3A_221 = arith.constant 0 : i32
          %dma_wait3A_222 = tpu.memref_slice %arg4[%add3A_214, %dma_wait3A_221] : memref<320000x128xf32, #tpu.memory_space<hbm>> -> memref<80x128xf32, #tpu.memory_space<hbm>>
          tpu.wait_dma2 semaphore(%arg22 : memref<!tpu.dma_semaphore, #tpu.memory_space<semaphore_mem>>) src(%dma_wait3A_222 : memref<80x128xf32, #tpu.memory_space<hbm>>) dst(%arg9 : memref<80x128xf32, #tpu.memory_space<vmem>>)
          %dma_start3A_223 = arith.constant 0 : i32
          %dma_start3A_224 = arith.constant 0 : i32
          %dma_start3A_225 = tpu.memref_slice %arg2[%dma_start3A_223, %dma_start3A_224] : memref<10000x128xf32, #tpu.memory_space<hbm>> -> memref<10000x128xf32, #tpu.memory_space<hbm>>
          tpu.enqueue_indirect_dma source(%dma_start3A_225 : memref<10000x128xf32, #tpu.memory_space<hbm>>) target(%arg9 : memref<80x128xf32, #tpu.memory_space<vmem>>) offsets(%arg10 : memref<80xi32, #tpu.memory_space<vmem>>) semaphore(%arg23 : memref<!tpu.dma_semaphore, #tpu.memory_space<semaphore_mem>>) {add = true}
        } else {
        }
        %scan3A_199 = arith.constant 0 : i32
        %scan3A_200 = arith.constant 0 : i32
        %scan3A_201 = arith.constant 80 : i32
        %scan3A_202 = arith.addi %scan3A_200, %scan3A_201 : i32
        %scan3A_203 = arith.constant 1 : i32
        scf.for %scan3A_208 = %scan3A_200 to %scan3A_202 step %scan3A_203  : i32 {
          %get3A = arith.index_cast %scan3A_208 : i32 to index
          %get3A_209 = arith.constant 0 : index
          %get3A_210 = tpu.vector_load %arg15[%get3A, %get3A_209] {strides = array<i32>} : memref<80x128xf32, #tpu.memory_space<vmem>>, vector<1x16xf32>,
          %get3A_211 = vector.shape_cast %get3A_210 : vector<1x16xf32> to vector<16xf32>
          %max3A = arith.constant 0.000000e+00 : f32
          %max3A_212 = vector.broadcast %max3A : f32 to vector<16xf32>
          %max3A_213 = arith.maximumf %get3A_211, %max3A_212 : vector<16xf32>
          %swap3A = arith.index_cast %scan3A_208 : i32 to index
          %swap3A_214 = arith.constant 0 : index
          %swap3A_215 = tpu.vector_load %arg15[%swap3A, %swap3A_214] {strides = array<i32>} : memref<80x128xf32, #tpu.memory_space<vmem>>, vector<1x16xf32>,
          %swap3A_216 = vector.shape_cast %swap3A_215 : vector<1x16xf32> to vector<16xf32>
          %swap3A_217 = vector.shape_cast %max3A_213 : vector<16xf32> to vector<1x16xf32>
          tpu.vector_store %arg15[%swap3A, %swap3A_214], %swap3A_217 {strides = array<i32>} : memref<80x128xf32, #tpu.memory_space<vmem>>, vector<1x16xf32>,
          %get3A_218 = arith.index_cast %scan3A_208 : i32 to index
          %get3A_219 = arith.constant 16 : index
          %get3A_220 = tpu.vector_load %arg15[%get3A_218, %get3A_219] {strides = array<i32>} : memref<80x128xf32, #tpu.memory_space<vmem>>, vector<1x16xf32>,
          %get3A_221 = vector.shape_cast %get3A_220 : vector<1x16xf32> to vector<16xf32>
          %max3A_222 = arith.constant 0.000000e+00 : f32
          %max3A_223 = vector.broadcast %max3A_222 : f32 to vector<16xf32>
          %max3A_224 = arith.maximumf %get3A_221, %max3A_223 : vector<16xf32>
          %swap3A_225 = arith.index_cast %scan3A_208 : i32 to index
          %swap3A_226 = arith.constant 16 : index
          %swap3A_227 = tpu.vector_load %arg15[%swap3A_225, %swap3A_226] {strides = array<i32>} : memref<80x128xf32, #tpu.memory_space<vmem>>, vector<1x16xf32>,
          %swap3A_228 = vector.shape_cast %swap3A_227 : vector<1x16xf32> to vector<16xf32>
          %swap3A_229 = vector.shape_cast %max3A_224 : vector<16xf32> to vector<1x16xf32>
          tpu.vector_store %arg15[%swap3A_225, %swap3A_226], %swap3A_229 {strides = array<i32>} : memref<80x128xf32, #tpu.memory_space<vmem>>, vector<1x16xf32>,
          %get3A_230 = arith.index_cast %scan3A_208 : i32 to index
          %get3A_231 = arith.constant 32 : index
          %get3A_232 = tpu.vector_load %arg15[%get3A_230, %get3A_231] {strides = array<i32>} : memref<80x128xf32, #tpu.memory_space<vmem>>, vector<1x16xf32>,
          %get3A_233 = vector.shape_cast %get3A_232 : vector<1x16xf32> to vector<16xf32>
          %max3A_234 = arith.constant 0.000000e+00 : f32
          %max3A_235 = vector.broadcast %max3A_234 : f32 to vector<16xf32>
          %max3A_236 = arith.maximumf %get3A_233, %max3A_235 : vector<16xf32>
          %swap3A_237 = arith.index_cast %scan3A_208 : i32 to index
          %swap3A_238 = arith.constant 32 : index
          %swap3A_239 = tpu.vector_load %arg15[%swap3A_237, %swap3A_238] {strides = array<i32>} : memref<80x128xf32, #tpu.memory_space<vmem>>, vector<1x16xf32>,
          %swap3A_240 = vector.shape_cast %swap3A_239 : vector<1x16xf32> to vector<16xf32>
          %swap3A_241 = vector.shape_cast %max3A_236 : vector<16xf32> to vector<1x16xf32>
          tpu.vector_store %arg15[%swap3A_237, %swap3A_238], %swap3A_241 {strides = array<i32>} : memref<80x128xf32, #tpu.memory_space<vmem>>, vector<1x16xf32>,
          %get3A_242 = arith.index_cast %scan3A_208 : i32 to index
          %get3A_243 = arith.constant 48 : index
          %get3A_244 = tpu.vector_load %arg15[%get3A_242, %get3A_243] {strides = array<i32>} : memref<80x128xf32, #tpu.memory_space<vmem>>, vector<1x16xf32>,
          %get3A_245 = vector.shape_cast %get3A_244 : vector<1x16xf32> to vector<16xf32>
          %max3A_246 = arith.constant 0.000000e+00 : f32
          %max3A_247 = vector.broadcast %max3A_246 : f32 to vector<16xf32>
          %max3A_248 = arith.maximumf %get3A_245, %max3A_247 : vector<16xf32>
          %swap3A_249 = arith.index_cast %scan3A_208 : i32 to index
          %swap3A_250 = arith.constant 48 : index
          %swap3A_251 = tpu.vector_load %arg15[%swap3A_249, %swap3A_250] {strides = array<i32>} : memref<80x128xf32, #tpu.memory_space<vmem>>, vector<1x16xf32>,
          %swap3A_252 = vector.shape_cast %swap3A_251 : vector<1x16xf32> to vector<16xf32>
          %swap3A_253 = vector.shape_cast %max3A_248 : vector<16xf32> to vector<1x16xf32>
          tpu.vector_store %arg15[%swap3A_249, %swap3A_250], %swap3A_253 {strides = array<i32>} : memref<80x128xf32, #tpu.memory_space<vmem>>, vector<1x16xf32>,
          %get3A_254 = arith.index_cast %scan3A_208 : i32 to index
          %get3A_255 = arith.constant 64 : index
          %get3A_256 = tpu.vector_load %arg15[%get3A_254, %get3A_255] {strides = array<i32>} : memref<80x128xf32, #tpu.memory_space<vmem>>, vector<1x16xf32>,
          %get3A_257 = vector.shape_cast %get3A_256 : vector<1x16xf32> to vector<16xf32>
          %max3A_258 = arith.constant 0.000000e+00 : f32
          %max3A_259 = vector.broadcast %max3A_258 : f32 to vector<16xf32>
          %max3A_260 = arith.maximumf %get3A_257, %max3A_259 : vector<16xf32>
          %swap3A_261 = arith.index_cast %scan3A_208 : i32 to index
          %swap3A_262 = arith.constant 64 : index
          %swap3A_263 = tpu.vector_load %arg15[%swap3A_261, %swap3A_262] {strides = array<i32>} : memref<80x128xf32, #tpu.memory_space<vmem>>, vector<1x16xf32>,
          %swap3A_264 = vector.shape_cast %swap3A_263 : vector<1x16xf32> to vector<16xf32>
          %swap3A_265 = vector.shape_cast %max3A_260 : vector<16xf32> to vector<1x16xf32>
          tpu.vector_store %arg15[%swap3A_261, %swap3A_262], %swap3A_265 {strides = array<i32>} : memref<80x128xf32, #tpu.memory_space<vmem>>, vector<1x16xf32>,
          %get3A_266 = arith.index_cast %scan3A_208 : i32 to index
          %get3A_267 = arith.constant 80 : index
          %get3A_268 = tpu.vector_load %arg15[%get3A_266, %get3A_267] {strides = array<i32>} : memref<80x128xf32, #tpu.memory_space<vmem>>, vector<1x16xf32>,
          %get3A_269 = vector.shape_cast %get3A_268 : vector<1x16xf32> to vector<16xf32>
          %max3A_270 = arith.constant 0.000000e+00 : f32
          %max3A_271 = vector.broadcast %max3A_270 : f32 to vector<16xf32>
          %max3A_272 = arith.maximumf %get3A_269, %max3A_271 : vector<16xf32>
          %swap3A_273 = arith.index_cast %scan3A_208 : i32 to index
          %swap3A_274 = arith.constant 80 : index
          %swap3A_275 = tpu.vector_load %arg15[%swap3A_273, %swap3A_274] {strides = array<i32>} : memref<80x128xf32, #tpu.memory_space<vmem>>, vector<1x16xf32>,
          %swap3A_276 = vector.shape_cast %swap3A_275 : vector<1x16xf32> to vector<16xf32>
          %swap3A_277 = vector.shape_cast %max3A_272 : vector<16xf32> to vector<1x16xf32>
          tpu.vector_store %arg15[%swap3A_273, %swap3A_274], %swap3A_277 {strides = array<i32>} : memref<80x128xf32, #tpu.memory_space<vmem>>, vector<1x16xf32>,
          %get3A_278 = arith.index_cast %scan3A_208 : i32 to index
          %get3A_279 = arith.constant 96 : index
          %get3A_280 = tpu.vector_load %arg15[%get3A_278, %get3A_279] {strides = array<i32>} : memref<80x128xf32, #tpu.memory_space<vmem>>, vector<1x16xf32>,
          %get3A_281 = vector.shape_cast %get3A_280 : vector<1x16xf32> to vector<16xf32>
          %max3A_282 = arith.constant 0.000000e+00 : f32
          %max3A_283 = vector.broadcast %max3A_282 : f32 to vector<16xf32>
          %max3A_284 = arith.maximumf %get3A_281, %max3A_283 : vector<16xf32>
          %swap3A_285 = arith.index_cast %scan3A_208 : i32 to index
          %swap3A_286 = arith.constant 96 : index
          %swap3A_287 = tpu.vector_load %arg15[%swap3A_285, %swap3A_286] {strides = array<i32>} : memref<80x128xf32, #tpu.memory_space<vmem>>, vector<1x16xf32>,
          %swap3A_288 = vector.shape_cast %swap3A_287 : vector<1x16xf32> to vector<16xf32>
          %swap3A_289 = vector.shape_cast %max3A_284 : vector<16xf32> to vector<1x16xf32>
          tpu.vector_store %arg15[%swap3A_285, %swap3A_286], %swap3A_289 {strides = array<i32>} : memref<80x128xf32, #tpu.memory_space<vmem>>, vector<1x16xf32>,
          %get3A_290 = arith.index_cast %scan3A_208 : i32 to index
          %get3A_291 = arith.constant 112 : index
          %get3A_292 = tpu.vector_load %arg15[%get3A_290, %get3A_291] {strides = array<i32>} : memref<80x128xf32, #tpu.memory_space<vmem>>, vector<1x16xf32>,
          %get3A_293 = vector.shape_cast %get3A_292 : vector<1x16xf32> to vector<16xf32>
          %max3A_294 = arith.constant 0.000000e+00 : f32
          %max3A_295 = vector.broadcast %max3A_294 : f32 to vector<16xf32>
          %max3A_296 = arith.maximumf %get3A_293, %max3A_295 : vector<16xf32>
          %swap3A_297 = arith.index_cast %scan3A_208 : i32 to index
          %swap3A_298 = arith.constant 112 : index
          %swap3A_299 = tpu.vector_load %arg15[%swap3A_297, %swap3A_298] {strides = array<i32>} : memref<80x128xf32, #tpu.memory_space<vmem>>, vector<1x16xf32>,
          %swap3A_300 = vector.shape_cast %swap3A_299 : vector<1x16xf32> to vector<16xf32>
          %swap3A_301 = vector.shape_cast %max3A_296 : vector<16xf32> to vector<1x16xf32>
          tpu.vector_store %arg15[%swap3A_297, %swap3A_298], %swap3A_301 {strides = array<i32>} : memref<80x128xf32, #tpu.memory_space<vmem>>, vector<1x16xf32>,
        }
        %scan3A_204 = arith.constant 80 : i32
        %dma_start3A_205 = arith.constant 0 : i32
        %dma_start3A_206 = arith.constant 0 : i32
        %dma_start3A_207 = tpu.memref_slice %arg21[%dma_start3A_205, %dma_start3A_206] : memref<10000x128xf32, #tpu.memory_space<vmem_shared>> -> memref<10000x128xf32, #tpu.memory_space<vmem_shared>>
        tpu.enqueue_indirect_dma source(%arg15 : memref<80x128xf32, #tpu.memory_space<vmem>>) target(%dma_start3A_207 : memref<10000x128xf32, #tpu.memory_space<vmem_shared>>) offsets(%arg17 : memref<80xi32, #tpu.memory_space<vmem>>) semaphore(%arg30 : memref<!tpu.dma_semaphore, #tpu.memory_space<semaphore_mem>>) {add = true}
      } else {
      }
      %jit3A_150 = arith.constant 4 : i32
      %eq3A_151 = arith.constant 0 : i32
      %eq3A_152 = arith.cmpi eq, %jit3A_150, %eq3A_151 : i32
      %jit3A_153 = arith.constant 1 : i32
      %select_n3A_154 = arith.select %eq3A_152, %jit3A_153, %jit3A_150 : i32
      %rem3A_155 = arith.remsi %scan3A_91, %select_n3A_154 : i32
      %ne3A_156 = arith.constant 0 : i32
      %ne3A_157 = arith.cmpi ne, %rem3A_155, %ne3A_156 : i32
      %lt3A_158 = arith.constant 0 : i32
      %lt3A_159 = arith.cmpi slt, %rem3A_155, %lt3A_158 : i32
      %lt3A_160 = arith.constant 0 : i32
      %lt3A_161 = arith.cmpi slt, %select_n3A_154, %lt3A_160 : i32
      %ne3A_162 = arith.xori %lt3A_159, %lt3A_161 : i1
      %and3A_163 = arith.andi %ne3A_162, %ne3A_157 : i1
      %add3A_164 = arith.addi %rem3A_155, %select_n3A_154 : i32
      %select_n3A_165 = arith.select %and3A_163, %add3A_164, %rem3A_155 : i32
      %eq3A_166 = arith.constant 3 : i32
      %eq3A_167 = arith.cmpi eq, %select_n3A_165, %eq3A_166 : i32
      %convert_element_type3A_168 = arith.extui %eq3A_167 : i1 to i32
      %cond3A_169 = arith.constant 0 : i32
      %cond3A_170 = arith.cmpi ne, %convert_element_type3A_168, %cond3A_169 : i32
      scf.if %cond3A_170 {
        %dma_wait3A_171 = arith.constant 0 : i32
        %dma_wait3A_172 = arith.constant 0 : i32
        %dma_wait3A_173 = tpu.memref_slice %arg3[%dma_wait3A_171, %dma_wait3A_172] : memref<10000x128xf32, #tpu.memory_space<hbm>> -> memref<10000x128xf32, #tpu.memory_space<hbm>>
        tpu.wait_indirect_dma semaphore(%arg32 : memref<!tpu.dma_semaphore, #tpu.memory_space<semaphore_mem>>) src(%dma_wait3A_173 : memref<10000x128xf32, #tpu.memory_space<hbm>>) dst(%arg18 : memref<80x128xf32, #tpu.memory_space<vmem>>)
        %ge3A = arith.constant 1 : i32
        %ge3A_174 = arith.cmpi sge, %scan3A_91, %ge3A : i32
        %convert_element_type3A_175 = arith.extui %ge3A_174 : i1 to i32
        %cond3A_176 = arith.constant 0 : i32
        %cond3A_177 = arith.cmpi ne, %convert_element_type3A_175, %cond3A_176 : i32
        scf.if %cond3A_177 {
          %dma_wait3A_208 = arith.constant 0 : i32
          %dma_wait3A_209 = arith.constant 0 : i32
          %dma_wait3A_210 = tpu.memref_slice %arg21[%dma_wait3A_208, %dma_wait3A_209] : memref<10000x128xf32, #tpu.memory_space<vmem_shared>> -> memref<10000x128xf32, #tpu.memory_space<vmem_shared>>
          tpu.wait_indirect_dma semaphore(%arg30 : memref<!tpu.dma_semaphore, #tpu.memory_space<semaphore_mem>>) src(%arg15 : memref<80x128xf32, #tpu.memory_space<vmem>>) dst(%dma_wait3A_210 : memref<10000x128xf32, #tpu.memory_space<vmem_shared>>)
        } else {
        }
        %add3A_178 = arith.constant 3 : i32
        %add3A_179 = arith.addi %scan3A_91, %add3A_178 : i32
        %lt3A_180 = arith.constant 125 : i32
        %lt3A_181 = arith.cmpi slt, %add3A_179, %lt3A_180 : i32
        %convert_element_type3A_182 = arith.extui %lt3A_181 : i1 to i32
        %cond3A_183 = arith.constant 0 : i32
        %cond3A_184 = arith.cmpi ne, %convert_element_type3A_182, %cond3A_183 : i32
        scf.if %cond3A_184 {
          %add3A_208 = arith.constant 3 : i32
          %add3A_209 = arith.addi %scan3A_91, %add3A_208 : i32
          %mul3A_210 = arith.constant 10000 : i32
          %mul3A_211 = arith.muli %add3A, %mul3A_210 : i32
          %mul3A_212 = arith.constant 80 : i32
          %mul3A_213 = arith.muli %add3A_209, %mul3A_212 : i32
          %add3A_214 = arith.addi %mul3A_211, %mul3A_213 : i32
          %dma_start3A_215 = tpu.memref_slice %arg5[%add3A_214] : memref<320000xi32, #tpu.memory_space<hbm>> -> memref<80xi32, #tpu.memory_space<hbm>>
          %dma_start3A_216 = tpu.memref_slice %arg5[%add3A_214] : memref<320000xi32, #tpu.memory_space<hbm>> -> memref<80xi32, #tpu.memory_space<hbm>>
          tpu.enqueue_dma source(%dma_start3A_216 : memref<80xi32, #tpu.memory_space<hbm>>) target(%arg16 : memref<80xi32, #tpu.memory_space<vmem>>) target_semaphore(%arg28 : memref<!tpu.dma_semaphore, #tpu.memory_space<semaphore_mem>>)
          %dma_start3A_217 = tpu.memref_slice %arg6[%add3A_214] : memref<320000xi32, #tpu.memory_space<hbm>> -> memref<80xi32, #tpu.memory_space<hbm>>
          %dma_start3A_218 = tpu.memref_slice %arg6[%add3A_214] : memref<320000xi32, #tpu.memory_space<hbm>> -> memref<80xi32, #tpu.memory_space<hbm>>
          tpu.enqueue_dma source(%dma_start3A_218 : memref<80xi32, #tpu.memory_space<hbm>>) target(%arg17 : memref<80xi32, #tpu.memory_space<vmem>>) target_semaphore(%arg28 : memref<!tpu.dma_semaphore, #tpu.memory_space<semaphore_mem>>)
          %dma_start3A_219 = arith.constant 0 : i32
          %dma_start3A_220 = tpu.memref_slice %arg4[%add3A_214, %dma_start3A_219] : memref<320000x128xf32, #tpu.memory_space<hbm>> -> memref<80x128xf32, #tpu.memory_space<hbm>>
          %dma_start3A_221 = arith.constant 0 : i32
          %dma_start3A_222 = tpu.memref_slice %arg4[%add3A_214, %dma_start3A_221] : memref<320000x128xf32, #tpu.memory_space<hbm>> -> memref<80x128xf32, #tpu.memory_space<hbm>>
          tpu.enqueue_dma source(%dma_start3A_222 : memref<80x128xf32, #tpu.memory_space<hbm>>) target(%arg15 : memref<80x128xf32, #tpu.memory_space<vmem>>) target_semaphore(%arg28 : memref<!tpu.dma_semaphore, #tpu.memory_space<semaphore_mem>>)
        } else {
        }
        %add3A_185 = arith.constant 1 : i32
        %add3A_186 = arith.addi %scan3A_91, %add3A_185 : i32
        %lt3A_187 = arith.constant 125 : i32
        %lt3A_188 = arith.cmpi slt, %add3A_186, %lt3A_187 : i32
        %convert_element_type3A_189 = arith.extui %lt3A_188 : i1 to i32
        %cond3A_190 = arith.constant 0 : i32
        %cond3A_191 = arith.cmpi ne, %convert_element_type3A_189, %cond3A_190 : i32
        scf.if %cond3A_191 {
          %dma_wait3A_208 = arith.constant 0 : i32
          %dma_wait3A_209 = arith.constant 0 : i32
          %dma_wait3A_210 = tpu.memref_slice %arg2[%dma_wait3A_208, %dma_wait3A_209] : memref<10000x128xf32, #tpu.memory_space<hbm>> -> memref<10000x128xf32, #tpu.memory_space<hbm>>
          tpu.wait_indirect_dma semaphore(%arg23 : memref<!tpu.dma_semaphore, #tpu.memory_space<semaphore_mem>>) src(%dma_wait3A_210 : memref<10000x128xf32, #tpu.memory_space<hbm>>) dst(%arg9 : memref<80x128xf32, #tpu.memory_space<vmem>>)
          %dma_start3A_211 = arith.constant 0 : i32
          %dma_start3A_212 = arith.constant 0 : i32
          %dma_start3A_213 = tpu.memref_slice %arg3[%dma_start3A_211, %dma_start3A_212] : memref<10000x128xf32, #tpu.memory_space<hbm>> -> memref<10000x128xf32, #tpu.memory_space<hbm>>
          tpu.enqueue_indirect_dma source(%dma_start3A_213 : memref<10000x128xf32, #tpu.memory_space<hbm>>) target(%arg9 : memref<80x128xf32, #tpu.memory_space<vmem>>) offsets(%arg11 : memref<80xi32, #tpu.memory_space<vmem>>) semaphore(%arg23 : memref<!tpu.dma_semaphore, #tpu.memory_space<semaphore_mem>>) {add = true}
        } else {
        }
        %add3A_192 = arith.constant 2 : i32
        %add3A_193 = arith.addi %scan3A_91, %add3A_192 : i32
        %lt3A_194 = arith.constant 125 : i32
        %lt3A_195 = arith.cmpi slt, %add3A_193, %lt3A_194 : i32
        %convert_element_type3A_196 = arith.extui %lt3A_195 : i1 to i32
        %cond3A_197 = arith.constant 0 : i32
        %cond3A_198 = arith.cmpi ne, %convert_element_type3A_196, %cond3A_197 : i32
        scf.if %cond3A_198 {
          %add3A_208 = arith.constant 2 : i32
          %add3A_209 = arith.addi %scan3A_91, %add3A_208 : i32
          %mul3A_210 = arith.constant 10000 : i32
          %mul3A_211 = arith.muli %add3A, %mul3A_210 : i32
          %mul3A_212 = arith.constant 80 : i32
          %mul3A_213 = arith.muli %add3A_209, %mul3A_212 : i32
          %add3A_214 = arith.addi %mul3A_211, %mul3A_213 : i32
          %dma_wait3A_215 = tpu.memref_slice %arg5[%add3A_214] : memref<320000xi32, #tpu.memory_space<hbm>> -> memref<80xi32, #tpu.memory_space<hbm>>
          %dma_wait3A_216 = tpu.memref_slice %arg5[%add3A_214] : memref<320000xi32, #tpu.memory_space<hbm>> -> memref<80xi32, #tpu.memory_space<hbm>>
          tpu.wait_dma2 semaphore(%arg25 : memref<!tpu.dma_semaphore, #tpu.memory_space<semaphore_mem>>) src(%dma_wait3A_216 : memref<80xi32, #tpu.memory_space<hbm>>) dst(%arg13 : memref<80xi32, #tpu.memory_space<vmem>>)
          %dma_wait3A_217 = tpu.memref_slice %arg6[%add3A_214] : memref<320000xi32, #tpu.memory_space<hbm>> -> memref<80xi32, #tpu.memory_space<hbm>>
          %dma_wait3A_218 = tpu.memref_slice %arg6[%add3A_214] : memref<320000xi32, #tpu.memory_space<hbm>> -> memref<80xi32, #tpu.memory_space<hbm>>
          tpu.wait_dma2 semaphore(%arg25 : memref<!tpu.dma_semaphore, #tpu.memory_space<semaphore_mem>>) src(%dma_wait3A_218 : memref<80xi32, #tpu.memory_space<hbm>>) dst(%arg14 : memref<80xi32, #tpu.memory_space<vmem>>)
          %dma_wait3A_219 = arith.constant 0 : i32
          %dma_wait3A_220 = tpu.memref_slice %arg4[%add3A_214, %dma_wait3A_219] : memref<320000x128xf32, #tpu.memory_space<hbm>> -> memref<80x128xf32, #tpu.memory_space<hbm>>
          %dma_wait3A_221 = arith.constant 0 : i32
          %dma_wait3A_222 = tpu.memref_slice %arg4[%add3A_214, %dma_wait3A_221] : memref<320000x128xf32, #tpu.memory_space<hbm>> -> memref<80x128xf32, #tpu.memory_space<hbm>>
          tpu.wait_dma2 semaphore(%arg25 : memref<!tpu.dma_semaphore, #tpu.memory_space<semaphore_mem>>) src(%dma_wait3A_222 : memref<80x128xf32, #tpu.memory_space<hbm>>) dst(%arg12 : memref<80x128xf32, #tpu.memory_space<vmem>>)
          %dma_start3A_223 = arith.constant 0 : i32
          %dma_start3A_224 = arith.constant 0 : i32
          %dma_start3A_225 = tpu.memref_slice %arg2[%dma_start3A_223, %dma_start3A_224] : memref<10000x128xf32, #tpu.memory_space<hbm>> -> memref<10000x128xf32, #tpu.memory_space<hbm>>
          tpu.enqueue_indirect_dma source(%dma_start3A_225 : memref<10000x128xf32, #tpu.memory_space<hbm>>) target(%arg12 : memref<80x128xf32, #tpu.memory_space<vmem>>) offsets(%arg13 : memref<80xi32, #tpu.memory_space<vmem>>) semaphore(%arg26 : memref<!tpu.dma_semaphore, #tpu.memory_space<semaphore_mem>>) {add = true}
        } else {
        }
        %scan3A_199 = arith.constant 0 : i32
        %scan3A_200 = arith.constant 0 : i32
        %scan3A_201 = arith.constant 80 : i32
        %scan3A_202 = arith.addi %scan3A_200, %scan3A_201 : i32
        %scan3A_203 = arith.constant 1 : i32
        scf.for %scan3A_208 = %scan3A_200 to %scan3A_202 step %scan3A_203  : i32 {
          %get3A = arith.index_cast %scan3A_208 : i32 to index
          %get3A_209 = arith.constant 0 : index
          %get3A_210 = tpu.vector_load %arg18[%get3A, %get3A_209] {strides = array<i32>} : memref<80x128xf32, #tpu.memory_space<vmem>>, vector<1x16xf32>,
          %get3A_211 = vector.shape_cast %get3A_210 : vector<1x16xf32> to vector<16xf32>
          %max3A = arith.constant 0.000000e+00 : f32
          %max3A_212 = vector.broadcast %max3A : f32 to vector<16xf32>
          %max3A_213 = arith.maximumf %get3A_211, %max3A_212 : vector<16xf32>
          %swap3A = arith.index_cast %scan3A_208 : i32 to index
          %swap3A_214 = arith.constant 0 : index
          %swap3A_215 = tpu.vector_load %arg18[%swap3A, %swap3A_214] {strides = array<i32>} : memref<80x128xf32, #tpu.memory_space<vmem>>, vector<1x16xf32>,
          %swap3A_216 = vector.shape_cast %swap3A_215 : vector<1x16xf32> to vector<16xf32>
          %swap3A_217 = vector.shape_cast %max3A_213 : vector<16xf32> to vector<1x16xf32>
          tpu.vector_store %arg18[%swap3A, %swap3A_214], %swap3A_217 {strides = array<i32>} : memref<80x128xf32, #tpu.memory_space<vmem>>, vector<1x16xf32>,
          %get3A_218 = arith.index_cast %scan3A_208 : i32 to index
          %get3A_219 = arith.constant 16 : index
          %get3A_220 = tpu.vector_load %arg18[%get3A_218, %get3A_219] {strides = array<i32>} : memref<80x128xf32, #tpu.memory_space<vmem>>, vector<1x16xf32>,
          %get3A_221 = vector.shape_cast %get3A_220 : vector<1x16xf32> to vector<16xf32>
          %max3A_222 = arith.constant 0.000000e+00 : f32
          %max3A_223 = vector.broadcast %max3A_222 : f32 to vector<16xf32>
          %max3A_224 = arith.maximumf %get3A_221, %max3A_223 : vector<16xf32>
          %swap3A_225 = arith.index_cast %scan3A_208 : i32 to index
          %swap3A_226 = arith.constant 16 : index
          %swap3A_227 = tpu.vector_load %arg18[%swap3A_225, %swap3A_226] {strides = array<i32>} : memref<80x128xf32, #tpu.memory_space<vmem>>, vector<1x16xf32>,
          %swap3A_228 = vector.shape_cast %swap3A_227 : vector<1x16xf32> to vector<16xf32>
          %swap3A_229 = vector.shape_cast %max3A_224 : vector<16xf32> to vector<1x16xf32>
          tpu.vector_store %arg18[%swap3A_225, %swap3A_226], %swap3A_229 {strides = array<i32>} : memref<80x128xf32, #tpu.memory_space<vmem>>, vector<1x16xf32>,
          %get3A_230 = arith.index_cast %scan3A_208 : i32 to index
          %get3A_231 = arith.constant 32 : index
          %get3A_232 = tpu.vector_load %arg18[%get3A_230, %get3A_231] {strides = array<i32>} : memref<80x128xf32, #tpu.memory_space<vmem>>, vector<1x16xf32>,
          %get3A_233 = vector.shape_cast %get3A_232 : vector<1x16xf32> to vector<16xf32>
          %max3A_234 = arith.constant 0.000000e+00 : f32
          %max3A_235 = vector.broadcast %max3A_234 : f32 to vector<16xf32>
          %max3A_236 = arith.maximumf %get3A_233, %max3A_235 : vector<16xf32>
          %swap3A_237 = arith.index_cast %scan3A_208 : i32 to index
          %swap3A_238 = arith.constant 32 : index
          %swap3A_239 = tpu.vector_load %arg18[%swap3A_237, %swap3A_238] {strides = array<i32>} : memref<80x128xf32, #tpu.memory_space<vmem>>, vector<1x16xf32>,
          %swap3A_240 = vector.shape_cast %swap3A_239 : vector<1x16xf32> to vector<16xf32>
          %swap3A_241 = vector.shape_cast %max3A_236 : vector<16xf32> to vector<1x16xf32>
          tpu.vector_store %arg18[%swap3A_237, %swap3A_238], %swap3A_241 {strides = array<i32>} : memref<80x128xf32, #tpu.memory_space<vmem>>, vector<1x16xf32>,
          %get3A_242 = arith.index_cast %scan3A_208 : i32 to index
          %get3A_243 = arith.constant 48 : index
          %get3A_244 = tpu.vector_load %arg18[%get3A_242, %get3A_243] {strides = array<i32>} : memref<80x128xf32, #tpu.memory_space<vmem>>, vector<1x16xf32>,
          %get3A_245 = vector.shape_cast %get3A_244 : vector<1x16xf32> to vector<16xf32>
          %max3A_246 = arith.constant 0.000000e+00 : f32
          %max3A_247 = vector.broadcast %max3A_246 : f32 to vector<16xf32>
          %max3A_248 = arith.maximumf %get3A_245, %max3A_247 : vector<16xf32>
          %swap3A_249 = arith.index_cast %scan3A_208 : i32 to index
          %swap3A_250 = arith.constant 48 : index
          %swap3A_251 = tpu.vector_load %arg18[%swap3A_249, %swap3A_250] {strides = array<i32>} : memref<80x128xf32, #tpu.memory_space<vmem>>, vector<1x16xf32>,
          %swap3A_252 = vector.shape_cast %swap3A_251 : vector<1x16xf32> to vector<16xf32>
          %swap3A_253 = vector.shape_cast %max3A_248 : vector<16xf32> to vector<1x16xf32>
          tpu.vector_store %arg18[%swap3A_249, %swap3A_250], %swap3A_253 {strides = array<i32>} : memref<80x128xf32, #tpu.memory_space<vmem>>, vector<1x16xf32>,
          %get3A_254 = arith.index_cast %scan3A_208 : i32 to index
          %get3A_255 = arith.constant 64 : index
          %get3A_256 = tpu.vector_load %arg18[%get3A_254, %get3A_255] {strides = array<i32>} : memref<80x128xf32, #tpu.memory_space<vmem>>, vector<1x16xf32>,
          %get3A_257 = vector.shape_cast %get3A_256 : vector<1x16xf32> to vector<16xf32>
          %max3A_258 = arith.constant 0.000000e+00 : f32
          %max3A_259 = vector.broadcast %max3A_258 : f32 to vector<16xf32>
          %max3A_260 = arith.maximumf %get3A_257, %max3A_259 : vector<16xf32>
          %swap3A_261 = arith.index_cast %scan3A_208 : i32 to index
          %swap3A_262 = arith.constant 64 : index
          %swap3A_263 = tpu.vector_load %arg18[%swap3A_261, %swap3A_262] {strides = array<i32>} : memref<80x128xf32, #tpu.memory_space<vmem>>, vector<1x16xf32>,
          %swap3A_264 = vector.shape_cast %swap3A_263 : vector<1x16xf32> to vector<16xf32>
          %swap3A_265 = vector.shape_cast %max3A_260 : vector<16xf32> to vector<1x16xf32>
          tpu.vector_store %arg18[%swap3A_261, %swap3A_262], %swap3A_265 {strides = array<i32>} : memref<80x128xf32, #tpu.memory_space<vmem>>, vector<1x16xf32>,
          %get3A_266 = arith.index_cast %scan3A_208 : i32 to index
          %get3A_267 = arith.constant 80 : index
          %get3A_268 = tpu.vector_load %arg18[%get3A_266, %get3A_267] {strides = array<i32>} : memref<80x128xf32, #tpu.memory_space<vmem>>, vector<1x16xf32>,
          %get3A_269 = vector.shape_cast %get3A_268 : vector<1x16xf32> to vector<16xf32>
          %max3A_270 = arith.constant 0.000000e+00 : f32
          %max3A_271 = vector.broadcast %max3A_270 : f32 to vector<16xf32>
          %max3A_272 = arith.maximumf %get3A_269, %max3A_271 : vector<16xf32>
          %swap3A_273 = arith.index_cast %scan3A_208 : i32 to index
          %swap3A_274 = arith.constant 80 : index
          %swap3A_275 = tpu.vector_load %arg18[%swap3A_273, %swap3A_274] {strides = array<i32>} : memref<80x128xf32, #tpu.memory_space<vmem>>, vector<1x16xf32>,
          %swap3A_276 = vector.shape_cast %swap3A_275 : vector<1x16xf32> to vector<16xf32>
          %swap3A_277 = vector.shape_cast %max3A_272 : vector<16xf32> to vector<1x16xf32>
          tpu.vector_store %arg18[%swap3A_273, %swap3A_274], %swap3A_277 {strides = array<i32>} : memref<80x128xf32, #tpu.memory_space<vmem>>, vector<1x16xf32>,
          %get3A_278 = arith.index_cast %scan3A_208 : i32 to index
          %get3A_279 = arith.constant 96 : index
          %get3A_280 = tpu.vector_load %arg18[%get3A_278, %get3A_279] {strides = array<i32>} : memref<80x128xf32, #tpu.memory_space<vmem>>, vector<1x16xf32>,
          %get3A_281 = vector.shape_cast %get3A_280 : vector<1x16xf32> to vector<16xf32>
          %max3A_282 = arith.constant 0.000000e+00 : f32
          %max3A_283 = vector.broadcast %max3A_282 : f32 to vector<16xf32>
          %max3A_284 = arith.maximumf %get3A_281, %max3A_283 : vector<16xf32>
          %swap3A_285 = arith.index_cast %scan3A_208 : i32 to index
          %swap3A_286 = arith.constant 96 : index
          %swap3A_287 = tpu.vector_load %arg18[%swap3A_285, %swap3A_286] {strides = array<i32>} : memref<80x128xf32, #tpu.memory_space<vmem>>, vector<1x16xf32>,
          %swap3A_288 = vector.shape_cast %swap3A_287 : vector<1x16xf32> to vector<16xf32>
          %swap3A_289 = vector.shape_cast %max3A_284 : vector<16xf32> to vector<1x16xf32>
          tpu.vector_store %arg18[%swap3A_285, %swap3A_286], %swap3A_289 {strides = array<i32>} : memref<80x128xf32, #tpu.memory_space<vmem>>, vector<1x16xf32>,
          %get3A_290 = arith.index_cast %scan3A_208 : i32 to index
          %get3A_291 = arith.constant 112 : index
          %get3A_292 = tpu.vector_load %arg18[%get3A_290, %get3A_291] {strides = array<i32>} : memref<80x128xf32, #tpu.memory_space<vmem>>, vector<1x16xf32>,
          %get3A_293 = vector.shape_cast %get3A_292 : vector<1x16xf32> to vector<16xf32>
          %max3A_294 = arith.constant 0.000000e+00 : f32
          %max3A_295 = vector.broadcast %max3A_294 : f32 to vector<16xf32>
          %max3A_296 = arith.maximumf %get3A_293, %max3A_295 : vector<16xf32>
          %swap3A_297 = arith.index_cast %scan3A_208 : i32 to index
          %swap3A_298 = arith.constant 112 : index
          %swap3A_299 = tpu.vector_load %arg18[%swap3A_297, %swap3A_298] {strides = array<i32>} : memref<80x128xf32, #tpu.memory_space<vmem>>, vector<1x16xf32>,
          %swap3A_300 = vector.shape_cast %swap3A_299 : vector<1x16xf32> to vector<16xf32>
          %swap3A_301 = vector.shape_cast %max3A_296 : vector<16xf32> to vector<1x16xf32>
          tpu.vector_store %arg18[%swap3A_297, %swap3A_298], %swap3A_301 {strides = array<i32>} : memref<80x128xf32, #tpu.memory_space<vmem>>, vector<1x16xf32>,
        }
        %scan3A_204 = arith.constant 80 : i32
        %dma_start3A_205 = arith.constant 0 : i32
        %dma_start3A_206 = arith.constant 0 : i32
        %dma_start3A_207 = tpu.memref_slice %arg21[%dma_start3A_205, %dma_start3A_206] : memref<10000x128xf32, #tpu.memory_space<vmem_shared>> -> memref<10000x128xf32, #tpu.memory_space<vmem_shared>>
        tpu.enqueue_indirect_dma source(%arg18 : memref<80x128xf32, #tpu.memory_space<vmem>>) target(%dma_start3A_207 : memref<10000x128xf32, #tpu.memory_space<vmem_shared>>) offsets(%arg20 : memref<80xi32, #tpu.memory_space<vmem>>) semaphore(%arg33 : memref<!tpu.dma_semaphore, #tpu.memory_space<semaphore_mem>>) {add = true}
      } else {
      }
    }
    %scan3A_77 = arith.constant 125 : i32
    %dma_wait3A_78 = arith.constant 0 : i32
    %dma_wait3A_79 = arith.constant 0 : i32
    %dma_wait3A_80 = tpu.memref_slice %arg21[%dma_wait3A_78, %dma_wait3A_79] : memref<10000x128xf32, #tpu.memory_space<vmem_shared>> -> memref<10000x128xf32, #tpu.memory_space<vmem_shared>>
    tpu.wait_indirect_dma semaphore(%arg24 : memref<!tpu.dma_semaphore, #tpu.memory_space<semaphore_mem>>) src(%arg9 : memref<80x128xf32, #tpu.memory_space<vmem>>) dst(%dma_wait3A_80 : memref<10000x128xf32, #tpu.memory_space<vmem_shared>>)
    %barrier3A_81 = arith.constant 0 : index
    tpu.barrier barrier_id(%barrier3A_81)
    %lt3A = arith.constant 15 : i32
    %lt3A_82 = arith.cmpi slt, %arg1, %lt3A : i32
    %convert_element_type3A_83 = arith.extui %lt3A_82 : i1 to i32
    %cond3A_84 = arith.constant 0 : i32
    %cond3A_85 = arith.cmpi ne, %convert_element_type3A_83, %cond3A_84 : i32
    scf.if %cond3A_85 {
      %mul3A_91 = arith.constant 632 : i32
      %mul3A_92 = arith.muli %arg1, %mul3A_91 : i32
      %multiple_of3A = tpu.assume_multiple %mul3A_92, 8 : i32
      "tpu.region"() ({
        %run_scoped3A = tpu.sem_alloc : memref<!tpu.dma_semaphore, #tpu.memory_space<semaphore_mem>>
        %dma_start3A_93 = arith.constant 0 : i32
        %dma_start3A_94 = tpu.memref_slice %arg8[%arg0, %multiple_of3A, %dma_start3A_93] : memref<2x10000x128xf32, #tpu.memory_space<hbm>> -> memref<1x632x128xf32, #tpu.memory_space<hbm>>
        %dma_start3A_95 = tpu.memref_squeeze %dma_start3A_94 : memref<1x632x128xf32, #tpu.memory_space<hbm>> -> memref<632x128xf32, #tpu.memory_space<hbm>>
        %dma_start3A_96 = arith.constant 0 : i32
        %dma_start3A_97 = tpu.memref_slice %arg21[%multiple_of3A, %dma_start3A_96] : memref<10000x128xf32, #tpu.memory_space<vmem_shared>> -> memref<632x128xf32, #tpu.memory_space<vmem_shared>>
        tpu.enqueue_dma source(%dma_start3A_97 : memref<632x128xf32, #tpu.memory_space<vmem_shared>>) target(%dma_start3A_95 : memref<632x128xf32, #tpu.memory_space<hbm>>) target_semaphore(%run_scoped3A : memref<!tpu.dma_semaphore, #tpu.memory_space<semaphore_mem>>)
        %dma_wait3A_98 = arith.constant 0 : i32
        %dma_wait3A_99 = tpu.memref_slice %arg8[%arg0, %multiple_of3A, %dma_wait3A_98] : memref<2x10000x128xf32, #tpu.memory_space<hbm>> -> memref<1x632x128xf32, #tpu.memory_space<hbm>>
        %dma_wait3A_100 = tpu.memref_squeeze %dma_wait3A_99 : memref<1x632x128xf32, #tpu.memory_space<hbm>> -> memref<632x128xf32, #tpu.memory_space<hbm>>
        %dma_wait3A_101 = arith.constant 0 : i32
        %dma_wait3A_102 = tpu.memref_slice %arg21[%multiple_of3A, %dma_wait3A_101] : memref<10000x128xf32, #tpu.memory_space<vmem_shared>> -> memref<632x128xf32, #tpu.memory_space<vmem_shared>>
        tpu.wait_dma2 semaphore(%run_scoped3A : memref<!tpu.dma_semaphore, #tpu.memory_space<semaphore_mem>>) src(%dma_wait3A_102 : memref<632x128xf32, #tpu.memory_space<vmem_shared>>) dst(%dma_wait3A_100 : memref<632x128xf32, #tpu.memory_space<hbm>>)
        tpu.yield
      }) : () -> ()
    } else {
    }
    %eq3A_86 = arith.constant 15 : i32
    %eq3A_87 = arith.cmpi eq, %arg1, %eq3A_86 : i32
    %convert_element_type3A_88 = arith.extui %eq3A_87 : i1 to i32
    %cond3A_89 = arith.constant 0 : i32
    %cond3A_90 = arith.cmpi ne, %convert_element_type3A_88, %cond3A_89 : i32
    scf.if %cond3A_90 {
      "tpu.region"() ({
        %run_scoped3A = tpu.sem_alloc : memref<!tpu.dma_semaphore, #tpu.memory_space<semaphore_mem>>
        %dma_start3A_91 = arith.constant 9480 : i32
        %dma_start3A_92 = arith.constant 0 : i32
        %dma_start3A_93 = tpu.memref_slice %arg8[%arg0, %dma_start3A_91, %dma_start3A_92] : memref<2x10000x128xf32, #tpu.memory_space<hbm>> -> memref<1x520x128xf32, #tpu.memory_space<hbm>>
        %dma_start3A_94 = tpu.memref_squeeze %dma_start3A_93 : memref<1x520x128xf32, #tpu.memory_space<hbm>> -> memref<520x128xf32, #tpu.memory_space<hbm>>
        %dma_start3A_95 = arith.constant 9480 : i32
        %dma_start3A_96 = arith.constant 0 : i32
        %dma_start3A_97 = tpu.memref_slice %arg21[%dma_start3A_95, %dma_start3A_96] : memref<10000x128xf32, #tpu.memory_space<vmem_shared>> -> memref<520x128xf32, #tpu.memory_space<vmem_shared>>
        tpu.enqueue_dma source(%dma_start3A_97 : memref<520x128xf32, #tpu.memory_space<vmem_shared>>) target(%dma_start3A_94 : memref<520x128xf32, #tpu.memory_space<hbm>>) target_semaphore(%run_scoped3A : memref<!tpu.dma_semaphore, #tpu.memory_space<semaphore_mem>>)
        %dma_wait3A_98 = arith.constant 9480 : i32
        %dma_wait3A_99 = arith.constant 0 : i32
        %dma_wait3A_100 = tpu.memref_slice %arg8[%arg0, %dma_wait3A_98, %dma_wait3A_99] : memref<2x10000x128xf32, #tpu.memory_space<hbm>> -> memref<1x520x128xf32, #tpu.memory_space<hbm>>
        %dma_wait3A_101 = tpu.memref_squeeze %dma_wait3A_100 : memref<1x520x128xf32, #tpu.memory_space<hbm>> -> memref<520x128xf32, #tpu.memory_space<hbm>>
        %dma_wait3A_102 = arith.constant 9480 : i32
        %dma_wait3A_103 = arith.constant 0 : i32
        %dma_wait3A_104 = tpu.memref_slice %arg21[%dma_wait3A_102, %dma_wait3A_103] : memref<10000x128xf32, #tpu.memory_space<vmem_shared>> -> memref<520x128xf32, #tpu.memory_space<vmem_shared>>
        tpu.wait_dma2 semaphore(%run_scoped3A : memref<!tpu.dma_semaphore, #tpu.memory_space<semaphore_mem>>) src(%dma_wait3A_104 : memref<520x128xf32, #tpu.memory_space<vmem_shared>>) dst(%dma_wait3A_101 : memref<520x128xf32, #tpu.memory_space<hbm>>)
        tpu.yield
      }) : () -> ()
    } else {
    }
    return
  }
}

#map = affine_map<(d0, d1) -> (0, 0)>
#map1 = affine_map<(d0, d1) -> (0)>
#map2 = affine_map<(d0, d1) -> (0, 0, 0)>
module attributes {stable_mosaic.version = 14 : i64} {
  func.func @_sc_mpnn_body(%arg0: i32, %arg1: i32, %arg2: memref<10000x128xf32, #tpu.memory_space<hbm>>, %arg3: memref<10000x128xf32, #tpu.memory_space<hbm>>, %arg4: memref<320000x128xf32, #tpu.memory_space<hbm>>, %arg5: memref<320000xi32, #tpu.memory_space<hbm>>, %arg6: memref<320000xi32, #tpu.memory_space<hbm>>, %arg7: memref<10000x128xf32, #tpu.memory_space<hbm>>, %arg8: memref<2x10000x128xf32, #tpu.memory_space<hbm>>, %arg9: memref<80x128xf32, #tpu.memory_space<vmem>>, %arg10: memref<80xi32, #tpu.memory_space<vmem>>, %arg11: memref<80xi32, #tpu.memory_space<vmem>>, %arg12: memref<80x128xf32, #tpu.memory_space<vmem>>, %arg13: memref<80xi32, #tpu.memory_space<vmem>>, %arg14: memref<80xi32, #tpu.memory_space<vmem>>, %arg15: memref<80x128xf32, #tpu.memory_space<vmem>>, %arg16: memref<80xi32, #tpu.memory_space<vmem>>, %arg17: memref<80xi32, #tpu.memory_space<vmem>>, %arg18: memref<80x128xf32, #tpu.memory_space<vmem>>, %arg19: memref<80xi32, #tpu.memory_space<vmem>>, %arg20: memref<80xi32, #tpu.memory_space<vmem>>, %arg21: memref<10000x128xf32, #tpu.memory_space<vmem_shared>>, %arg22: memref<!tpu.dma_semaphore, #tpu.memory_space<semaphore_mem>>, %arg23: memref<!tpu.dma_semaphore, #tpu.memory_space<semaphore_mem>>, %arg24: memref<!tpu.dma_semaphore, #tpu.memory_space<semaphore_mem>>, %arg25: memref<!tpu.dma_semaphore, #tpu.memory_space<semaphore_mem>>, %arg26: memref<!tpu.dma_semaphore, #tpu.memory_space<semaphore_mem>>, %arg27: memref<!tpu.dma_semaphore, #tpu.memory_space<semaphore_mem>>, %arg28: memref<!tpu.dma_semaphore, #tpu.memory_space<semaphore_mem>>, %arg29: memref<!tpu.dma_semaphore, #tpu.memory_space<semaphore_mem>>, %arg30: memref<!tpu.dma_semaphore, #tpu.memory_space<semaphore_mem>>, %arg31: memref<!tpu.dma_semaphore, #tpu.memory_space<semaphore_mem>>, %arg32: memref<!tpu.dma_semaphore, #tpu.memory_space<semaphore_mem>>, %arg33: memref<!tpu.dma_semaphore, #tpu.memory_space<semaphore_mem>>) attributes {dimension_semantics = [#tpu.dimension_semantics<core_parallel>, #tpu.dimension_semantics<subcore_parallel>], iteration_bounds = array<i64: 2, 16>, scalar_prefetch = 0 : i64, scratch_operands = 25 : i64, tpu.core_type = #tpu.core_type<sc_vector_subcore>, window_params = [{transform_indices = #map}, {transform_indices = #map}, {transform_indices = #map}, {transform_indices = #map1}, {transform_indices = #map1}, {transform_indices = #map}, {transform_indices = #map2}]} {
    %mul3A = arith.constant 2 : i32
    %mul3A_0 = arith.muli %arg1, %mul3A : i32
    %add3A = arith.addi %mul3A_0, %arg0 : i32
    %eq3A = arith.constant 0 : i32
    %eq3A_1 = arith.cmpi eq, %arg1, %eq3A : i32
    %convert_element_type3A = arith.extui %eq3A_1 : i1 to i32
    %cond3A = arith.constant 0 : i32
    %cond3A_2 = arith.cmpi ne, %convert_element_type3A, %cond3A : i32
    scf.if %cond3A_2 {
      "tpu.region"() ({
        %run_scoped3A = tpu.sem_alloc : memref<!tpu.dma_semaphore, #tpu.memory_space<semaphore_mem>>
        tpu.enqueue_dma source(%arg7 : memref<10000x128xf32, #tpu.memory_space<hbm>>) target(%arg21 : memref<10000x128xf32, #tpu.memory_space<vmem_shared>>) target_semaphore(%run_scoped3A : memref<!tpu.dma_semaphore, #tpu.memory_space<semaphore_mem>>)
        tpu.wait_dma2 semaphore(%run_scoped3A : memref<!tpu.dma_semaphore, #tpu.memory_space<semaphore_mem>>) src(%arg7 : memref<10000x128xf32, #tpu.memory_space<hbm>>) dst(%arg21 : memref<10000x128xf32, #tpu.memory_space<vmem_shared>>)
        tpu.yield
      }) : () -> ()
    } else {
    }
    %barrier3A = arith.constant 0 : index
    tpu.barrier barrier_id(%barrier3A)
    %mul3A_3 = arith.constant 10000 : i32
    %mul3A_4 = arith.muli %add3A, %mul3A_3 : i32
    %add3A_5 = arith.constant 0 : i32
    %add3A_6 = arith.addi %mul3A_4, %add3A_5 : i32
    %dma_start3A = tpu.memref_slice %arg5[%add3A_6] : memref<320000xi32, #tpu.memory_space<hbm>> -> memref<80xi32, #tpu.memory_space<hbm>>
    %dma_start3A_7 = tpu.memref_slice %arg5[%add3A_6] : memref<320000xi32, #tpu.memory_space<hbm>> -> memref<80xi32, #tpu.memory_space<hbm>>
    tpu.enqueue_dma source(%dma_start3A_7 : memref<80xi32, #tpu.memory_space<hbm>>) target(%arg10 : memref<80xi32, #tpu.memory_space<vmem>>) target_semaphore(%arg22 : memref<!tpu.dma_semaphore, #tpu.memory_space<semaphore_mem>>)
    %dma_start3A_8 = tpu.memref_slice %arg6[%add3A_6] : memref<320000xi32, #tpu.memory_space<hbm>> -> memref<80xi32, #tpu.memory_space<hbm>>
    %dma_start3A_9 = tpu.memref_slice %arg6[%add3A_6] : memref<320000xi32, #tpu.memory_space<hbm>> -> memref<80xi32, #tpu.memory_space<hbm>>
    tpu.enqueue_dma source(%dma_start3A_9 : memref<80xi32, #tpu.memory_space<hbm>>) target(%arg11 : memref<80xi32, #tpu.memory_space<vmem>>) target_semaphore(%arg22 : memref<!tpu.dma_semaphore, #tpu.memory_space<semaphore_mem>>)
    %dma_start3A_10 = arith.constant 0 : i32
    %dma_start3A_11 = tpu.memref_slice %arg4[%add3A_6, %dma_start3A_10] : memref<320000x128xf32, #tpu.memory_space<hbm>> -> memref<80x128xf32, #tpu.memory_space<hbm>>
    %dma_start3A_12 = arith.constant 0 : i32
    %dma_start3A_13 = tpu.memref_slice %arg4[%add3A_6, %dma_start3A_12] : memref<320000x128xf32, #tpu.memory_space<hbm>> -> memref<80x128xf32, #tpu.memory_space<hbm>>
    tpu.enqueue_dma source(%dma_start3A_13 : memref<80x128xf32, #tpu.memory_space<hbm>>) target(%arg9 : memref<80x128xf32, #tpu.memory_space<vmem>>) target_semaphore(%arg22 : memref<!tpu.dma_semaphore, #tpu.memory_space<semaphore_mem>>)
    %mul3A_14 = arith.constant 10000 : i32
    %mul3A_15 = arith.muli %add3A, %mul3A_14 : i32
    %add3A_16 = arith.constant 80 : i32
    %add3A_17 = arith.addi %mul3A_15, %add3A_16 : i32
    %dma_start3A_18 = tpu.memref_slice %arg5[%add3A_17] : memref<320000xi32, #tpu.memory_space<hbm>> -> memref<80xi32, #tpu.memory_space<hbm>>
    %dma_start3A_19 = tpu.memref_slice %arg5[%add3A_17] : memref<320000xi32, #tpu.memory_space<hbm>> -> memref<80xi32, #tpu.memory_space<hbm>>
    tpu.enqueue_dma source(%dma_start3A_19 : memref<80xi32, #tpu.memory_space<hbm>>) target(%arg13 : memref<80xi32, #tpu.memory_space<vmem>>) target_semaphore(%arg25 : memref<!tpu.dma_semaphore, #tpu.memory_space<semaphore_mem>>)
    %dma_start3A_20 = tpu.memref_slice %arg6[%add3A_17] : memref<320000xi32, #tpu.memory_space<hbm>> -> memref<80xi32, #tpu.memory_space<hbm>>
    %dma_start3A_21 = tpu.memref_slice %arg6[%add3A_17] : memref<320000xi32, #tpu.memory_space<hbm>> -> memref<80xi32, #tpu.memory_space<hbm>>
    tpu.enqueue_dma source(%dma_start3A_21 : memref<80xi32, #tpu.memory_space<hbm>>) target(%arg14 : memref<80xi32, #tpu.memory_space<vmem>>) target_semaphore(%arg25 : memref<!tpu.dma_semaphore, #tpu.memory_space<semaphore_mem>>)
    %dma_start3A_22 = arith.constant 0 : i32
    %dma_start3A_23 = tpu.memref_slice %arg4[%add3A_17, %dma_start3A_22] : memref<320000x128xf32, #tpu.memory_space<hbm>> -> memref<80x128xf32, #tpu.memory_space<hbm>>
    %dma_start3A_24 = arith.constant 0 : i32
    %dma_start3A_25 = tpu.memref_slice %arg4[%add3A_17, %dma_start3A_24] : memref<320000x128xf32, #tpu.memory_space<hbm>> -> memref<80x128xf32, #tpu.memory_space<hbm>>
    tpu.enqueue_dma source(%dma_start3A_25 : memref<80x128xf32, #tpu.memory_space<hbm>>) target(%arg12 : memref<80x128xf32, #tpu.memory_space<vmem>>) target_semaphore(%arg25 : memref<!tpu.dma_semaphore, #tpu.memory_space<semaphore_mem>>)
    %mul3A_26 = arith.constant 10000 : i32
    %mul3A_27 = arith.muli %add3A, %mul3A_26 : i32
    %add3A_28 = arith.constant 160 : i32
    %add3A_29 = arith.addi %mul3A_27, %add3A_28 : i32
    %dma_start3A_30 = tpu.memref_slice %arg5[%add3A_29] : memref<320000xi32, #tpu.memory_space<hbm>> -> memref<80xi32, #tpu.memory_space<hbm>>
    %dma_start3A_31 = tpu.memref_slice %arg5[%add3A_29] : memref<320000xi32, #tpu.memory_space<hbm>> -> memref<80xi32, #tpu.memory_space<hbm>>
    tpu.enqueue_dma source(%dma_start3A_31 : memref<80xi32, #tpu.memory_space<hbm>>) target(%arg16 : memref<80xi32, #tpu.memory_space<vmem>>) target_semaphore(%arg28 : memref<!tpu.dma_semaphore, #tpu.memory_space<semaphore_mem>>)
    %dma_start3A_32 = tpu.memref_slice %arg6[%add3A_29] : memref<320000xi32, #tpu.memory_space<hbm>> -> memref<80xi32, #tpu.memory_space<hbm>>
    %dma_start3A_33 = tpu.memref_slice %arg6[%add3A_29] : memref<320000xi32, #tpu.memory_space<hbm>> -> memref<80xi32, #tpu.memory_space<hbm>>
    tpu.enqueue_dma source(%dma_start3A_33 : memref<80xi32, #tpu.memory_space<hbm>>) target(%arg17 : memref<80xi32, #tpu.memory_space<vmem>>) target_semaphore(%arg28 : memref<!tpu.dma_semaphore, #tpu.memory_space<semaphore_mem>>)
    %dma_start3A_34 = arith.constant 0 : i32
    %dma_start3A_35 = tpu.memref_slice %arg4[%add3A_29, %dma_start3A_34] : memref<320000x128xf32, #tpu.memory_space<hbm>> -> memref<80x128xf32, #tpu.memory_space<hbm>>
    %dma_start3A_36 = arith.constant 0 : i32
    %dma_start3A_37 = tpu.memref_slice %arg4[%add3A_29, %dma_start3A_36] : memref<320000x128xf32, #tpu.memory_space<hbm>> -> memref<80x128xf32, #tpu.memory_space<hbm>>
    tpu.enqueue_dma source(%dma_start3A_37 : memref<80x128xf32, #tpu.memory_space<hbm>>) target(%arg15 : memref<80x128xf32, #tpu.memory_space<vmem>>) target_semaphore(%arg28 : memref<!tpu.dma_semaphore, #tpu.memory_space<semaphore_mem>>)
    %mul3A_38 = arith.constant 10000 : i32
    %mul3A_39 = arith.muli %add3A, %mul3A_38 : i32
    %add3A_40 = arith.constant 0 : i32
    %add3A_41 = arith.addi %mul3A_39, %add3A_40 : i32
    %dma_wait3A = tpu.memref_slice %arg5[%add3A_41] : memref<320000xi32, #tpu.memory_space<hbm>> -> memref<80xi32, #tpu.memory_space<hbm>>
    %dma_wait3A_42 = tpu.memref_slice %arg5[%add3A_41] : memref<320000xi32, #tpu.memory_space<hbm>> -> memref<80xi32, #tpu.memory_space<hbm>>
    tpu.wait_dma2 semaphore(%arg22 : memref<!tpu.dma_semaphore, #tpu.memory_space<semaphore_mem>>) src(%dma_wait3A_42 : memref<80xi32, #tpu.memory_space<hbm>>) dst(%arg10 : memref<80xi32, #tpu.memory_space<vmem>>)
    %dma_wait3A_43 = tpu.memref_slice %arg6[%add3A_41] : memref<320000xi32, #tpu.memory_space<hbm>> -> memref<80xi32, #tpu.memory_space<hbm>>
    %dma_wait3A_44 = tpu.memref_slice %arg6[%add3A_41] : memref<320000xi32, #tpu.memory_space<hbm>> -> memref<80xi32, #tpu.memory_space<hbm>>
    tpu.wait_dma2 semaphore(%arg22 : memref<!tpu.dma_semaphore, #tpu.memory_space<semaphore_mem>>) src(%dma_wait3A_44 : memref<80xi32, #tpu.memory_space<hbm>>) dst(%arg11 : memref<80xi32, #tpu.memory_space<vmem>>)
    %dma_wait3A_45 = arith.constant 0 : i32
    %dma_wait3A_46 = tpu.memref_slice %arg4[%add3A_41, %dma_wait3A_45] : memref<320000x128xf32, #tpu.memory_space<hbm>> -> memref<80x128xf32, #tpu.memory_space<hbm>>
    %dma_wait3A_47 = arith.constant 0 : i32
    %dma_wait3A_48 = tpu.memref_slice %arg4[%add3A_41, %dma_wait3A_47] : memref<320000x128xf32, #tpu.memory_space<hbm>> -> memref<80x128xf32, #tpu.memory_space<hbm>>
    tpu.wait_dma2 semaphore(%arg22 : memref<!tpu.dma_semaphore, #tpu.memory_space<semaphore_mem>>) src(%dma_wait3A_48 : memref<80x128xf32, #tpu.memory_space<hbm>>) dst(%arg9 : memref<80x128xf32, #tpu.memory_space<vmem>>)
    %dma_start3A_49 = arith.constant 0 : i32
    %dma_start3A_50 = arith.constant 0 : i32
    %dma_start3A_51 = tpu.memref_slice %arg2[%dma_start3A_49, %dma_start3A_50] : memref<10000x128xf32, #tpu.memory_space<hbm>> -> memref<10000x128xf32, #tpu.memory_space<hbm>>
    tpu.enqueue_indirect_dma source(%dma_start3A_51 : memref<10000x128xf32, #tpu.memory_space<hbm>>) target(%arg9 : memref<80x128xf32, #tpu.memory_space<vmem>>) offsets(%arg10 : memref<80xi32, #tpu.memory_space<vmem>>) semaphore(%arg23 : memref<!tpu.dma_semaphore, #tpu.memory_space<semaphore_mem>>) {add = true}
    %mul3A_52 = arith.constant 10000 : i32
    %mul3A_53 = arith.muli %add3A, %mul3A_52 : i32
    %add3A_54 = arith.constant 80 : i32
    %add3A_55 = arith.addi %mul3A_53, %add3A_54 : i32
    %dma_wait3A_56 = tpu.memref_slice %arg5[%add3A_55] : memref<320000xi32, #tpu.memory_space<hbm>> -> memref<80xi32, #tpu.memory_space<hbm>>
    %dma_wait3A_57 = tpu.memref_slice %arg5[%add3A_55] : memref<320000xi32, #tpu.memory_space<hbm>> -> memref<80xi32, #tpu.memory_space<hbm>>
    tpu.wait_dma2 semaphore(%arg25 : memref<!tpu.dma_semaphore, #tpu.memory_space<semaphore_mem>>) src(%dma_wait3A_57 : memref<80xi32, #tpu.memory_space<hbm>>) dst(%arg13 : memref<80xi32, #tpu.memory_space<vmem>>)
    %dma_wait3A_58 = tpu.memref_slice %arg6[%add3A_55] : memref<320000xi32, #tpu.memory_space<hbm>> -> memref<80xi32, #tpu.memory_space<hbm>>
    %dma_wait3A_59 = tpu.memref_slice %arg6[%add3A_55] : memref<320000xi32, #tpu.memory_space<hbm>> -> memref<80xi32, #tpu.memory_space<hbm>>
    tpu.wait_dma2 semaphore(%arg25 : memref<!tpu.dma_semaphore, #tpu.memory_space<semaphore_mem>>) src(%dma_wait3A_59 : memref<80xi32, #tpu.memory_space<hbm>>) dst(%arg14 : memref<80xi32, #tpu.memory_space<vmem>>)
    %dma_wait3A_60 = arith.constant 0 : i32
    %dma_wait3A_61 = tpu.memref_slice %arg4[%add3A_55, %dma_wait3A_60] : memref<320000x128xf32, #tpu.memory_space<hbm>> -> memref<80x128xf32, #tpu.memory_space<hbm>>
    %dma_wait3A_62 = arith.constant 0 : i32
    %dma_wait3A_63 = tpu.memref_slice %arg4[%add3A_55, %dma_wait3A_62] : memref<320000x128xf32, #tpu.memory_space<hbm>> -> memref<80x128xf32, #tpu.memory_space<hbm>>
    tpu.wait_dma2 semaphore(%arg25 : memref<!tpu.dma_semaphore, #tpu.memory_space<semaphore_mem>>) src(%dma_wait3A_63 : memref<80x128xf32, #tpu.memory_space<hbm>>) dst(%arg12 : memref<80x128xf32, #tpu.memory_space<vmem>>)
    %dma_start3A_64 = arith.constant 0 : i32
    %dma_start3A_65 = arith.constant 0 : i32
    %dma_start3A_66 = tpu.memref_slice %arg2[%dma_start3A_64, %dma_start3A_65] : memref<10000x128xf32, #tpu.memory_space<hbm>> -> memref<10000x128xf32, #tpu.memory_space<hbm>>
    tpu.enqueue_indirect_dma source(%dma_start3A_66 : memref<10000x128xf32, #tpu.memory_space<hbm>>) target(%arg12 : memref<80x128xf32, #tpu.memory_space<vmem>>) offsets(%arg13 : memref<80xi32, #tpu.memory_space<vmem>>) semaphore(%arg26 : memref<!tpu.dma_semaphore, #tpu.memory_space<semaphore_mem>>) {add = true}
    %dma_wait3A_67 = arith.constant 0 : i32
    %dma_wait3A_68 = arith.constant 0 : i32
    %dma_wait3A_69 = tpu.memref_slice %arg2[%dma_wait3A_67, %dma_wait3A_68] : memref<10000x128xf32, #tpu.memory_space<hbm>> -> memref<10000x128xf32, #tpu.memory_space<hbm>>
    tpu.wait_indirect_dma semaphore(%arg23 : memref<!tpu.dma_semaphore, #tpu.memory_space<semaphore_mem>>) src(%dma_wait3A_69 : memref<10000x128xf32, #tpu.memory_space<hbm>>) dst(%arg9 : memref<80x128xf32, #tpu.memory_space<vmem>>)
    %dma_start3A_70 = arith.constant 0 : i32
    %dma_start3A_71 = arith.constant 0 : i32
    %dma_start3A_72 = tpu.memref_slice %arg3[%dma_start3A_70, %dma_start3A_71] : memref<10000x128xf32, #tpu.memory_space<hbm>> -> memref<10000x128xf32, #tpu.memory_space<hbm>>
    tpu.enqueue_indirect_dma source(%dma_start3A_72 : memref<10000x128xf32, #tpu.memory_space<hbm>>) target(%arg9 : memref<80x128xf32, #tpu.memory_space<vmem>>) offsets(%arg11 : memref<80xi32, #tpu.memory_space<vmem>>) semaphore(%arg23 : memref<!tpu.dma_semaphore, #tpu.memory_space<semaphore_mem>>) {add = true}
    %scan3A = arith.constant 0 : i32
    %scan3A_73 = arith.constant 0 : i32
    %scan3A_74 = arith.constant 125 : i32
    %scan3A_75 = arith.addi %scan3A_73, %scan3A_74 : i32
    %scan3A_76 = arith.constant 1 : i32
    scf.for %scan3A_91 = %scan3A_73 to %scan3A_75 step %scan3A_76  : i32 {
      %jit3A = arith.constant 4 : i32
      %eq3A_92 = arith.constant 0 : i32
      %eq3A_93 = arith.cmpi eq, %jit3A, %eq3A_92 : i32
      %jit3A_94 = arith.constant 1 : i32
      %select_n3A = arith.select %eq3A_93, %jit3A_94, %jit3A : i32
      %rem3A = arith.remsi %scan3A_91, %select_n3A : i32
      %ne3A = arith.constant 0 : i32
      %ne3A_95 = arith.cmpi ne, %rem3A, %ne3A : i32
      %lt3A_96 = arith.constant 0 : i32
      %lt3A_97 = arith.cmpi slt, %rem3A, %lt3A_96 : i32
      %lt3A_98 = arith.constant 0 : i32
      %lt3A_99 = arith.cmpi slt, %select_n3A, %lt3A_98 : i32
      %ne3A_100 = arith.xori %lt3A_97, %lt3A_99 : i1
      %and3A = arith.andi %ne3A_100, %ne3A_95 : i1
      %add3A_101 = arith.addi %rem3A, %select_n3A : i32
      %select_n3A_102 = arith.select %and3A, %add3A_101, %rem3A : i32
      %eq3A_103 = arith.constant 0 : i32
      %eq3A_104 = arith.cmpi eq, %select_n3A_102, %eq3A_103 : i32
      %convert_element_type3A_105 = arith.extui %eq3A_104 : i1 to i32
      %cond3A_106 = arith.constant 0 : i32
      %cond3A_107 = arith.cmpi ne, %convert_element_type3A_105, %cond3A_106 : i32
      scf.if %cond3A_107 {
        %dma_wait3A_171 = arith.constant 0 : i32
        %dma_wait3A_172 = arith.constant 0 : i32
        %dma_wait3A_173 = tpu.memref_slice %arg3[%dma_wait3A_171, %dma_wait3A_172] : memref<10000x128xf32, #tpu.memory_space<hbm>> -> memref<10000x128xf32, #tpu.memory_space<hbm>>
        tpu.wait_indirect_dma semaphore(%arg23 : memref<!tpu.dma_semaphore, #tpu.memory_space<semaphore_mem>>) src(%dma_wait3A_173 : memref<10000x128xf32, #tpu.memory_space<hbm>>) dst(%arg9 : memref<80x128xf32, #tpu.memory_space<vmem>>)
        %ge3A = arith.constant 1 : i32
        %ge3A_174 = arith.cmpi sge, %scan3A_91, %ge3A : i32
        %convert_element_type3A_175 = arith.extui %ge3A_174 : i1 to i32
        %cond3A_176 = arith.constant 0 : i32
        %cond3A_177 = arith.cmpi ne, %convert_element_type3A_175, %cond3A_176 : i32
        scf.if %cond3A_177 {
          %dma_wait3A_208 = arith.constant 0 : i32
          %dma_wait3A_209 = arith.constant 0 : i32
          %dma_wait3A_210 = tpu.memref_slice %arg21[%dma_wait3A_208, %dma_wait3A_209] : memref<10000x128xf32, #tpu.memory_space<vmem_shared>> -> memref<10000x128xf32, #tpu.memory_space<vmem_shared>>
          tpu.wait_indirect_dma semaphore(%arg33 : memref<!tpu.dma_semaphore, #tpu.memory_space<semaphore_mem>>) src(%arg18 : memref<80x128xf32, #tpu.memory_space<vmem>>) dst(%dma_wait3A_210 : memref<10000x128xf32, #tpu.memory_space<vmem_shared>>)
        } else {
        }
        %add3A_178 = arith.constant 3 : i32
        %add3A_179 = arith.addi %scan3A_91, %add3A_178 : i32
        %lt3A_180 = arith.constant 125 : i32
        %lt3A_181 = arith.cmpi slt, %add3A_179, %lt3A_180 : i32
        %convert_element_type3A_182 = arith.extui %lt3A_181 : i1 to i32
        %cond3A_183 = arith.constant 0 : i32
        %cond3A_184 = arith.cmpi ne, %convert_element_type3A_182, %cond3A_183 : i32
        scf.if %cond3A_184 {
          %add3A_208 = arith.constant 3 : i32
          %add3A_209 = arith.addi %scan3A_91, %add3A_208 : i32
          %mul3A_210 = arith.constant 10000 : i32
          %mul3A_211 = arith.muli %add3A, %mul3A_210 : i32
          %mul3A_212 = arith.constant 80 : i32
          %mul3A_213 = arith.muli %add3A_209, %mul3A_212 : i32
          %add3A_214 = arith.addi %mul3A_211, %mul3A_213 : i32
          %dma_start3A_215 = tpu.memref_slice %arg5[%add3A_214] : memref<320000xi32, #tpu.memory_space<hbm>> -> memref<80xi32, #tpu.memory_space<hbm>>
          %dma_start3A_216 = tpu.memref_slice %arg5[%add3A_214] : memref<320000xi32, #tpu.memory_space<hbm>> -> memref<80xi32, #tpu.memory_space<hbm>>
          tpu.enqueue_dma source(%dma_start3A_216 : memref<80xi32, #tpu.memory_space<hbm>>) target(%arg19 : memref<80xi32, #tpu.memory_space<vmem>>) target_semaphore(%arg31 : memref<!tpu.dma_semaphore, #tpu.memory_space<semaphore_mem>>)
          %dma_start3A_217 = tpu.memref_slice %arg6[%add3A_214] : memref<320000xi32, #tpu.memory_space<hbm>> -> memref<80xi32, #tpu.memory_space<hbm>>
          %dma_start3A_218 = tpu.memref_slice %arg6[%add3A_214] : memref<320000xi32, #tpu.memory_space<hbm>> -> memref<80xi32, #tpu.memory_space<hbm>>
          tpu.enqueue_dma source(%dma_start3A_218 : memref<80xi32, #tpu.memory_space<hbm>>) target(%arg20 : memref<80xi32, #tpu.memory_space<vmem>>) target_semaphore(%arg31 : memref<!tpu.dma_semaphore, #tpu.memory_space<semaphore_mem>>)
          %dma_start3A_219 = arith.constant 0 : i32
          %dma_start3A_220 = tpu.memref_slice %arg4[%add3A_214, %dma_start3A_219] : memref<320000x128xf32, #tpu.memory_space<hbm>> -> memref<80x128xf32, #tpu.memory_space<hbm>>
          %dma_start3A_221 = arith.constant 0 : i32
          %dma_start3A_222 = tpu.memref_slice %arg4[%add3A_214, %dma_start3A_221] : memref<320000x128xf32, #tpu.memory_space<hbm>> -> memref<80x128xf32, #tpu.memory_space<hbm>>
          tpu.enqueue_dma source(%dma_start3A_222 : memref<80x128xf32, #tpu.memory_space<hbm>>) target(%arg18 : memref<80x128xf32, #tpu.memory_space<vmem>>) target_semaphore(%arg31 : memref<!tpu.dma_semaphore, #tpu.memory_space<semaphore_mem>>)
        } else {
        }
        %add3A_185 = arith.constant 1 : i32
        %add3A_186 = arith.addi %scan3A_91, %add3A_185 : i32
        %lt3A_187 = arith.constant 125 : i32
        %lt3A_188 = arith.cmpi slt, %add3A_186, %lt3A_187 : i32
        %convert_element_type3A_189 = arith.extui %lt3A_188 : i1 to i32
        %cond3A_190 = arith.constant 0 : i32
        %cond3A_191 = arith.cmpi ne, %convert_element_type3A_189, %cond3A_190 : i32
        scf.if %cond3A_191 {
          %dma_wait3A_208 = arith.constant 0 : i32
          %dma_wait3A_209 = arith.constant 0 : i32
          %dma_wait3A_210 = tpu.memref_slice %arg2[%dma_wait3A_208, %dma_wait3A_209] : memref<10000x128xf32, #tpu.memory_space<hbm>> -> memref<10000x128xf32, #tpu.memory_space<hbm>>
          tpu.wait_indirect_dma semaphore(%arg26 : memref<!tpu.dma_semaphore, #tpu.memory_space<semaphore_mem>>) src(%dma_wait3A_210 : memref<10000x128xf32, #tpu.memory_space<hbm>>) dst(%arg12 : memref<80x128xf32, #tpu.memory_space<vmem>>)
          %dma_start3A_211 = arith.constant 0 : i32
          %dma_start3A_212 = arith.constant 0 : i32
          %dma_start3A_213 = tpu.memref_slice %arg3[%dma_start3A_211, %dma_start3A_212] : memref<10000x128xf32, #tpu.memory_space<hbm>> -> memref<10000x128xf32, #tpu.memory_space<hbm>>
          tpu.enqueue_indirect_dma source(%dma_start3A_213 : memref<10000x128xf32, #tpu.memory_space<hbm>>) target(%arg12 : memref<80x128xf32, #tpu.memory_space<vmem>>) offsets(%arg14 : memref<80xi32, #tpu.memory_space<vmem>>) semaphore(%arg26 : memref<!tpu.dma_semaphore, #tpu.memory_space<semaphore_mem>>) {add = true}
        } else {
        }
        %add3A_192 = arith.constant 2 : i32
        %add3A_193 = arith.addi %scan3A_91, %add3A_192 : i32
        %lt3A_194 = arith.constant 125 : i32
        %lt3A_195 = arith.cmpi slt, %add3A_193, %lt3A_194 : i32
        %convert_element_type3A_196 = arith.extui %lt3A_195 : i1 to i32
        %cond3A_197 = arith.constant 0 : i32
        %cond3A_198 = arith.cmpi ne, %convert_element_type3A_196, %cond3A_197 : i32
        scf.if %cond3A_198 {
          %add3A_208 = arith.constant 2 : i32
          %add3A_209 = arith.addi %scan3A_91, %add3A_208 : i32
          %mul3A_210 = arith.constant 10000 : i32
          %mul3A_211 = arith.muli %add3A, %mul3A_210 : i32
          %mul3A_212 = arith.constant 80 : i32
          %mul3A_213 = arith.muli %add3A_209, %mul3A_212 : i32
          %add3A_214 = arith.addi %mul3A_211, %mul3A_213 : i32
          %dma_wait3A_215 = tpu.memref_slice %arg5[%add3A_214] : memref<320000xi32, #tpu.memory_space<hbm>> -> memref<80xi32, #tpu.memory_space<hbm>>
          %dma_wait3A_216 = tpu.memref_slice %arg5[%add3A_214] : memref<320000xi32, #tpu.memory_space<hbm>> -> memref<80xi32, #tpu.memory_space<hbm>>
          tpu.wait_dma2 semaphore(%arg28 : memref<!tpu.dma_semaphore, #tpu.memory_space<semaphore_mem>>) src(%dma_wait3A_216 : memref<80xi32, #tpu.memory_space<hbm>>) dst(%arg16 : memref<80xi32, #tpu.memory_space<vmem>>)
          %dma_wait3A_217 = tpu.memref_slice %arg6[%add3A_214] : memref<320000xi32, #tpu.memory_space<hbm>> -> memref<80xi32, #tpu.memory_space<hbm>>
          %dma_wait3A_218 = tpu.memref_slice %arg6[%add3A_214] : memref<320000xi32, #tpu.memory_space<hbm>> -> memref<80xi32, #tpu.memory_space<hbm>>
          tpu.wait_dma2 semaphore(%arg28 : memref<!tpu.dma_semaphore, #tpu.memory_space<semaphore_mem>>) src(%dma_wait3A_218 : memref<80xi32, #tpu.memory_space<hbm>>) dst(%arg17 : memref<80xi32, #tpu.memory_space<vmem>>)
          %dma_wait3A_219 = arith.constant 0 : i32
          %dma_wait3A_220 = tpu.memref_slice %arg4[%add3A_214, %dma_wait3A_219] : memref<320000x128xf32, #tpu.memory_space<hbm>> -> memref<80x128xf32, #tpu.memory_space<hbm>>
          %dma_wait3A_221 = arith.constant 0 : i32
          %dma_wait3A_222 = tpu.memref_slice %arg4[%add3A_214, %dma_wait3A_221] : memref<320000x128xf32, #tpu.memory_space<hbm>> -> memref<80x128xf32, #tpu.memory_space<hbm>>
          tpu.wait_dma2 semaphore(%arg28 : memref<!tpu.dma_semaphore, #tpu.memory_space<semaphore_mem>>) src(%dma_wait3A_222 : memref<80x128xf32, #tpu.memory_space<hbm>>) dst(%arg15 : memref<80x128xf32, #tpu.memory_space<vmem>>)
          %dma_start3A_223 = arith.constant 0 : i32
          %dma_start3A_224 = arith.constant 0 : i32
          %dma_start3A_225 = tpu.memref_slice %arg2[%dma_start3A_223, %dma_start3A_224] : memref<10000x128xf32, #tpu.memory_space<hbm>> -> memref<10000x128xf32, #tpu.memory_space<hbm>>
          tpu.enqueue_indirect_dma source(%dma_start3A_225 : memref<10000x128xf32, #tpu.memory_space<hbm>>) target(%arg15 : memref<80x128xf32, #tpu.memory_space<vmem>>) offsets(%arg16 : memref<80xi32, #tpu.memory_space<vmem>>) semaphore(%arg29 : memref<!tpu.dma_semaphore, #tpu.memory_space<semaphore_mem>>) {add = true}
        } else {
        }
        %scan3A_199 = arith.constant 0 : i32
        %scan3A_200 = arith.constant 0 : i32
        %scan3A_201 = arith.constant 80 : i32
        %scan3A_202 = arith.addi %scan3A_200, %scan3A_201 : i32
        %scan3A_203 = arith.constant 1 : i32
        scf.for %scan3A_208 = %scan3A_200 to %scan3A_202 step %scan3A_203  : i32 {
          %get3A = arith.index_cast %scan3A_208 : i32 to index
          %get3A_209 = arith.constant 0 : index
          %get3A_210 = tpu.vector_load %arg9[%get3A, %get3A_209] {strides = array<i32>} : memref<80x128xf32, #tpu.memory_space<vmem>>, vector<1x16xf32>,
          %get3A_211 = vector.shape_cast %get3A_210 : vector<1x16xf32> to vector<16xf32>
          %max3A = arith.constant 0.000000e+00 : f32
          %max3A_212 = vector.broadcast %max3A : f32 to vector<16xf32>
          %max3A_213 = arith.maximumf %get3A_211, %max3A_212 : vector<16xf32>
          %swap3A = arith.index_cast %scan3A_208 : i32 to index
          %swap3A_214 = arith.constant 0 : index
          %swap3A_215 = tpu.vector_load %arg9[%swap3A, %swap3A_214] {strides = array<i32>} : memref<80x128xf32, #tpu.memory_space<vmem>>, vector<1x16xf32>,
          %swap3A_216 = vector.shape_cast %swap3A_215 : vector<1x16xf32> to vector<16xf32>
          %swap3A_217 = vector.shape_cast %max3A_213 : vector<16xf32> to vector<1x16xf32>
          tpu.vector_store %arg9[%swap3A, %swap3A_214], %swap3A_217 {strides = array<i32>} : memref<80x128xf32, #tpu.memory_space<vmem>>, vector<1x16xf32>,
          %get3A_218 = arith.index_cast %scan3A_208 : i32 to index
          %get3A_219 = arith.constant 16 : index
          %get3A_220 = tpu.vector_load %arg9[%get3A_218, %get3A_219] {strides = array<i32>} : memref<80x128xf32, #tpu.memory_space<vmem>>, vector<1x16xf32>,
          %get3A_221 = vector.shape_cast %get3A_220 : vector<1x16xf32> to vector<16xf32>
          %max3A_222 = arith.constant 0.000000e+00 : f32
          %max3A_223 = vector.broadcast %max3A_222 : f32 to vector<16xf32>
          %max3A_224 = arith.maximumf %get3A_221, %max3A_223 : vector<16xf32>
          %swap3A_225 = arith.index_cast %scan3A_208 : i32 to index
          %swap3A_226 = arith.constant 16 : index
          %swap3A_227 = tpu.vector_load %arg9[%swap3A_225, %swap3A_226] {strides = array<i32>} : memref<80x128xf32, #tpu.memory_space<vmem>>, vector<1x16xf32>,
          %swap3A_228 = vector.shape_cast %swap3A_227 : vector<1x16xf32> to vector<16xf32>
          %swap3A_229 = vector.shape_cast %max3A_224 : vector<16xf32> to vector<1x16xf32>
          tpu.vector_store %arg9[%swap3A_225, %swap3A_226], %swap3A_229 {strides = array<i32>} : memref<80x128xf32, #tpu.memory_space<vmem>>, vector<1x16xf32>,
          %get3A_230 = arith.index_cast %scan3A_208 : i32 to index
          %get3A_231 = arith.constant 32 : index
          %get3A_232 = tpu.vector_load %arg9[%get3A_230, %get3A_231] {strides = array<i32>} : memref<80x128xf32, #tpu.memory_space<vmem>>, vector<1x16xf32>,
          %get3A_233 = vector.shape_cast %get3A_232 : vector<1x16xf32> to vector<16xf32>
          %max3A_234 = arith.constant 0.000000e+00 : f32
          %max3A_235 = vector.broadcast %max3A_234 : f32 to vector<16xf32>
          %max3A_236 = arith.maximumf %get3A_233, %max3A_235 : vector<16xf32>
          %swap3A_237 = arith.index_cast %scan3A_208 : i32 to index
          %swap3A_238 = arith.constant 32 : index
          %swap3A_239 = tpu.vector_load %arg9[%swap3A_237, %swap3A_238] {strides = array<i32>} : memref<80x128xf32, #tpu.memory_space<vmem>>, vector<1x16xf32>,
          %swap3A_240 = vector.shape_cast %swap3A_239 : vector<1x16xf32> to vector<16xf32>
          %swap3A_241 = vector.shape_cast %max3A_236 : vector<16xf32> to vector<1x16xf32>
          tpu.vector_store %arg9[%swap3A_237, %swap3A_238], %swap3A_241 {strides = array<i32>} : memref<80x128xf32, #tpu.memory_space<vmem>>, vector<1x16xf32>,
          %get3A_242 = arith.index_cast %scan3A_208 : i32 to index
          %get3A_243 = arith.constant 48 : index
          %get3A_244 = tpu.vector_load %arg9[%get3A_242, %get3A_243] {strides = array<i32>} : memref<80x128xf32, #tpu.memory_space<vmem>>, vector<1x16xf32>,
          %get3A_245 = vector.shape_cast %get3A_244 : vector<1x16xf32> to vector<16xf32>
          %max3A_246 = arith.constant 0.000000e+00 : f32
          %max3A_247 = vector.broadcast %max3A_246 : f32 to vector<16xf32>
          %max3A_248 = arith.maximumf %get3A_245, %max3A_247 : vector<16xf32>
          %swap3A_249 = arith.index_cast %scan3A_208 : i32 to index
          %swap3A_250 = arith.constant 48 : index
          %swap3A_251 = tpu.vector_load %arg9[%swap3A_249, %swap3A_250] {strides = array<i32>} : memref<80x128xf32, #tpu.memory_space<vmem>>, vector<1x16xf32>,
          %swap3A_252 = vector.shape_cast %swap3A_251 : vector<1x16xf32> to vector<16xf32>
          %swap3A_253 = vector.shape_cast %max3A_248 : vector<16xf32> to vector<1x16xf32>
          tpu.vector_store %arg9[%swap3A_249, %swap3A_250], %swap3A_253 {strides = array<i32>} : memref<80x128xf32, #tpu.memory_space<vmem>>, vector<1x16xf32>,
          %get3A_254 = arith.index_cast %scan3A_208 : i32 to index
          %get3A_255 = arith.constant 64 : index
          %get3A_256 = tpu.vector_load %arg9[%get3A_254, %get3A_255] {strides = array<i32>} : memref<80x128xf32, #tpu.memory_space<vmem>>, vector<1x16xf32>,
          %get3A_257 = vector.shape_cast %get3A_256 : vector<1x16xf32> to vector<16xf32>
          %max3A_258 = arith.constant 0.000000e+00 : f32
          %max3A_259 = vector.broadcast %max3A_258 : f32 to vector<16xf32>
          %max3A_260 = arith.maximumf %get3A_257, %max3A_259 : vector<16xf32>
          %swap3A_261 = arith.index_cast %scan3A_208 : i32 to index
          %swap3A_262 = arith.constant 64 : index
          %swap3A_263 = tpu.vector_load %arg9[%swap3A_261, %swap3A_262] {strides = array<i32>} : memref<80x128xf32, #tpu.memory_space<vmem>>, vector<1x16xf32>,
          %swap3A_264 = vector.shape_cast %swap3A_263 : vector<1x16xf32> to vector<16xf32>
          %swap3A_265 = vector.shape_cast %max3A_260 : vector<16xf32> to vector<1x16xf32>
          tpu.vector_store %arg9[%swap3A_261, %swap3A_262], %swap3A_265 {strides = array<i32>} : memref<80x128xf32, #tpu.memory_space<vmem>>, vector<1x16xf32>,
          %get3A_266 = arith.index_cast %scan3A_208 : i32 to index
          %get3A_267 = arith.constant 80 : index
          %get3A_268 = tpu.vector_load %arg9[%get3A_266, %get3A_267] {strides = array<i32>} : memref<80x128xf32, #tpu.memory_space<vmem>>, vector<1x16xf32>,
          %get3A_269 = vector.shape_cast %get3A_268 : vector<1x16xf32> to vector<16xf32>
          %max3A_270 = arith.constant 0.000000e+00 : f32
          %max3A_271 = vector.broadcast %max3A_270 : f32 to vector<16xf32>
          %max3A_272 = arith.maximumf %get3A_269, %max3A_271 : vector<16xf32>
          %swap3A_273 = arith.index_cast %scan3A_208 : i32 to index
          %swap3A_274 = arith.constant 80 : index
          %swap3A_275 = tpu.vector_load %arg9[%swap3A_273, %swap3A_274] {strides = array<i32>} : memref<80x128xf32, #tpu.memory_space<vmem>>, vector<1x16xf32>,
          %swap3A_276 = vector.shape_cast %swap3A_275 : vector<1x16xf32> to vector<16xf32>
          %swap3A_277 = vector.shape_cast %max3A_272 : vector<16xf32> to vector<1x16xf32>
          tpu.vector_store %arg9[%swap3A_273, %swap3A_274], %swap3A_277 {strides = array<i32>} : memref<80x128xf32, #tpu.memory_space<vmem>>, vector<1x16xf32>,
          %get3A_278 = arith.index_cast %scan3A_208 : i32 to index
          %get3A_279 = arith.constant 96 : index
          %get3A_280 = tpu.vector_load %arg9[%get3A_278, %get3A_279] {strides = array<i32>} : memref<80x128xf32, #tpu.memory_space<vmem>>, vector<1x16xf32>,
          %get3A_281 = vector.shape_cast %get3A_280 : vector<1x16xf32> to vector<16xf32>
          %max3A_282 = arith.constant 0.000000e+00 : f32
          %max3A_283 = vector.broadcast %max3A_282 : f32 to vector<16xf32>
          %max3A_284 = arith.maximumf %get3A_281, %max3A_283 : vector<16xf32>
          %swap3A_285 = arith.index_cast %scan3A_208 : i32 to index
          %swap3A_286 = arith.constant 96 : index
          %swap3A_287 = tpu.vector_load %arg9[%swap3A_285, %swap3A_286] {strides = array<i32>} : memref<80x128xf32, #tpu.memory_space<vmem>>, vector<1x16xf32>,
          %swap3A_288 = vector.shape_cast %swap3A_287 : vector<1x16xf32> to vector<16xf32>
          %swap3A_289 = vector.shape_cast %max3A_284 : vector<16xf32> to vector<1x16xf32>
          tpu.vector_store %arg9[%swap3A_285, %swap3A_286], %swap3A_289 {strides = array<i32>} : memref<80x128xf32, #tpu.memory_space<vmem>>, vector<1x16xf32>,
          %get3A_290 = arith.index_cast %scan3A_208 : i32 to index
          %get3A_291 = arith.constant 112 : index
          %get3A_292 = tpu.vector_load %arg9[%get3A_290, %get3A_291] {strides = array<i32>} : memref<80x128xf32, #tpu.memory_space<vmem>>, vector<1x16xf32>,
          %get3A_293 = vector.shape_cast %get3A_292 : vector<1x16xf32> to vector<16xf32>
          %max3A_294 = arith.constant 0.000000e+00 : f32
          %max3A_295 = vector.broadcast %max3A_294 : f32 to vector<16xf32>
          %max3A_296 = arith.maximumf %get3A_293, %max3A_295 : vector<16xf32>
          %swap3A_297 = arith.index_cast %scan3A_208 : i32 to index
          %swap3A_298 = arith.constant 112 : index
          %swap3A_299 = tpu.vector_load %arg9[%swap3A_297, %swap3A_298] {strides = array<i32>} : memref<80x128xf32, #tpu.memory_space<vmem>>, vector<1x16xf32>,
          %swap3A_300 = vector.shape_cast %swap3A_299 : vector<1x16xf32> to vector<16xf32>
          %swap3A_301 = vector.shape_cast %max3A_296 : vector<16xf32> to vector<1x16xf32>
          tpu.vector_store %arg9[%swap3A_297, %swap3A_298], %swap3A_301 {strides = array<i32>} : memref<80x128xf32, #tpu.memory_space<vmem>>, vector<1x16xf32>,
        }
        %scan3A_204 = arith.constant 80 : i32
        %dma_start3A_205 = arith.constant 0 : i32
        %dma_start3A_206 = arith.constant 0 : i32
        %dma_start3A_207 = tpu.memref_slice %arg21[%dma_start3A_205, %dma_start3A_206] : memref<10000x128xf32, #tpu.memory_space<vmem_shared>> -> memref<10000x128xf32, #tpu.memory_space<vmem_shared>>
        tpu.enqueue_indirect_dma source(%arg9 : memref<80x128xf32, #tpu.memory_space<vmem>>) target(%dma_start3A_207 : memref<10000x128xf32, #tpu.memory_space<vmem_shared>>) offsets(%arg11 : memref<80xi32, #tpu.memory_space<vmem>>) semaphore(%arg24 : memref<!tpu.dma_semaphore, #tpu.memory_space<semaphore_mem>>) {add = true}
      } else {
      }
      %jit3A_108 = arith.constant 4 : i32
      %eq3A_109 = arith.constant 0 : i32
      %eq3A_110 = arith.cmpi eq, %jit3A_108, %eq3A_109 : i32
      %jit3A_111 = arith.constant 1 : i32
      %select_n3A_112 = arith.select %eq3A_110, %jit3A_111, %jit3A_108 : i32
      %rem3A_113 = arith.remsi %scan3A_91, %select_n3A_112 : i32
      %ne3A_114 = arith.constant 0 : i32
      %ne3A_115 = arith.cmpi ne, %rem3A_113, %ne3A_114 : i32
      %lt3A_116 = arith.constant 0 : i32
      %lt3A_117 = arith.cmpi slt, %rem3A_113, %lt3A_116 : i32
      %lt3A_118 = arith.constant 0 : i32
      %lt3A_119 = arith.cmpi slt, %select_n3A_112, %lt3A_118 : i32
      %ne3A_120 = arith.xori %lt3A_117, %lt3A_119 : i1
      %and3A_121 = arith.andi %ne3A_120, %ne3A_115 : i1
      %add3A_122 = arith.addi %rem3A_113, %select_n3A_112 : i32
      %select_n3A_123 = arith.select %and3A_121, %add3A_122, %rem3A_113 : i32
      %eq3A_124 = arith.constant 1 : i32
      %eq3A_125 = arith.cmpi eq, %select_n3A_123, %eq3A_124 : i32
      %convert_element_type3A_126 = arith.extui %eq3A_125 : i1 to i32
      %cond3A_127 = arith.constant 0 : i32
      %cond3A_128 = arith.cmpi ne, %convert_element_type3A_126, %cond3A_127 : i32
      scf.if %cond3A_128 {
        %dma_wait3A_171 = arith.constant 0 : i32
        %dma_wait3A_172 = arith.constant 0 : i32
        %dma_wait3A_173 = tpu.memref_slice %arg3[%dma_wait3A_171, %dma_wait3A_172] : memref<10000x128xf32, #tpu.memory_space<hbm>> -> memref<10000x128xf32, #tpu.memory_space<hbm>>
        tpu.wait_indirect_dma semaphore(%arg26 : memref<!tpu.dma_semaphore, #tpu.memory_space<semaphore_mem>>) src(%dma_wait3A_173 : memref<10000x128xf32, #tpu.memory_space<hbm>>) dst(%arg12 : memref<80x128xf32, #tpu.memory_space<vmem>>)
        %ge3A = arith.constant 1 : i32
        %ge3A_174 = arith.cmpi sge, %scan3A_91, %ge3A : i32
        %convert_element_type3A_175 = arith.extui %ge3A_174 : i1 to i32
        %cond3A_176 = arith.constant 0 : i32
        %cond3A_177 = arith.cmpi ne, %convert_element_type3A_175, %cond3A_176 : i32
        scf.if %cond3A_177 {
          %dma_wait3A_208 = arith.constant 0 : i32
          %dma_wait3A_209 = arith.constant 0 : i32
          %dma_wait3A_210 = tpu.memref_slice %arg21[%dma_wait3A_208, %dma_wait3A_209] : memref<10000x128xf32, #tpu.memory_space<vmem_shared>> -> memref<10000x128xf32, #tpu.memory_space<vmem_shared>>
          tpu.wait_indirect_dma semaphore(%arg24 : memref<!tpu.dma_semaphore, #tpu.memory_space<semaphore_mem>>) src(%arg9 : memref<80x128xf32, #tpu.memory_space<vmem>>) dst(%dma_wait3A_210 : memref<10000x128xf32, #tpu.memory_space<vmem_shared>>)
        } else {
        }
        %add3A_178 = arith.constant 3 : i32
        %add3A_179 = arith.addi %scan3A_91, %add3A_178 : i32
        %lt3A_180 = arith.constant 125 : i32
        %lt3A_181 = arith.cmpi slt, %add3A_179, %lt3A_180 : i32
        %convert_element_type3A_182 = arith.extui %lt3A_181 : i1 to i32
        %cond3A_183 = arith.constant 0 : i32
        %cond3A_184 = arith.cmpi ne, %convert_element_type3A_182, %cond3A_183 : i32
        scf.if %cond3A_184 {
          %add3A_208 = arith.constant 3 : i32
          %add3A_209 = arith.addi %scan3A_91, %add3A_208 : i32
          %mul3A_210 = arith.constant 10000 : i32
          %mul3A_211 = arith.muli %add3A, %mul3A_210 : i32
          %mul3A_212 = arith.constant 80 : i32
          %mul3A_213 = arith.muli %add3A_209, %mul3A_212 : i32
          %add3A_214 = arith.addi %mul3A_211, %mul3A_213 : i32
          %dma_start3A_215 = tpu.memref_slice %arg5[%add3A_214] : memref<320000xi32, #tpu.memory_space<hbm>> -> memref<80xi32, #tpu.memory_space<hbm>>
          %dma_start3A_216 = tpu.memref_slice %arg5[%add3A_214] : memref<320000xi32, #tpu.memory_space<hbm>> -> memref<80xi32, #tpu.memory_space<hbm>>
          tpu.enqueue_dma source(%dma_start3A_216 : memref<80xi32, #tpu.memory_space<hbm>>) target(%arg10 : memref<80xi32, #tpu.memory_space<vmem>>) target_semaphore(%arg22 : memref<!tpu.dma_semaphore, #tpu.memory_space<semaphore_mem>>)
          %dma_start3A_217 = tpu.memref_slice %arg6[%add3A_214] : memref<320000xi32, #tpu.memory_space<hbm>> -> memref<80xi32, #tpu.memory_space<hbm>>
          %dma_start3A_218 = tpu.memref_slice %arg6[%add3A_214] : memref<320000xi32, #tpu.memory_space<hbm>> -> memref<80xi32, #tpu.memory_space<hbm>>
          tpu.enqueue_dma source(%dma_start3A_218 : memref<80xi32, #tpu.memory_space<hbm>>) target(%arg11 : memref<80xi32, #tpu.memory_space<vmem>>) target_semaphore(%arg22 : memref<!tpu.dma_semaphore, #tpu.memory_space<semaphore_mem>>)
          %dma_start3A_219 = arith.constant 0 : i32
          %dma_start3A_220 = tpu.memref_slice %arg4[%add3A_214, %dma_start3A_219] : memref<320000x128xf32, #tpu.memory_space<hbm>> -> memref<80x128xf32, #tpu.memory_space<hbm>>
          %dma_start3A_221 = arith.constant 0 : i32
          %dma_start3A_222 = tpu.memref_slice %arg4[%add3A_214, %dma_start3A_221] : memref<320000x128xf32, #tpu.memory_space<hbm>> -> memref<80x128xf32, #tpu.memory_space<hbm>>
          tpu.enqueue_dma source(%dma_start3A_222 : memref<80x128xf32, #tpu.memory_space<hbm>>) target(%arg9 : memref<80x128xf32, #tpu.memory_space<vmem>>) target_semaphore(%arg22 : memref<!tpu.dma_semaphore, #tpu.memory_space<semaphore_mem>>)
        } else {
        }
        %add3A_185 = arith.constant 1 : i32
        %add3A_186 = arith.addi %scan3A_91, %add3A_185 : i32
        %lt3A_187 = arith.constant 125 : i32
        %lt3A_188 = arith.cmpi slt, %add3A_186, %lt3A_187 : i32
        %convert_element_type3A_189 = arith.extui %lt3A_188 : i1 to i32
        %cond3A_190 = arith.constant 0 : i32
        %cond3A_191 = arith.cmpi ne, %convert_element_type3A_189, %cond3A_190 : i32
        scf.if %cond3A_191 {
          %dma_wait3A_208 = arith.constant 0 : i32
          %dma_wait3A_209 = arith.constant 0 : i32
          %dma_wait3A_210 = tpu.memref_slice %arg2[%dma_wait3A_208, %dma_wait3A_209] : memref<10000x128xf32, #tpu.memory_space<hbm>> -> memref<10000x128xf32, #tpu.memory_space<hbm>>
          tpu.wait_indirect_dma semaphore(%arg29 : memref<!tpu.dma_semaphore, #tpu.memory_space<semaphore_mem>>) src(%dma_wait3A_210 : memref<10000x128xf32, #tpu.memory_space<hbm>>) dst(%arg15 : memref<80x128xf32, #tpu.memory_space<vmem>>)
          %dma_start3A_211 = arith.constant 0 : i32
          %dma_start3A_212 = arith.constant 0 : i32
          %dma_start3A_213 = tpu.memref_slice %arg3[%dma_start3A_211, %dma_start3A_212] : memref<10000x128xf32, #tpu.memory_space<hbm>> -> memref<10000x128xf32, #tpu.memory_space<hbm>>
          tpu.enqueue_indirect_dma source(%dma_start3A_213 : memref<10000x128xf32, #tpu.memory_space<hbm>>) target(%arg15 : memref<80x128xf32, #tpu.memory_space<vmem>>) offsets(%arg17 : memref<80xi32, #tpu.memory_space<vmem>>) semaphore(%arg29 : memref<!tpu.dma_semaphore, #tpu.memory_space<semaphore_mem>>) {add = true}
        } else {
        }
        %add3A_192 = arith.constant 2 : i32
        %add3A_193 = arith.addi %scan3A_91, %add3A_192 : i32
        %lt3A_194 = arith.constant 125 : i32
        %lt3A_195 = arith.cmpi slt, %add3A_193, %lt3A_194 : i32
        %convert_element_type3A_196 = arith.extui %lt3A_195 : i1 to i32
        %cond3A_197 = arith.constant 0 : i32
        %cond3A_198 = arith.cmpi ne, %convert_element_type3A_196, %cond3A_197 : i32
        scf.if %cond3A_198 {
          %add3A_208 = arith.constant 2 : i32
          %add3A_209 = arith.addi %scan3A_91, %add3A_208 : i32
          %mul3A_210 = arith.constant 10000 : i32
          %mul3A_211 = arith.muli %add3A, %mul3A_210 : i32
          %mul3A_212 = arith.constant 80 : i32
          %mul3A_213 = arith.muli %add3A_209, %mul3A_212 : i32
          %add3A_214 = arith.addi %mul3A_211, %mul3A_213 : i32
          %dma_wait3A_215 = tpu.memref_slice %arg5[%add3A_214] : memref<320000xi32, #tpu.memory_space<hbm>> -> memref<80xi32, #tpu.memory_space<hbm>>
          %dma_wait3A_216 = tpu.memref_slice %arg5[%add3A_214] : memref<320000xi32, #tpu.memory_space<hbm>> -> memref<80xi32, #tpu.memory_space<hbm>>
          tpu.wait_dma2 semaphore(%arg31 : memref<!tpu.dma_semaphore, #tpu.memory_space<semaphore_mem>>) src(%dma_wait3A_216 : memref<80xi32, #tpu.memory_space<hbm>>) dst(%arg19 : memref<80xi32, #tpu.memory_space<vmem>>)
          %dma_wait3A_217 = tpu.memref_slice %arg6[%add3A_214] : memref<320000xi32, #tpu.memory_space<hbm>> -> memref<80xi32, #tpu.memory_space<hbm>>
          %dma_wait3A_218 = tpu.memref_slice %arg6[%add3A_214] : memref<320000xi32, #tpu.memory_space<hbm>> -> memref<80xi32, #tpu.memory_space<hbm>>
          tpu.wait_dma2 semaphore(%arg31 : memref<!tpu.dma_semaphore, #tpu.memory_space<semaphore_mem>>) src(%dma_wait3A_218 : memref<80xi32, #tpu.memory_space<hbm>>) dst(%arg20 : memref<80xi32, #tpu.memory_space<vmem>>)
          %dma_wait3A_219 = arith.constant 0 : i32
          %dma_wait3A_220 = tpu.memref_slice %arg4[%add3A_214, %dma_wait3A_219] : memref<320000x128xf32, #tpu.memory_space<hbm>> -> memref<80x128xf32, #tpu.memory_space<hbm>>
          %dma_wait3A_221 = arith.constant 0 : i32
          %dma_wait3A_222 = tpu.memref_slice %arg4[%add3A_214, %dma_wait3A_221] : memref<320000x128xf32, #tpu.memory_space<hbm>> -> memref<80x128xf32, #tpu.memory_space<hbm>>
          tpu.wait_dma2 semaphore(%arg31 : memref<!tpu.dma_semaphore, #tpu.memory_space<semaphore_mem>>) src(%dma_wait3A_222 : memref<80x128xf32, #tpu.memory_space<hbm>>) dst(%arg18 : memref<80x128xf32, #tpu.memory_space<vmem>>)
          %dma_start3A_223 = arith.constant 0 : i32
          %dma_start3A_224 = arith.constant 0 : i32
          %dma_start3A_225 = tpu.memref_slice %arg2[%dma_start3A_223, %dma_start3A_224] : memref<10000x128xf32, #tpu.memory_space<hbm>> -> memref<10000x128xf32, #tpu.memory_space<hbm>>
          tpu.enqueue_indirect_dma source(%dma_start3A_225 : memref<10000x128xf32, #tpu.memory_space<hbm>>) target(%arg18 : memref<80x128xf32, #tpu.memory_space<vmem>>) offsets(%arg19 : memref<80xi32, #tpu.memory_space<vmem>>) semaphore(%arg32 : memref<!tpu.dma_semaphore, #tpu.memory_space<semaphore_mem>>) {add = true}
        } else {
        }
        %scan3A_199 = arith.constant 0 : i32
        %scan3A_200 = arith.constant 0 : i32
        %scan3A_201 = arith.constant 80 : i32
        %scan3A_202 = arith.addi %scan3A_200, %scan3A_201 : i32
        %scan3A_203 = arith.constant 1 : i32
        scf.for %scan3A_208 = %scan3A_200 to %scan3A_202 step %scan3A_203  : i32 {
          %get3A = arith.index_cast %scan3A_208 : i32 to index
          %get3A_209 = arith.constant 0 : index
          %get3A_210 = tpu.vector_load %arg12[%get3A, %get3A_209] {strides = array<i32>} : memref<80x128xf32, #tpu.memory_space<vmem>>, vector<1x16xf32>,
          %get3A_211 = vector.shape_cast %get3A_210 : vector<1x16xf32> to vector<16xf32>
          %max3A = arith.constant 0.000000e+00 : f32
          %max3A_212 = vector.broadcast %max3A : f32 to vector<16xf32>
          %max3A_213 = arith.maximumf %get3A_211, %max3A_212 : vector<16xf32>
          %swap3A = arith.index_cast %scan3A_208 : i32 to index
          %swap3A_214 = arith.constant 0 : index
          %swap3A_215 = tpu.vector_load %arg12[%swap3A, %swap3A_214] {strides = array<i32>} : memref<80x128xf32, #tpu.memory_space<vmem>>, vector<1x16xf32>,
          %swap3A_216 = vector.shape_cast %swap3A_215 : vector<1x16xf32> to vector<16xf32>
          %swap3A_217 = vector.shape_cast %max3A_213 : vector<16xf32> to vector<1x16xf32>
          tpu.vector_store %arg12[%swap3A, %swap3A_214], %swap3A_217 {strides = array<i32>} : memref<80x128xf32, #tpu.memory_space<vmem>>, vector<1x16xf32>,
          %get3A_218 = arith.index_cast %scan3A_208 : i32 to index
          %get3A_219 = arith.constant 16 : index
          %get3A_220 = tpu.vector_load %arg12[%get3A_218, %get3A_219] {strides = array<i32>} : memref<80x128xf32, #tpu.memory_space<vmem>>, vector<1x16xf32>,
          %get3A_221 = vector.shape_cast %get3A_220 : vector<1x16xf32> to vector<16xf32>
          %max3A_222 = arith.constant 0.000000e+00 : f32
          %max3A_223 = vector.broadcast %max3A_222 : f32 to vector<16xf32>
          %max3A_224 = arith.maximumf %get3A_221, %max3A_223 : vector<16xf32>
          %swap3A_225 = arith.index_cast %scan3A_208 : i32 to index
          %swap3A_226 = arith.constant 16 : index
          %swap3A_227 = tpu.vector_load %arg12[%swap3A_225, %swap3A_226] {strides = array<i32>} : memref<80x128xf32, #tpu.memory_space<vmem>>, vector<1x16xf32>,
          %swap3A_228 = vector.shape_cast %swap3A_227 : vector<1x16xf32> to vector<16xf32>
          %swap3A_229 = vector.shape_cast %max3A_224 : vector<16xf32> to vector<1x16xf32>
          tpu.vector_store %arg12[%swap3A_225, %swap3A_226], %swap3A_229 {strides = array<i32>} : memref<80x128xf32, #tpu.memory_space<vmem>>, vector<1x16xf32>,
          %get3A_230 = arith.index_cast %scan3A_208 : i32 to index
          %get3A_231 = arith.constant 32 : index
          %get3A_232 = tpu.vector_load %arg12[%get3A_230, %get3A_231] {strides = array<i32>} : memref<80x128xf32, #tpu.memory_space<vmem>>, vector<1x16xf32>,
          %get3A_233 = vector.shape_cast %get3A_232 : vector<1x16xf32> to vector<16xf32>
          %max3A_234 = arith.constant 0.000000e+00 : f32
          %max3A_235 = vector.broadcast %max3A_234 : f32 to vector<16xf32>
          %max3A_236 = arith.maximumf %get3A_233, %max3A_235 : vector<16xf32>
          %swap3A_237 = arith.index_cast %scan3A_208 : i32 to index
          %swap3A_238 = arith.constant 32 : index
          %swap3A_239 = tpu.vector_load %arg12[%swap3A_237, %swap3A_238] {strides = array<i32>} : memref<80x128xf32, #tpu.memory_space<vmem>>, vector<1x16xf32>,
          %swap3A_240 = vector.shape_cast %swap3A_239 : vector<1x16xf32> to vector<16xf32>
          %swap3A_241 = vector.shape_cast %max3A_236 : vector<16xf32> to vector<1x16xf32>
          tpu.vector_store %arg12[%swap3A_237, %swap3A_238], %swap3A_241 {strides = array<i32>} : memref<80x128xf32, #tpu.memory_space<vmem>>, vector<1x16xf32>,
          %get3A_242 = arith.index_cast %scan3A_208 : i32 to index
          %get3A_243 = arith.constant 48 : index
          %get3A_244 = tpu.vector_load %arg12[%get3A_242, %get3A_243] {strides = array<i32>} : memref<80x128xf32, #tpu.memory_space<vmem>>, vector<1x16xf32>,
          %get3A_245 = vector.shape_cast %get3A_244 : vector<1x16xf32> to vector<16xf32>
          %max3A_246 = arith.constant 0.000000e+00 : f32
          %max3A_247 = vector.broadcast %max3A_246 : f32 to vector<16xf32>
          %max3A_248 = arith.maximumf %get3A_245, %max3A_247 : vector<16xf32>
          %swap3A_249 = arith.index_cast %scan3A_208 : i32 to index
          %swap3A_250 = arith.constant 48 : index
          %swap3A_251 = tpu.vector_load %arg12[%swap3A_249, %swap3A_250] {strides = array<i32>} : memref<80x128xf32, #tpu.memory_space<vmem>>, vector<1x16xf32>,
          %swap3A_252 = vector.shape_cast %swap3A_251 : vector<1x16xf32> to vector<16xf32>
          %swap3A_253 = vector.shape_cast %max3A_248 : vector<16xf32> to vector<1x16xf32>
          tpu.vector_store %arg12[%swap3A_249, %swap3A_250], %swap3A_253 {strides = array<i32>} : memref<80x128xf32, #tpu.memory_space<vmem>>, vector<1x16xf32>,
          %get3A_254 = arith.index_cast %scan3A_208 : i32 to index
          %get3A_255 = arith.constant 64 : index
          %get3A_256 = tpu.vector_load %arg12[%get3A_254, %get3A_255] {strides = array<i32>} : memref<80x128xf32, #tpu.memory_space<vmem>>, vector<1x16xf32>,
          %get3A_257 = vector.shape_cast %get3A_256 : vector<1x16xf32> to vector<16xf32>
          %max3A_258 = arith.constant 0.000000e+00 : f32
          %max3A_259 = vector.broadcast %max3A_258 : f32 to vector<16xf32>
          %max3A_260 = arith.maximumf %get3A_257, %max3A_259 : vector<16xf32>
          %swap3A_261 = arith.index_cast %scan3A_208 : i32 to index
          %swap3A_262 = arith.constant 64 : index
          %swap3A_263 = tpu.vector_load %arg12[%swap3A_261, %swap3A_262] {strides = array<i32>} : memref<80x128xf32, #tpu.memory_space<vmem>>, vector<1x16xf32>,
          %swap3A_264 = vector.shape_cast %swap3A_263 : vector<1x16xf32> to vector<16xf32>
          %swap3A_265 = vector.shape_cast %max3A_260 : vector<16xf32> to vector<1x16xf32>
          tpu.vector_store %arg12[%swap3A_261, %swap3A_262], %swap3A_265 {strides = array<i32>} : memref<80x128xf32, #tpu.memory_space<vmem>>, vector<1x16xf32>,
          %get3A_266 = arith.index_cast %scan3A_208 : i32 to index
          %get3A_267 = arith.constant 80 : index
          %get3A_268 = tpu.vector_load %arg12[%get3A_266, %get3A_267] {strides = array<i32>} : memref<80x128xf32, #tpu.memory_space<vmem>>, vector<1x16xf32>,
          %get3A_269 = vector.shape_cast %get3A_268 : vector<1x16xf32> to vector<16xf32>
          %max3A_270 = arith.constant 0.000000e+00 : f32
          %max3A_271 = vector.broadcast %max3A_270 : f32 to vector<16xf32>
          %max3A_272 = arith.maximumf %get3A_269, %max3A_271 : vector<16xf32>
          %swap3A_273 = arith.index_cast %scan3A_208 : i32 to index
          %swap3A_274 = arith.constant 80 : index
          %swap3A_275 = tpu.vector_load %arg12[%swap3A_273, %swap3A_274] {strides = array<i32>} : memref<80x128xf32, #tpu.memory_space<vmem>>, vector<1x16xf32>,
          %swap3A_276 = vector.shape_cast %swap3A_275 : vector<1x16xf32> to vector<16xf32>
          %swap3A_277 = vector.shape_cast %max3A_272 : vector<16xf32> to vector<1x16xf32>
          tpu.vector_store %arg12[%swap3A_273, %swap3A_274], %swap3A_277 {strides = array<i32>} : memref<80x128xf32, #tpu.memory_space<vmem>>, vector<1x16xf32>,
          %get3A_278 = arith.index_cast %scan3A_208 : i32 to index
          %get3A_279 = arith.constant 96 : index
          %get3A_280 = tpu.vector_load %arg12[%get3A_278, %get3A_279] {strides = array<i32>} : memref<80x128xf32, #tpu.memory_space<vmem>>, vector<1x16xf32>,
          %get3A_281 = vector.shape_cast %get3A_280 : vector<1x16xf32> to vector<16xf32>
          %max3A_282 = arith.constant 0.000000e+00 : f32
          %max3A_283 = vector.broadcast %max3A_282 : f32 to vector<16xf32>
          %max3A_284 = arith.maximumf %get3A_281, %max3A_283 : vector<16xf32>
          %swap3A_285 = arith.index_cast %scan3A_208 : i32 to index
          %swap3A_286 = arith.constant 96 : index
          %swap3A_287 = tpu.vector_load %arg12[%swap3A_285, %swap3A_286] {strides = array<i32>} : memref<80x128xf32, #tpu.memory_space<vmem>>, vector<1x16xf32>,
          %swap3A_288 = vector.shape_cast %swap3A_287 : vector<1x16xf32> to vector<16xf32>
          %swap3A_289 = vector.shape_cast %max3A_284 : vector<16xf32> to vector<1x16xf32>
          tpu.vector_store %arg12[%swap3A_285, %swap3A_286], %swap3A_289 {strides = array<i32>} : memref<80x128xf32, #tpu.memory_space<vmem>>, vector<1x16xf32>,
          %get3A_290 = arith.index_cast %scan3A_208 : i32 to index
          %get3A_291 = arith.constant 112 : index
          %get3A_292 = tpu.vector_load %arg12[%get3A_290, %get3A_291] {strides = array<i32>} : memref<80x128xf32, #tpu.memory_space<vmem>>, vector<1x16xf32>,
          %get3A_293 = vector.shape_cast %get3A_292 : vector<1x16xf32> to vector<16xf32>
          %max3A_294 = arith.constant 0.000000e+00 : f32
          %max3A_295 = vector.broadcast %max3A_294 : f32 to vector<16xf32>
          %max3A_296 = arith.maximumf %get3A_293, %max3A_295 : vector<16xf32>
          %swap3A_297 = arith.index_cast %scan3A_208 : i32 to index
          %swap3A_298 = arith.constant 112 : index
          %swap3A_299 = tpu.vector_load %arg12[%swap3A_297, %swap3A_298] {strides = array<i32>} : memref<80x128xf32, #tpu.memory_space<vmem>>, vector<1x16xf32>,
          %swap3A_300 = vector.shape_cast %swap3A_299 : vector<1x16xf32> to vector<16xf32>
          %swap3A_301 = vector.shape_cast %max3A_296 : vector<16xf32> to vector<1x16xf32>
          tpu.vector_store %arg12[%swap3A_297, %swap3A_298], %swap3A_301 {strides = array<i32>} : memref<80x128xf32, #tpu.memory_space<vmem>>, vector<1x16xf32>,
        }
        %scan3A_204 = arith.constant 80 : i32
        %dma_start3A_205 = arith.constant 0 : i32
        %dma_start3A_206 = arith.constant 0 : i32
        %dma_start3A_207 = tpu.memref_slice %arg21[%dma_start3A_205, %dma_start3A_206] : memref<10000x128xf32, #tpu.memory_space<vmem_shared>> -> memref<10000x128xf32, #tpu.memory_space<vmem_shared>>
        tpu.enqueue_indirect_dma source(%arg12 : memref<80x128xf32, #tpu.memory_space<vmem>>) target(%dma_start3A_207 : memref<10000x128xf32, #tpu.memory_space<vmem_shared>>) offsets(%arg14 : memref<80xi32, #tpu.memory_space<vmem>>) semaphore(%arg27 : memref<!tpu.dma_semaphore, #tpu.memory_space<semaphore_mem>>) {add = true}
      } else {
      }
      %jit3A_129 = arith.constant 4 : i32
      %eq3A_130 = arith.constant 0 : i32
      %eq3A_131 = arith.cmpi eq, %jit3A_129, %eq3A_130 : i32
      %jit3A_132 = arith.constant 1 : i32
      %select_n3A_133 = arith.select %eq3A_131, %jit3A_132, %jit3A_129 : i32
      %rem3A_134 = arith.remsi %scan3A_91, %select_n3A_133 : i32
      %ne3A_135 = arith.constant 0 : i32
      %ne3A_136 = arith.cmpi ne, %rem3A_134, %ne3A_135 : i32
      %lt3A_137 = arith.constant 0 : i32
      %lt3A_138 = arith.cmpi slt, %rem3A_134, %lt3A_137 : i32
      %lt3A_139 = arith.constant 0 : i32
      %lt3A_140 = arith.cmpi slt, %select_n3A_133, %lt3A_139 : i32
      %ne3A_141 = arith.xori %lt3A_138, %lt3A_140 : i1
      %and3A_142 = arith.andi %ne3A_141, %ne3A_136 : i1
      %add3A_143 = arith.addi %rem3A_134, %select_n3A_133 : i32
      %select_n3A_144 = arith.select %and3A_142, %add3A_143, %rem3A_134 : i32
      %eq3A_145 = arith.constant 2 : i32
      %eq3A_146 = arith.cmpi eq, %select_n3A_144, %eq3A_145 : i32
      %convert_element_type3A_147 = arith.extui %eq3A_146 : i1 to i32
      %cond3A_148 = arith.constant 0 : i32
      %cond3A_149 = arith.cmpi ne, %convert_element_type3A_147, %cond3A_148 : i32
      scf.if %cond3A_149 {
        %dma_wait3A_171 = arith.constant 0 : i32
        %dma_wait3A_172 = arith.constant 0 : i32
        %dma_wait3A_173 = tpu.memref_slice %arg3[%dma_wait3A_171, %dma_wait3A_172] : memref<10000x128xf32, #tpu.memory_space<hbm>> -> memref<10000x128xf32, #tpu.memory_space<hbm>>
        tpu.wait_indirect_dma semaphore(%arg29 : memref<!tpu.dma_semaphore, #tpu.memory_space<semaphore_mem>>) src(%dma_wait3A_173 : memref<10000x128xf32, #tpu.memory_space<hbm>>) dst(%arg15 : memref<80x128xf32, #tpu.memory_space<vmem>>)
        %ge3A = arith.constant 1 : i32
        %ge3A_174 = arith.cmpi sge, %scan3A_91, %ge3A : i32
        %convert_element_type3A_175 = arith.extui %ge3A_174 : i1 to i32
        %cond3A_176 = arith.constant 0 : i32
        %cond3A_177 = arith.cmpi ne, %convert_element_type3A_175, %cond3A_176 : i32
        scf.if %cond3A_177 {
          %dma_wait3A_208 = arith.constant 0 : i32
          %dma_wait3A_209 = arith.constant 0 : i32
          %dma_wait3A_210 = tpu.memref_slice %arg21[%dma_wait3A_208, %dma_wait3A_209] : memref<10000x128xf32, #tpu.memory_space<vmem_shared>> -> memref<10000x128xf32, #tpu.memory_space<vmem_shared>>
          tpu.wait_indirect_dma semaphore(%arg27 : memref<!tpu.dma_semaphore, #tpu.memory_space<semaphore_mem>>) src(%arg12 : memref<80x128xf32, #tpu.memory_space<vmem>>) dst(%dma_wait3A_210 : memref<10000x128xf32, #tpu.memory_space<vmem_shared>>)
        } else {
        }
        %add3A_178 = arith.constant 3 : i32
        %add3A_179 = arith.addi %scan3A_91, %add3A_178 : i32
        %lt3A_180 = arith.constant 125 : i32
        %lt3A_181 = arith.cmpi slt, %add3A_179, %lt3A_180 : i32
        %convert_element_type3A_182 = arith.extui %lt3A_181 : i1 to i32
        %cond3A_183 = arith.constant 0 : i32
        %cond3A_184 = arith.cmpi ne, %convert_element_type3A_182, %cond3A_183 : i32
        scf.if %cond3A_184 {
          %add3A_208 = arith.constant 3 : i32
          %add3A_209 = arith.addi %scan3A_91, %add3A_208 : i32
          %mul3A_210 = arith.constant 10000 : i32
          %mul3A_211 = arith.muli %add3A, %mul3A_210 : i32
          %mul3A_212 = arith.constant 80 : i32
          %mul3A_213 = arith.muli %add3A_209, %mul3A_212 : i32
          %add3A_214 = arith.addi %mul3A_211, %mul3A_213 : i32
          %dma_start3A_215 = tpu.memref_slice %arg5[%add3A_214] : memref<320000xi32, #tpu.memory_space<hbm>> -> memref<80xi32, #tpu.memory_space<hbm>>
          %dma_start3A_216 = tpu.memref_slice %arg5[%add3A_214] : memref<320000xi32, #tpu.memory_space<hbm>> -> memref<80xi32, #tpu.memory_space<hbm>>
          tpu.enqueue_dma source(%dma_start3A_216 : memref<80xi32, #tpu.memory_space<hbm>>) target(%arg13 : memref<80xi32, #tpu.memory_space<vmem>>) target_semaphore(%arg25 : memref<!tpu.dma_semaphore, #tpu.memory_space<semaphore_mem>>)
          %dma_start3A_217 = tpu.memref_slice %arg6[%add3A_214] : memref<320000xi32, #tpu.memory_space<hbm>> -> memref<80xi32, #tpu.memory_space<hbm>>
          %dma_start3A_218 = tpu.memref_slice %arg6[%add3A_214] : memref<320000xi32, #tpu.memory_space<hbm>> -> memref<80xi32, #tpu.memory_space<hbm>>
          tpu.enqueue_dma source(%dma_start3A_218 : memref<80xi32, #tpu.memory_space<hbm>>) target(%arg14 : memref<80xi32, #tpu.memory_space<vmem>>) target_semaphore(%arg25 : memref<!tpu.dma_semaphore, #tpu.memory_space<semaphore_mem>>)
          %dma_start3A_219 = arith.constant 0 : i32
          %dma_start3A_220 = tpu.memref_slice %arg4[%add3A_214, %dma_start3A_219] : memref<320000x128xf32, #tpu.memory_space<hbm>> -> memref<80x128xf32, #tpu.memory_space<hbm>>
          %dma_start3A_221 = arith.constant 0 : i32
          %dma_start3A_222 = tpu.memref_slice %arg4[%add3A_214, %dma_start3A_221] : memref<320000x128xf32, #tpu.memory_space<hbm>> -> memref<80x128xf32, #tpu.memory_space<hbm>>
          tpu.enqueue_dma source(%dma_start3A_222 : memref<80x128xf32, #tpu.memory_space<hbm>>) target(%arg12 : memref<80x128xf32, #tpu.memory_space<vmem>>) target_semaphore(%arg25 : memref<!tpu.dma_semaphore, #tpu.memory_space<semaphore_mem>>)
        } else {
        }
        %add3A_185 = arith.constant 1 : i32
        %add3A_186 = arith.addi %scan3A_91, %add3A_185 : i32
        %lt3A_187 = arith.constant 125 : i32
        %lt3A_188 = arith.cmpi slt, %add3A_186, %lt3A_187 : i32
        %convert_element_type3A_189 = arith.extui %lt3A_188 : i1 to i32
        %cond3A_190 = arith.constant 0 : i32
        %cond3A_191 = arith.cmpi ne, %convert_element_type3A_189, %cond3A_190 : i32
        scf.if %cond3A_191 {
          %dma_wait3A_208 = arith.constant 0 : i32
          %dma_wait3A_209 = arith.constant 0 : i32
          %dma_wait3A_210 = tpu.memref_slice %arg2[%dma_wait3A_208, %dma_wait3A_209] : memref<10000x128xf32, #tpu.memory_space<hbm>> -> memref<10000x128xf32, #tpu.memory_space<hbm>>
          tpu.wait_indirect_dma semaphore(%arg32 : memref<!tpu.dma_semaphore, #tpu.memory_space<semaphore_mem>>) src(%dma_wait3A_210 : memref<10000x128xf32, #tpu.memory_space<hbm>>) dst(%arg18 : memref<80x128xf32, #tpu.memory_space<vmem>>)
          %dma_start3A_211 = arith.constant 0 : i32
          %dma_start3A_212 = arith.constant 0 : i32
          %dma_start3A_213 = tpu.memref_slice %arg3[%dma_start3A_211, %dma_start3A_212] : memref<10000x128xf32, #tpu.memory_space<hbm>> -> memref<10000x128xf32, #tpu.memory_space<hbm>>
          tpu.enqueue_indirect_dma source(%dma_start3A_213 : memref<10000x128xf32, #tpu.memory_space<hbm>>) target(%arg18 : memref<80x128xf32, #tpu.memory_space<vmem>>) offsets(%arg20 : memref<80xi32, #tpu.memory_space<vmem>>) semaphore(%arg32 : memref<!tpu.dma_semaphore, #tpu.memory_space<semaphore_mem>>) {add = true}
        } else {
        }
        %add3A_192 = arith.constant 2 : i32
        %add3A_193 = arith.addi %scan3A_91, %add3A_192 : i32
        %lt3A_194 = arith.constant 125 : i32
        %lt3A_195 = arith.cmpi slt, %add3A_193, %lt3A_194 : i32
        %convert_element_type3A_196 = arith.extui %lt3A_195 : i1 to i32
        %cond3A_197 = arith.constant 0 : i32
        %cond3A_198 = arith.cmpi ne, %convert_element_type3A_196, %cond3A_197 : i32
        scf.if %cond3A_198 {
          %add3A_208 = arith.constant 2 : i32
          %add3A_209 = arith.addi %scan3A_91, %add3A_208 : i32
          %mul3A_210 = arith.constant 10000 : i32
          %mul3A_211 = arith.muli %add3A, %mul3A_210 : i32
          %mul3A_212 = arith.constant 80 : i32
          %mul3A_213 = arith.muli %add3A_209, %mul3A_212 : i32
          %add3A_214 = arith.addi %mul3A_211, %mul3A_213 : i32
          %dma_wait3A_215 = tpu.memref_slice %arg5[%add3A_214] : memref<320000xi32, #tpu.memory_space<hbm>> -> memref<80xi32, #tpu.memory_space<hbm>>
          %dma_wait3A_216 = tpu.memref_slice %arg5[%add3A_214] : memref<320000xi32, #tpu.memory_space<hbm>> -> memref<80xi32, #tpu.memory_space<hbm>>
          tpu.wait_dma2 semaphore(%arg22 : memref<!tpu.dma_semaphore, #tpu.memory_space<semaphore_mem>>) src(%dma_wait3A_216 : memref<80xi32, #tpu.memory_space<hbm>>) dst(%arg10 : memref<80xi32, #tpu.memory_space<vmem>>)
          %dma_wait3A_217 = tpu.memref_slice %arg6[%add3A_214] : memref<320000xi32, #tpu.memory_space<hbm>> -> memref<80xi32, #tpu.memory_space<hbm>>
          %dma_wait3A_218 = tpu.memref_slice %arg6[%add3A_214] : memref<320000xi32, #tpu.memory_space<hbm>> -> memref<80xi32, #tpu.memory_space<hbm>>
          tpu.wait_dma2 semaphore(%arg22 : memref<!tpu.dma_semaphore, #tpu.memory_space<semaphore_mem>>) src(%dma_wait3A_218 : memref<80xi32, #tpu.memory_space<hbm>>) dst(%arg11 : memref<80xi32, #tpu.memory_space<vmem>>)
          %dma_wait3A_219 = arith.constant 0 : i32
          %dma_wait3A_220 = tpu.memref_slice %arg4[%add3A_214, %dma_wait3A_219] : memref<320000x128xf32, #tpu.memory_space<hbm>> -> memref<80x128xf32, #tpu.memory_space<hbm>>
          %dma_wait3A_221 = arith.constant 0 : i32
          %dma_wait3A_222 = tpu.memref_slice %arg4[%add3A_214, %dma_wait3A_221] : memref<320000x128xf32, #tpu.memory_space<hbm>> -> memref<80x128xf32, #tpu.memory_space<hbm>>
          tpu.wait_dma2 semaphore(%arg22 : memref<!tpu.dma_semaphore, #tpu.memory_space<semaphore_mem>>) src(%dma_wait3A_222 : memref<80x128xf32, #tpu.memory_space<hbm>>) dst(%arg9 : memref<80x128xf32, #tpu.memory_space<vmem>>)
          %dma_start3A_223 = arith.constant 0 : i32
          %dma_start3A_224 = arith.constant 0 : i32
          %dma_start3A_225 = tpu.memref_slice %arg2[%dma_start3A_223, %dma_start3A_224] : memref<10000x128xf32, #tpu.memory_space<hbm>> -> memref<10000x128xf32, #tpu.memory_space<hbm>>
          tpu.enqueue_indirect_dma source(%dma_start3A_225 : memref<10000x128xf32, #tpu.memory_space<hbm>>) target(%arg9 : memref<80x128xf32, #tpu.memory_space<vmem>>) offsets(%arg10 : memref<80xi32, #tpu.memory_space<vmem>>) semaphore(%arg23 : memref<!tpu.dma_semaphore, #tpu.memory_space<semaphore_mem>>) {add = true}
        } else {
        }
        %scan3A_199 = arith.constant 0 : i32
        %scan3A_200 = arith.constant 0 : i32
        %scan3A_201 = arith.constant 80 : i32
        %scan3A_202 = arith.addi %scan3A_200, %scan3A_201 : i32
        %scan3A_203 = arith.constant 1 : i32
        scf.for %scan3A_208 = %scan3A_200 to %scan3A_202 step %scan3A_203  : i32 {
          %get3A = arith.index_cast %scan3A_208 : i32 to index
          %get3A_209 = arith.constant 0 : index
          %get3A_210 = tpu.vector_load %arg15[%get3A, %get3A_209] {strides = array<i32>} : memref<80x128xf32, #tpu.memory_space<vmem>>, vector<1x16xf32>,
          %get3A_211 = vector.shape_cast %get3A_210 : vector<1x16xf32> to vector<16xf32>
          %max3A = arith.constant 0.000000e+00 : f32
          %max3A_212 = vector.broadcast %max3A : f32 to vector<16xf32>
          %max3A_213 = arith.maximumf %get3A_211, %max3A_212 : vector<16xf32>
          %swap3A = arith.index_cast %scan3A_208 : i32 to index
          %swap3A_214 = arith.constant 0 : index
          %swap3A_215 = tpu.vector_load %arg15[%swap3A, %swap3A_214] {strides = array<i32>} : memref<80x128xf32, #tpu.memory_space<vmem>>, vector<1x16xf32>,
          %swap3A_216 = vector.shape_cast %swap3A_215 : vector<1x16xf32> to vector<16xf32>
          %swap3A_217 = vector.shape_cast %max3A_213 : vector<16xf32> to vector<1x16xf32>
          tpu.vector_store %arg15[%swap3A, %swap3A_214], %swap3A_217 {strides = array<i32>} : memref<80x128xf32, #tpu.memory_space<vmem>>, vector<1x16xf32>,
          %get3A_218 = arith.index_cast %scan3A_208 : i32 to index
          %get3A_219 = arith.constant 16 : index
          %get3A_220 = tpu.vector_load %arg15[%get3A_218, %get3A_219] {strides = array<i32>} : memref<80x128xf32, #tpu.memory_space<vmem>>, vector<1x16xf32>,
          %get3A_221 = vector.shape_cast %get3A_220 : vector<1x16xf32> to vector<16xf32>
          %max3A_222 = arith.constant 0.000000e+00 : f32
          %max3A_223 = vector.broadcast %max3A_222 : f32 to vector<16xf32>
          %max3A_224 = arith.maximumf %get3A_221, %max3A_223 : vector<16xf32>
          %swap3A_225 = arith.index_cast %scan3A_208 : i32 to index
          %swap3A_226 = arith.constant 16 : index
          %swap3A_227 = tpu.vector_load %arg15[%swap3A_225, %swap3A_226] {strides = array<i32>} : memref<80x128xf32, #tpu.memory_space<vmem>>, vector<1x16xf32>,
          %swap3A_228 = vector.shape_cast %swap3A_227 : vector<1x16xf32> to vector<16xf32>
          %swap3A_229 = vector.shape_cast %max3A_224 : vector<16xf32> to vector<1x16xf32>
          tpu.vector_store %arg15[%swap3A_225, %swap3A_226], %swap3A_229 {strides = array<i32>} : memref<80x128xf32, #tpu.memory_space<vmem>>, vector<1x16xf32>,
          %get3A_230 = arith.index_cast %scan3A_208 : i32 to index
          %get3A_231 = arith.constant 32 : index
          %get3A_232 = tpu.vector_load %arg15[%get3A_230, %get3A_231] {strides = array<i32>} : memref<80x128xf32, #tpu.memory_space<vmem>>, vector<1x16xf32>,
          %get3A_233 = vector.shape_cast %get3A_232 : vector<1x16xf32> to vector<16xf32>
          %max3A_234 = arith.constant 0.000000e+00 : f32
          %max3A_235 = vector.broadcast %max3A_234 : f32 to vector<16xf32>
          %max3A_236 = arith.maximumf %get3A_233, %max3A_235 : vector<16xf32>
          %swap3A_237 = arith.index_cast %scan3A_208 : i32 to index
          %swap3A_238 = arith.constant 32 : index
          %swap3A_239 = tpu.vector_load %arg15[%swap3A_237, %swap3A_238] {strides = array<i32>} : memref<80x128xf32, #tpu.memory_space<vmem>>, vector<1x16xf32>,
          %swap3A_240 = vector.shape_cast %swap3A_239 : vector<1x16xf32> to vector<16xf32>
          %swap3A_241 = vector.shape_cast %max3A_236 : vector<16xf32> to vector<1x16xf32>
          tpu.vector_store %arg15[%swap3A_237, %swap3A_238], %swap3A_241 {strides = array<i32>} : memref<80x128xf32, #tpu.memory_space<vmem>>, vector<1x16xf32>,
          %get3A_242 = arith.index_cast %scan3A_208 : i32 to index
          %get3A_243 = arith.constant 48 : index
          %get3A_244 = tpu.vector_load %arg15[%get3A_242, %get3A_243] {strides = array<i32>} : memref<80x128xf32, #tpu.memory_space<vmem>>, vector<1x16xf32>,
          %get3A_245 = vector.shape_cast %get3A_244 : vector<1x16xf32> to vector<16xf32>
          %max3A_246 = arith.constant 0.000000e+00 : f32
          %max3A_247 = vector.broadcast %max3A_246 : f32 to vector<16xf32>
          %max3A_248 = arith.maximumf %get3A_245, %max3A_247 : vector<16xf32>
          %swap3A_249 = arith.index_cast %scan3A_208 : i32 to index
          %swap3A_250 = arith.constant 48 : index
          %swap3A_251 = tpu.vector_load %arg15[%swap3A_249, %swap3A_250] {strides = array<i32>} : memref<80x128xf32, #tpu.memory_space<vmem>>, vector<1x16xf32>,
          %swap3A_252 = vector.shape_cast %swap3A_251 : vector<1x16xf32> to vector<16xf32>
          %swap3A_253 = vector.shape_cast %max3A_248 : vector<16xf32> to vector<1x16xf32>
          tpu.vector_store %arg15[%swap3A_249, %swap3A_250], %swap3A_253 {strides = array<i32>} : memref<80x128xf32, #tpu.memory_space<vmem>>, vector<1x16xf32>,
          %get3A_254 = arith.index_cast %scan3A_208 : i32 to index
          %get3A_255 = arith.constant 64 : index
          %get3A_256 = tpu.vector_load %arg15[%get3A_254, %get3A_255] {strides = array<i32>} : memref<80x128xf32, #tpu.memory_space<vmem>>, vector<1x16xf32>,
          %get3A_257 = vector.shape_cast %get3A_256 : vector<1x16xf32> to vector<16xf32>
          %max3A_258 = arith.constant 0.000000e+00 : f32
          %max3A_259 = vector.broadcast %max3A_258 : f32 to vector<16xf32>
          %max3A_260 = arith.maximumf %get3A_257, %max3A_259 : vector<16xf32>
          %swap3A_261 = arith.index_cast %scan3A_208 : i32 to index
          %swap3A_262 = arith.constant 64 : index
          %swap3A_263 = tpu.vector_load %arg15[%swap3A_261, %swap3A_262] {strides = array<i32>} : memref<80x128xf32, #tpu.memory_space<vmem>>, vector<1x16xf32>,
          %swap3A_264 = vector.shape_cast %swap3A_263 : vector<1x16xf32> to vector<16xf32>
          %swap3A_265 = vector.shape_cast %max3A_260 : vector<16xf32> to vector<1x16xf32>
          tpu.vector_store %arg15[%swap3A_261, %swap3A_262], %swap3A_265 {strides = array<i32>} : memref<80x128xf32, #tpu.memory_space<vmem>>, vector<1x16xf32>,
          %get3A_266 = arith.index_cast %scan3A_208 : i32 to index
          %get3A_267 = arith.constant 80 : index
          %get3A_268 = tpu.vector_load %arg15[%get3A_266, %get3A_267] {strides = array<i32>} : memref<80x128xf32, #tpu.memory_space<vmem>>, vector<1x16xf32>,
          %get3A_269 = vector.shape_cast %get3A_268 : vector<1x16xf32> to vector<16xf32>
          %max3A_270 = arith.constant 0.000000e+00 : f32
          %max3A_271 = vector.broadcast %max3A_270 : f32 to vector<16xf32>
          %max3A_272 = arith.maximumf %get3A_269, %max3A_271 : vector<16xf32>
          %swap3A_273 = arith.index_cast %scan3A_208 : i32 to index
          %swap3A_274 = arith.constant 80 : index
          %swap3A_275 = tpu.vector_load %arg15[%swap3A_273, %swap3A_274] {strides = array<i32>} : memref<80x128xf32, #tpu.memory_space<vmem>>, vector<1x16xf32>,
          %swap3A_276 = vector.shape_cast %swap3A_275 : vector<1x16xf32> to vector<16xf32>
          %swap3A_277 = vector.shape_cast %max3A_272 : vector<16xf32> to vector<1x16xf32>
          tpu.vector_store %arg15[%swap3A_273, %swap3A_274], %swap3A_277 {strides = array<i32>} : memref<80x128xf32, #tpu.memory_space<vmem>>, vector<1x16xf32>,
          %get3A_278 = arith.index_cast %scan3A_208 : i32 to index
          %get3A_279 = arith.constant 96 : index
          %get3A_280 = tpu.vector_load %arg15[%get3A_278, %get3A_279] {strides = array<i32>} : memref<80x128xf32, #tpu.memory_space<vmem>>, vector<1x16xf32>,
          %get3A_281 = vector.shape_cast %get3A_280 : vector<1x16xf32> to vector<16xf32>
          %max3A_282 = arith.constant 0.000000e+00 : f32
          %max3A_283 = vector.broadcast %max3A_282 : f32 to vector<16xf32>
          %max3A_284 = arith.maximumf %get3A_281, %max3A_283 : vector<16xf32>
          %swap3A_285 = arith.index_cast %scan3A_208 : i32 to index
          %swap3A_286 = arith.constant 96 : index
          %swap3A_287 = tpu.vector_load %arg15[%swap3A_285, %swap3A_286] {strides = array<i32>} : memref<80x128xf32, #tpu.memory_space<vmem>>, vector<1x16xf32>,
          %swap3A_288 = vector.shape_cast %swap3A_287 : vector<1x16xf32> to vector<16xf32>
          %swap3A_289 = vector.shape_cast %max3A_284 : vector<16xf32> to vector<1x16xf32>
          tpu.vector_store %arg15[%swap3A_285, %swap3A_286], %swap3A_289 {strides = array<i32>} : memref<80x128xf32, #tpu.memory_space<vmem>>, vector<1x16xf32>,
          %get3A_290 = arith.index_cast %scan3A_208 : i32 to index
          %get3A_291 = arith.constant 112 : index
          %get3A_292 = tpu.vector_load %arg15[%get3A_290, %get3A_291] {strides = array<i32>} : memref<80x128xf32, #tpu.memory_space<vmem>>, vector<1x16xf32>,
          %get3A_293 = vector.shape_cast %get3A_292 : vector<1x16xf32> to vector<16xf32>
          %max3A_294 = arith.constant 0.000000e+00 : f32
          %max3A_295 = vector.broadcast %max3A_294 : f32 to vector<16xf32>
          %max3A_296 = arith.maximumf %get3A_293, %max3A_295 : vector<16xf32>
          %swap3A_297 = arith.index_cast %scan3A_208 : i32 to index
          %swap3A_298 = arith.constant 112 : index
          %swap3A_299 = tpu.vector_load %arg15[%swap3A_297, %swap3A_298] {strides = array<i32>} : memref<80x128xf32, #tpu.memory_space<vmem>>, vector<1x16xf32>,
          %swap3A_300 = vector.shape_cast %swap3A_299 : vector<1x16xf32> to vector<16xf32>
          %swap3A_301 = vector.shape_cast %max3A_296 : vector<16xf32> to vector<1x16xf32>
          tpu.vector_store %arg15[%swap3A_297, %swap3A_298], %swap3A_301 {strides = array<i32>} : memref<80x128xf32, #tpu.memory_space<vmem>>, vector<1x16xf32>,
        }
        %scan3A_204 = arith.constant 80 : i32
        %dma_start3A_205 = arith.constant 0 : i32
        %dma_start3A_206 = arith.constant 0 : i32
        %dma_start3A_207 = tpu.memref_slice %arg21[%dma_start3A_205, %dma_start3A_206] : memref<10000x128xf32, #tpu.memory_space<vmem_shared>> -> memref<10000x128xf32, #tpu.memory_space<vmem_shared>>
        tpu.enqueue_indirect_dma source(%arg15 : memref<80x128xf32, #tpu.memory_space<vmem>>) target(%dma_start3A_207 : memref<10000x128xf32, #tpu.memory_space<vmem_shared>>) offsets(%arg17 : memref<80xi32, #tpu.memory_space<vmem>>) semaphore(%arg30 : memref<!tpu.dma_semaphore, #tpu.memory_space<semaphore_mem>>) {add = true}
      } else {
      }
      %jit3A_150 = arith.constant 4 : i32
      %eq3A_151 = arith.constant 0 : i32
      %eq3A_152 = arith.cmpi eq, %jit3A_150, %eq3A_151 : i32
      %jit3A_153 = arith.constant 1 : i32
      %select_n3A_154 = arith.select %eq3A_152, %jit3A_153, %jit3A_150 : i32
      %rem3A_155 = arith.remsi %scan3A_91, %select_n3A_154 : i32
      %ne3A_156 = arith.constant 0 : i32
      %ne3A_157 = arith.cmpi ne, %rem3A_155, %ne3A_156 : i32
      %lt3A_158 = arith.constant 0 : i32
      %lt3A_159 = arith.cmpi slt, %rem3A_155, %lt3A_158 : i32
      %lt3A_160 = arith.constant 0 : i32
      %lt3A_161 = arith.cmpi slt, %select_n3A_154, %lt3A_160 : i32
      %ne3A_162 = arith.xori %lt3A_159, %lt3A_161 : i1
      %and3A_163 = arith.andi %ne3A_162, %ne3A_157 : i1
      %add3A_164 = arith.addi %rem3A_155, %select_n3A_154 : i32
      %select_n3A_165 = arith.select %and3A_163, %add3A_164, %rem3A_155 : i32
      %eq3A_166 = arith.constant 3 : i32
      %eq3A_167 = arith.cmpi eq, %select_n3A_165, %eq3A_166 : i32
      %convert_element_type3A_168 = arith.extui %eq3A_167 : i1 to i32
      %cond3A_169 = arith.constant 0 : i32
      %cond3A_170 = arith.cmpi ne, %convert_element_type3A_168, %cond3A_169 : i32
      scf.if %cond3A_170 {
        %dma_wait3A_171 = arith.constant 0 : i32
        %dma_wait3A_172 = arith.constant 0 : i32
        %dma_wait3A_173 = tpu.memref_slice %arg3[%dma_wait3A_171, %dma_wait3A_172] : memref<10000x128xf32, #tpu.memory_space<hbm>> -> memref<10000x128xf32, #tpu.memory_space<hbm>>
        tpu.wait_indirect_dma semaphore(%arg32 : memref<!tpu.dma_semaphore, #tpu.memory_space<semaphore_mem>>) src(%dma_wait3A_173 : memref<10000x128xf32, #tpu.memory_space<hbm>>) dst(%arg18 : memref<80x128xf32, #tpu.memory_space<vmem>>)
        %ge3A = arith.constant 1 : i32
        %ge3A_174 = arith.cmpi sge, %scan3A_91, %ge3A : i32
        %convert_element_type3A_175 = arith.extui %ge3A_174 : i1 to i32
        %cond3A_176 = arith.constant 0 : i32
        %cond3A_177 = arith.cmpi ne, %convert_element_type3A_175, %cond3A_176 : i32
        scf.if %cond3A_177 {
          %dma_wait3A_208 = arith.constant 0 : i32
          %dma_wait3A_209 = arith.constant 0 : i32
          %dma_wait3A_210 = tpu.memref_slice %arg21[%dma_wait3A_208, %dma_wait3A_209] : memref<10000x128xf32, #tpu.memory_space<vmem_shared>> -> memref<10000x128xf32, #tpu.memory_space<vmem_shared>>
          tpu.wait_indirect_dma semaphore(%arg30 : memref<!tpu.dma_semaphore, #tpu.memory_space<semaphore_mem>>) src(%arg15 : memref<80x128xf32, #tpu.memory_space<vmem>>) dst(%dma_wait3A_210 : memref<10000x128xf32, #tpu.memory_space<vmem_shared>>)
        } else {
        }
        %add3A_178 = arith.constant 3 : i32
        %add3A_179 = arith.addi %scan3A_91, %add3A_178 : i32
        %lt3A_180 = arith.constant 125 : i32
        %lt3A_181 = arith.cmpi slt, %add3A_179, %lt3A_180 : i32
        %convert_element_type3A_182 = arith.extui %lt3A_181 : i1 to i32
        %cond3A_183 = arith.constant 0 : i32
        %cond3A_184 = arith.cmpi ne, %convert_element_type3A_182, %cond3A_183 : i32
        scf.if %cond3A_184 {
          %add3A_208 = arith.constant 3 : i32
          %add3A_209 = arith.addi %scan3A_91, %add3A_208 : i32
          %mul3A_210 = arith.constant 10000 : i32
          %mul3A_211 = arith.muli %add3A, %mul3A_210 : i32
          %mul3A_212 = arith.constant 80 : i32
          %mul3A_213 = arith.muli %add3A_209, %mul3A_212 : i32
          %add3A_214 = arith.addi %mul3A_211, %mul3A_213 : i32
          %dma_start3A_215 = tpu.memref_slice %arg5[%add3A_214] : memref<320000xi32, #tpu.memory_space<hbm>> -> memref<80xi32, #tpu.memory_space<hbm>>
          %dma_start3A_216 = tpu.memref_slice %arg5[%add3A_214] : memref<320000xi32, #tpu.memory_space<hbm>> -> memref<80xi32, #tpu.memory_space<hbm>>
          tpu.enqueue_dma source(%dma_start3A_216 : memref<80xi32, #tpu.memory_space<hbm>>) target(%arg16 : memref<80xi32, #tpu.memory_space<vmem>>) target_semaphore(%arg28 : memref<!tpu.dma_semaphore, #tpu.memory_space<semaphore_mem>>)
          %dma_start3A_217 = tpu.memref_slice %arg6[%add3A_214] : memref<320000xi32, #tpu.memory_space<hbm>> -> memref<80xi32, #tpu.memory_space<hbm>>
          %dma_start3A_218 = tpu.memref_slice %arg6[%add3A_214] : memref<320000xi32, #tpu.memory_space<hbm>> -> memref<80xi32, #tpu.memory_space<hbm>>
          tpu.enqueue_dma source(%dma_start3A_218 : memref<80xi32, #tpu.memory_space<hbm>>) target(%arg17 : memref<80xi32, #tpu.memory_space<vmem>>) target_semaphore(%arg28 : memref<!tpu.dma_semaphore, #tpu.memory_space<semaphore_mem>>)
          %dma_start3A_219 = arith.constant 0 : i32
          %dma_start3A_220 = tpu.memref_slice %arg4[%add3A_214, %dma_start3A_219] : memref<320000x128xf32, #tpu.memory_space<hbm>> -> memref<80x128xf32, #tpu.memory_space<hbm>>
          %dma_start3A_221 = arith.constant 0 : i32
          %dma_start3A_222 = tpu.memref_slice %arg4[%add3A_214, %dma_start3A_221] : memref<320000x128xf32, #tpu.memory_space<hbm>> -> memref<80x128xf32, #tpu.memory_space<hbm>>
          tpu.enqueue_dma source(%dma_start3A_222 : memref<80x128xf32, #tpu.memory_space<hbm>>) target(%arg15 : memref<80x128xf32, #tpu.memory_space<vmem>>) target_semaphore(%arg28 : memref<!tpu.dma_semaphore, #tpu.memory_space<semaphore_mem>>)
        } else {
        }
        %add3A_185 = arith.constant 1 : i32
        %add3A_186 = arith.addi %scan3A_91, %add3A_185 : i32
        %lt3A_187 = arith.constant 125 : i32
        %lt3A_188 = arith.cmpi slt, %add3A_186, %lt3A_187 : i32
        %convert_element_type3A_189 = arith.extui %lt3A_188 : i1 to i32
        %cond3A_190 = arith.constant 0 : i32
        %cond3A_191 = arith.cmpi ne, %convert_element_type3A_189, %cond3A_190 : i32
        scf.if %cond3A_191 {
          %dma_wait3A_208 = arith.constant 0 : i32
          %dma_wait3A_209 = arith.constant 0 : i32
          %dma_wait3A_210 = tpu.memref_slice %arg2[%dma_wait3A_208, %dma_wait3A_209] : memref<10000x128xf32, #tpu.memory_space<hbm>> -> memref<10000x128xf32, #tpu.memory_space<hbm>>
          tpu.wait_indirect_dma semaphore(%arg23 : memref<!tpu.dma_semaphore, #tpu.memory_space<semaphore_mem>>) src(%dma_wait3A_210 : memref<10000x128xf32, #tpu.memory_space<hbm>>) dst(%arg9 : memref<80x128xf32, #tpu.memory_space<vmem>>)
          %dma_start3A_211 = arith.constant 0 : i32
          %dma_start3A_212 = arith.constant 0 : i32
          %dma_start3A_213 = tpu.memref_slice %arg3[%dma_start3A_211, %dma_start3A_212] : memref<10000x128xf32, #tpu.memory_space<hbm>> -> memref<10000x128xf32, #tpu.memory_space<hbm>>
          tpu.enqueue_indirect_dma source(%dma_start3A_213 : memref<10000x128xf32, #tpu.memory_space<hbm>>) target(%arg9 : memref<80x128xf32, #tpu.memory_space<vmem>>) offsets(%arg11 : memref<80xi32, #tpu.memory_space<vmem>>) semaphore(%arg23 : memref<!tpu.dma_semaphore, #tpu.memory_space<semaphore_mem>>) {add = true}
        } else {
        }
        %add3A_192 = arith.constant 2 : i32
        %add3A_193 = arith.addi %scan3A_91, %add3A_192 : i32
        %lt3A_194 = arith.constant 125 : i32
        %lt3A_195 = arith.cmpi slt, %add3A_193, %lt3A_194 : i32
        %convert_element_type3A_196 = arith.extui %lt3A_195 : i1 to i32
        %cond3A_197 = arith.constant 0 : i32
        %cond3A_198 = arith.cmpi ne, %convert_element_type3A_196, %cond3A_197 : i32
        scf.if %cond3A_198 {
          %add3A_208 = arith.constant 2 : i32
          %add3A_209 = arith.addi %scan3A_91, %add3A_208 : i32
          %mul3A_210 = arith.constant 10000 : i32
          %mul3A_211 = arith.muli %add3A, %mul3A_210 : i32
          %mul3A_212 = arith.constant 80 : i32
          %mul3A_213 = arith.muli %add3A_209, %mul3A_212 : i32
          %add3A_214 = arith.addi %mul3A_211, %mul3A_213 : i32
          %dma_wait3A_215 = tpu.memref_slice %arg5[%add3A_214] : memref<320000xi32, #tpu.memory_space<hbm>> -> memref<80xi32, #tpu.memory_space<hbm>>
          %dma_wait3A_216 = tpu.memref_slice %arg5[%add3A_214] : memref<320000xi32, #tpu.memory_space<hbm>> -> memref<80xi32, #tpu.memory_space<hbm>>
          tpu.wait_dma2 semaphore(%arg25 : memref<!tpu.dma_semaphore, #tpu.memory_space<semaphore_mem>>) src(%dma_wait3A_216 : memref<80xi32, #tpu.memory_space<hbm>>) dst(%arg13 : memref<80xi32, #tpu.memory_space<vmem>>)
          %dma_wait3A_217 = tpu.memref_slice %arg6[%add3A_214] : memref<320000xi32, #tpu.memory_space<hbm>> -> memref<80xi32, #tpu.memory_space<hbm>>
          %dma_wait3A_218 = tpu.memref_slice %arg6[%add3A_214] : memref<320000xi32, #tpu.memory_space<hbm>> -> memref<80xi32, #tpu.memory_space<hbm>>
          tpu.wait_dma2 semaphore(%arg25 : memref<!tpu.dma_semaphore, #tpu.memory_space<semaphore_mem>>) src(%dma_wait3A_218 : memref<80xi32, #tpu.memory_space<hbm>>) dst(%arg14 : memref<80xi32, #tpu.memory_space<vmem>>)
          %dma_wait3A_219 = arith.constant 0 : i32
          %dma_wait3A_220 = tpu.memref_slice %arg4[%add3A_214, %dma_wait3A_219] : memref<320000x128xf32, #tpu.memory_space<hbm>> -> memref<80x128xf32, #tpu.memory_space<hbm>>
          %dma_wait3A_221 = arith.constant 0 : i32
          %dma_wait3A_222 = tpu.memref_slice %arg4[%add3A_214, %dma_wait3A_221] : memref<320000x128xf32, #tpu.memory_space<hbm>> -> memref<80x128xf32, #tpu.memory_space<hbm>>
          tpu.wait_dma2 semaphore(%arg25 : memref<!tpu.dma_semaphore, #tpu.memory_space<semaphore_mem>>) src(%dma_wait3A_222 : memref<80x128xf32, #tpu.memory_space<hbm>>) dst(%arg12 : memref<80x128xf32, #tpu.memory_space<vmem>>)
          %dma_start3A_223 = arith.constant 0 : i32
          %dma_start3A_224 = arith.constant 0 : i32
          %dma_start3A_225 = tpu.memref_slice %arg2[%dma_start3A_223, %dma_start3A_224] : memref<10000x128xf32, #tpu.memory_space<hbm>> -> memref<10000x128xf32, #tpu.memory_space<hbm>>
          tpu.enqueue_indirect_dma source(%dma_start3A_225 : memref<10000x128xf32, #tpu.memory_space<hbm>>) target(%arg12 : memref<80x128xf32, #tpu.memory_space<vmem>>) offsets(%arg13 : memref<80xi32, #tpu.memory_space<vmem>>) semaphore(%arg26 : memref<!tpu.dma_semaphore, #tpu.memory_space<semaphore_mem>>) {add = true}
        } else {
        }
        %scan3A_199 = arith.constant 0 : i32
        %scan3A_200 = arith.constant 0 : i32
        %scan3A_201 = arith.constant 80 : i32
        %scan3A_202 = arith.addi %scan3A_200, %scan3A_201 : i32
        %scan3A_203 = arith.constant 1 : i32
        scf.for %scan3A_208 = %scan3A_200 to %scan3A_202 step %scan3A_203  : i32 {
          %get3A = arith.index_cast %scan3A_208 : i32 to index
          %get3A_209 = arith.constant 0 : index
          %get3A_210 = tpu.vector_load %arg18[%get3A, %get3A_209] {strides = array<i32>} : memref<80x128xf32, #tpu.memory_space<vmem>>, vector<1x16xf32>,
          %get3A_211 = vector.shape_cast %get3A_210 : vector<1x16xf32> to vector<16xf32>
          %max3A = arith.constant 0.000000e+00 : f32
          %max3A_212 = vector.broadcast %max3A : f32 to vector<16xf32>
          %max3A_213 = arith.maximumf %get3A_211, %max3A_212 : vector<16xf32>
          %swap3A = arith.index_cast %scan3A_208 : i32 to index
          %swap3A_214 = arith.constant 0 : index
          %swap3A_215 = tpu.vector_load %arg18[%swap3A, %swap3A_214] {strides = array<i32>} : memref<80x128xf32, #tpu.memory_space<vmem>>, vector<1x16xf32>,
          %swap3A_216 = vector.shape_cast %swap3A_215 : vector<1x16xf32> to vector<16xf32>
          %swap3A_217 = vector.shape_cast %max3A_213 : vector<16xf32> to vector<1x16xf32>
          tpu.vector_store %arg18[%swap3A, %swap3A_214], %swap3A_217 {strides = array<i32>} : memref<80x128xf32, #tpu.memory_space<vmem>>, vector<1x16xf32>,
          %get3A_218 = arith.index_cast %scan3A_208 : i32 to index
          %get3A_219 = arith.constant 16 : index
          %get3A_220 = tpu.vector_load %arg18[%get3A_218, %get3A_219] {strides = array<i32>} : memref<80x128xf32, #tpu.memory_space<vmem>>, vector<1x16xf32>,
          %get3A_221 = vector.shape_cast %get3A_220 : vector<1x16xf32> to vector<16xf32>
          %max3A_222 = arith.constant 0.000000e+00 : f32
          %max3A_223 = vector.broadcast %max3A_222 : f32 to vector<16xf32>
          %max3A_224 = arith.maximumf %get3A_221, %max3A_223 : vector<16xf32>
          %swap3A_225 = arith.index_cast %scan3A_208 : i32 to index
          %swap3A_226 = arith.constant 16 : index
          %swap3A_227 = tpu.vector_load %arg18[%swap3A_225, %swap3A_226] {strides = array<i32>} : memref<80x128xf32, #tpu.memory_space<vmem>>, vector<1x16xf32>,
          %swap3A_228 = vector.shape_cast %swap3A_227 : vector<1x16xf32> to vector<16xf32>
          %swap3A_229 = vector.shape_cast %max3A_224 : vector<16xf32> to vector<1x16xf32>
          tpu.vector_store %arg18[%swap3A_225, %swap3A_226], %swap3A_229 {strides = array<i32>} : memref<80x128xf32, #tpu.memory_space<vmem>>, vector<1x16xf32>,
          %get3A_230 = arith.index_cast %scan3A_208 : i32 to index
          %get3A_231 = arith.constant 32 : index
          %get3A_232 = tpu.vector_load %arg18[%get3A_230, %get3A_231] {strides = array<i32>} : memref<80x128xf32, #tpu.memory_space<vmem>>, vector<1x16xf32>,
          %get3A_233 = vector.shape_cast %get3A_232 : vector<1x16xf32> to vector<16xf32>
          %max3A_234 = arith.constant 0.000000e+00 : f32
          %max3A_235 = vector.broadcast %max3A_234 : f32 to vector<16xf32>
          %max3A_236 = arith.maximumf %get3A_233, %max3A_235 : vector<16xf32>
          %swap3A_237 = arith.index_cast %scan3A_208 : i32 to index
          %swap3A_238 = arith.constant 32 : index
          %swap3A_239 = tpu.vector_load %arg18[%swap3A_237, %swap3A_238] {strides = array<i32>} : memref<80x128xf32, #tpu.memory_space<vmem>>, vector<1x16xf32>,
          %swap3A_240 = vector.shape_cast %swap3A_239 : vector<1x16xf32> to vector<16xf32>
          %swap3A_241 = vector.shape_cast %max3A_236 : vector<16xf32> to vector<1x16xf32>
          tpu.vector_store %arg18[%swap3A_237, %swap3A_238], %swap3A_241 {strides = array<i32>} : memref<80x128xf32, #tpu.memory_space<vmem>>, vector<1x16xf32>,
          %get3A_242 = arith.index_cast %scan3A_208 : i32 to index
          %get3A_243 = arith.constant 48 : index
          %get3A_244 = tpu.vector_load %arg18[%get3A_242, %get3A_243] {strides = array<i32>} : memref<80x128xf32, #tpu.memory_space<vmem>>, vector<1x16xf32>,
          %get3A_245 = vector.shape_cast %get3A_244 : vector<1x16xf32> to vector<16xf32>
          %max3A_246 = arith.constant 0.000000e+00 : f32
          %max3A_247 = vector.broadcast %max3A_246 : f32 to vector<16xf32>
          %max3A_248 = arith.maximumf %get3A_245, %max3A_247 : vector<16xf32>
          %swap3A_249 = arith.index_cast %scan3A_208 : i32 to index
          %swap3A_250 = arith.constant 48 : index
          %swap3A_251 = tpu.vector_load %arg18[%swap3A_249, %swap3A_250] {strides = array<i32>} : memref<80x128xf32, #tpu.memory_space<vmem>>, vector<1x16xf32>,
          %swap3A_252 = vector.shape_cast %swap3A_251 : vector<1x16xf32> to vector<16xf32>
          %swap3A_253 = vector.shape_cast %max3A_248 : vector<16xf32> to vector<1x16xf32>
          tpu.vector_store %arg18[%swap3A_249, %swap3A_250], %swap3A_253 {strides = array<i32>} : memref<80x128xf32, #tpu.memory_space<vmem>>, vector<1x16xf32>,
          %get3A_254 = arith.index_cast %scan3A_208 : i32 to index
          %get3A_255 = arith.constant 64 : index
          %get3A_256 = tpu.vector_load %arg18[%get3A_254, %get3A_255] {strides = array<i32>} : memref<80x128xf32, #tpu.memory_space<vmem>>, vector<1x16xf32>,
          %get3A_257 = vector.shape_cast %get3A_256 : vector<1x16xf32> to vector<16xf32>
          %max3A_258 = arith.constant 0.000000e+00 : f32
          %max3A_259 = vector.broadcast %max3A_258 : f32 to vector<16xf32>
          %max3A_260 = arith.maximumf %get3A_257, %max3A_259 : vector<16xf32>
          %swap3A_261 = arith.index_cast %scan3A_208 : i32 to index
          %swap3A_262 = arith.constant 64 : index
          %swap3A_263 = tpu.vector_load %arg18[%swap3A_261, %swap3A_262] {strides = array<i32>} : memref<80x128xf32, #tpu.memory_space<vmem>>, vector<1x16xf32>,
          %swap3A_264 = vector.shape_cast %swap3A_263 : vector<1x16xf32> to vector<16xf32>
          %swap3A_265 = vector.shape_cast %max3A_260 : vector<16xf32> to vector<1x16xf32>
          tpu.vector_store %arg18[%swap3A_261, %swap3A_262], %swap3A_265 {strides = array<i32>} : memref<80x128xf32, #tpu.memory_space<vmem>>, vector<1x16xf32>,
          %get3A_266 = arith.index_cast %scan3A_208 : i32 to index
          %get3A_267 = arith.constant 80 : index
          %get3A_268 = tpu.vector_load %arg18[%get3A_266, %get3A_267] {strides = array<i32>} : memref<80x128xf32, #tpu.memory_space<vmem>>, vector<1x16xf32>,
          %get3A_269 = vector.shape_cast %get3A_268 : vector<1x16xf32> to vector<16xf32>
          %max3A_270 = arith.constant 0.000000e+00 : f32
          %max3A_271 = vector.broadcast %max3A_270 : f32 to vector<16xf32>
          %max3A_272 = arith.maximumf %get3A_269, %max3A_271 : vector<16xf32>
          %swap3A_273 = arith.index_cast %scan3A_208 : i32 to index
          %swap3A_274 = arith.constant 80 : index
          %swap3A_275 = tpu.vector_load %arg18[%swap3A_273, %swap3A_274] {strides = array<i32>} : memref<80x128xf32, #tpu.memory_space<vmem>>, vector<1x16xf32>,
          %swap3A_276 = vector.shape_cast %swap3A_275 : vector<1x16xf32> to vector<16xf32>
          %swap3A_277 = vector.shape_cast %max3A_272 : vector<16xf32> to vector<1x16xf32>
          tpu.vector_store %arg18[%swap3A_273, %swap3A_274], %swap3A_277 {strides = array<i32>} : memref<80x128xf32, #tpu.memory_space<vmem>>, vector<1x16xf32>,
          %get3A_278 = arith.index_cast %scan3A_208 : i32 to index
          %get3A_279 = arith.constant 96 : index
          %get3A_280 = tpu.vector_load %arg18[%get3A_278, %get3A_279] {strides = array<i32>} : memref<80x128xf32, #tpu.memory_space<vmem>>, vector<1x16xf32>,
          %get3A_281 = vector.shape_cast %get3A_280 : vector<1x16xf32> to vector<16xf32>
          %max3A_282 = arith.constant 0.000000e+00 : f32
          %max3A_283 = vector.broadcast %max3A_282 : f32 to vector<16xf32>
          %max3A_284 = arith.maximumf %get3A_281, %max3A_283 : vector<16xf32>
          %swap3A_285 = arith.index_cast %scan3A_208 : i32 to index
          %swap3A_286 = arith.constant 96 : index
          %swap3A_287 = tpu.vector_load %arg18[%swap3A_285, %swap3A_286] {strides = array<i32>} : memref<80x128xf32, #tpu.memory_space<vmem>>, vector<1x16xf32>,
          %swap3A_288 = vector.shape_cast %swap3A_287 : vector<1x16xf32> to vector<16xf32>
          %swap3A_289 = vector.shape_cast %max3A_284 : vector<16xf32> to vector<1x16xf32>
          tpu.vector_store %arg18[%swap3A_285, %swap3A_286], %swap3A_289 {strides = array<i32>} : memref<80x128xf32, #tpu.memory_space<vmem>>, vector<1x16xf32>,
          %get3A_290 = arith.index_cast %scan3A_208 : i32 to index
          %get3A_291 = arith.constant 112 : index
          %get3A_292 = tpu.vector_load %arg18[%get3A_290, %get3A_291] {strides = array<i32>} : memref<80x128xf32, #tpu.memory_space<vmem>>, vector<1x16xf32>,
          %get3A_293 = vector.shape_cast %get3A_292 : vector<1x16xf32> to vector<16xf32>
          %max3A_294 = arith.constant 0.000000e+00 : f32
          %max3A_295 = vector.broadcast %max3A_294 : f32 to vector<16xf32>
          %max3A_296 = arith.maximumf %get3A_293, %max3A_295 : vector<16xf32>
          %swap3A_297 = arith.index_cast %scan3A_208 : i32 to index
          %swap3A_298 = arith.constant 112 : index
          %swap3A_299 = tpu.vector_load %arg18[%swap3A_297, %swap3A_298] {strides = array<i32>} : memref<80x128xf32, #tpu.memory_space<vmem>>, vector<1x16xf32>,
          %swap3A_300 = vector.shape_cast %swap3A_299 : vector<1x16xf32> to vector<16xf32>
          %swap3A_301 = vector.shape_cast %max3A_296 : vector<16xf32> to vector<1x16xf32>
          tpu.vector_store %arg18[%swap3A_297, %swap3A_298], %swap3A_301 {strides = array<i32>} : memref<80x128xf32, #tpu.memory_space<vmem>>, vector<1x16xf32>,
        }
        %scan3A_204 = arith.constant 80 : i32
        %dma_start3A_205 = arith.constant 0 : i32
        %dma_start3A_206 = arith.constant 0 : i32
        %dma_start3A_207 = tpu.memref_slice %arg21[%dma_start3A_205, %dma_start3A_206] : memref<10000x128xf32, #tpu.memory_space<vmem_shared>> -> memref<10000x128xf32, #tpu.memory_space<vmem_shared>>
        tpu.enqueue_indirect_dma source(%arg18 : memref<80x128xf32, #tpu.memory_space<vmem>>) target(%dma_start3A_207 : memref<10000x128xf32, #tpu.memory_space<vmem_shared>>) offsets(%arg20 : memref<80xi32, #tpu.memory_space<vmem>>) semaphore(%arg33 : memref<!tpu.dma_semaphore, #tpu.memory_space<semaphore_mem>>) {add = true}
      } else {
      }
    }
    %scan3A_77 = arith.constant 125 : i32
    %dma_wait3A_78 = arith.constant 0 : i32
    %dma_wait3A_79 = arith.constant 0 : i32
    %dma_wait3A_80 = tpu.memref_slice %arg21[%dma_wait3A_78, %dma_wait3A_79] : memref<10000x128xf32, #tpu.memory_space<vmem_shared>> -> memref<10000x128xf32, #tpu.memory_space<vmem_shared>>
    tpu.wait_indirect_dma semaphore(%arg24 : memref<!tpu.dma_semaphore, #tpu.memory_space<semaphore_mem>>) src(%arg9 : memref<80x128xf32, #tpu.memory_space<vmem>>) dst(%dma_wait3A_80 : memref<10000x128xf32, #tpu.memory_space<vmem_shared>>)
    %barrier3A_81 = arith.constant 0 : index
    tpu.barrier barrier_id(%barrier3A_81)
    %lt3A = arith.constant 15 : i32
    %lt3A_82 = arith.cmpi slt, %arg1, %lt3A : i32
    %convert_element_type3A_83 = arith.extui %lt3A_82 : i1 to i32
    %cond3A_84 = arith.constant 0 : i32
    %cond3A_85 = arith.cmpi ne, %convert_element_type3A_83, %cond3A_84 : i32
    scf.if %cond3A_85 {
      %mul3A_91 = arith.constant 632 : i32
      %mul3A_92 = arith.muli %arg1, %mul3A_91 : i32
      %multiple_of3A = tpu.assume_multiple %mul3A_92, 8 : i32
      "tpu.region"() ({
        %run_scoped3A = tpu.sem_alloc : memref<!tpu.dma_semaphore, #tpu.memory_space<semaphore_mem>>
        %dma_start3A_93 = arith.constant 0 : i32
        %dma_start3A_94 = tpu.memref_slice %arg8[%arg0, %multiple_of3A, %dma_start3A_93] : memref<2x10000x128xf32, #tpu.memory_space<hbm>> -> memref<1x632x128xf32, #tpu.memory_space<hbm>>
        %dma_start3A_95 = tpu.memref_squeeze %dma_start3A_94 : memref<1x632x128xf32, #tpu.memory_space<hbm>> -> memref<632x128xf32, #tpu.memory_space<hbm>>
        %dma_start3A_96 = arith.constant 0 : i32
        %dma_start3A_97 = tpu.memref_slice %arg21[%multiple_of3A, %dma_start3A_96] : memref<10000x128xf32, #tpu.memory_space<vmem_shared>> -> memref<632x128xf32, #tpu.memory_space<vmem_shared>>
        tpu.enqueue_dma source(%dma_start3A_97 : memref<632x128xf32, #tpu.memory_space<vmem_shared>>) target(%dma_start3A_95 : memref<632x128xf32, #tpu.memory_space<hbm>>) target_semaphore(%run_scoped3A : memref<!tpu.dma_semaphore, #tpu.memory_space<semaphore_mem>>)
        %dma_wait3A_98 = arith.constant 0 : i32
        %dma_wait3A_99 = tpu.memref_slice %arg8[%arg0, %multiple_of3A, %dma_wait3A_98] : memref<2x10000x128xf32, #tpu.memory_space<hbm>> -> memref<1x632x128xf32, #tpu.memory_space<hbm>>
        %dma_wait3A_100 = tpu.memref_squeeze %dma_wait3A_99 : memref<1x632x128xf32, #tpu.memory_space<hbm>> -> memref<632x128xf32, #tpu.memory_space<hbm>>
        %dma_wait3A_101 = arith.constant 0 : i32
        %dma_wait3A_102 = tpu.memref_slice %arg21[%multiple_of3A, %dma_wait3A_101] : memref<10000x128xf32, #tpu.memory_space<vmem_shared>> -> memref<632x128xf32, #tpu.memory_space<vmem_shared>>
        tpu.wait_dma2 semaphore(%run_scoped3A : memref<!tpu.dma_semaphore, #tpu.memory_space<semaphore_mem>>) src(%dma_wait3A_102 : memref<632x128xf32, #tpu.memory_space<vmem_shared>>) dst(%dma_wait3A_100 : memref<632x128xf32, #tpu.memory_space<hbm>>)
        tpu.yield
      }) : () -> ()
    } else {
    }
    %eq3A_86 = arith.constant 15 : i32
    %eq3A_87 = arith.cmpi eq, %arg1, %eq3A_86 : i32
    %convert_element_type3A_88 = arith.extui %eq3A_87 : i1 to i32
    %cond3A_89 = arith.constant 0 : i32
    %cond3A_90 = arith.cmpi ne, %convert_element_type3A_88, %cond3A_89 : i32
    scf.if %cond3A_90 {
      "tpu.region"() ({
        %run_scoped3A = tpu.sem_alloc : memref<!tpu.dma_semaphore, #tpu.memory_space<semaphore_mem>>
        %dma_start3A_91 = arith.constant 9480 : i32
        %dma_start3A_92 = arith.constant 0 : i32
        %dma_start3A_93 = tpu.memref_slice %arg8[%arg0, %dma_start3A_91, %dma_start3A_92] : memref<2x10000x128xf32, #tpu.memory_space<hbm>> -> memref<1x520x128xf32, #tpu.memory_space<hbm>>
        %dma_start3A_94 = tpu.memref_squeeze %dma_start3A_93 : memref<1x520x128xf32, #tpu.memory_space<hbm>> -> memref<520x128xf32, #tpu.memory_space<hbm>>
        %dma_start3A_95 = arith.constant 9480 : i32
        %dma_start3A_96 = arith.constant 0 : i32
        %dma_start3A_97 = tpu.memref_slice %arg21[%dma_start3A_95, %dma_start3A_96] : memref<10000x128xf32, #tpu.memory_space<vmem_shared>> -> memref<520x128xf32, #tpu.memory_space<vmem_shared>>
        tpu.enqueue_dma source(%dma_start3A_97 : memref<520x128xf32, #tpu.memory_space<vmem_shared>>) target(%dma_start3A_94 : memref<520x128xf32, #tpu.memory_space<hbm>>) target_semaphore(%run_scoped3A : memref<!tpu.dma_semaphore, #tpu.memory_space<semaphore_mem>>)
        %dma_wait3A_98 = arith.constant 9480 : i32
        %dma_wait3A_99 = arith.constant 0 : i32
        %dma_wait3A_100 = tpu.memref_slice %arg8[%arg0, %dma_wait3A_98, %dma_wait3A_99] : memref<2x10000x128xf32, #tpu.memory_space<hbm>> -> memref<1x520x128xf32, #tpu.memory_space<hbm>>
        %dma_wait3A_101 = tpu.memref_squeeze %dma_wait3A_100 : memref<1x520x128xf32, #tpu.memory_space<hbm>> -> memref<520x128xf32, #tpu.memory_space<hbm>>
        %dma_wait3A_102 = arith.constant 9480 : i32
        %dma_wait3A_103 = arith.constant 0 : i32
        %dma_wait3A_104 = tpu.memref_slice %arg21[%dma_wait3A_102, %dma_wait3A_103] : memref<10000x128xf32, #tpu.memory_space<vmem_shared>> -> memref<520x128xf32, #tpu.memory_space<vmem_shared>>
        tpu.wait_dma2 semaphore(%run_scoped3A : memref<!tpu.dma_semaphore, #tpu.memory_space<semaphore_mem>>) src(%dma_wait3A_104 : memref<520x128xf32, #tpu.memory_space<vmem_shared>>) dst(%dma_wait3A_101 : memref<520x128xf32, #tpu.memory_space<hbm>>)
        tpu.yield
      }) : () -> ()
    } else {
    }
    return
  }
}

module attributes {stable_mosaic.version = 14 : i64} {
  func.func @_edge_lin_body(%arg0: i32, %arg1: memref<8000x16xf32, #tpu.memory_space<vmem>>, %arg2: memref<16x128xf32, #tpu.memory_space<vmem>>, %arg3: memref<1x128xf32, #tpu.memory_space<vmem>>, %arg4: memref<16x128xf32, #tpu.memory_space<vmem>>, %arg5: memref<1x128xf32, #tpu.memory_space<vmem>>, %arg6: memref<256x128xf32, #tpu.memory_space<vmem>>, %arg7: memref<128x128xf32, #tpu.memory_space<vmem>>, %arg8: memref<128x128xf32, #tpu.memory_space<vmem>>, %arg9: memref<8000x128xf32, #tpu.memory_space<vmem>>, %arg10: memref<8000x128xf32, #tpu.memory_space<vmem>>, %arg11: memref<256x128xf32, #tpu.memory_space<vmem>>, %arg12: memref<256x128xf32, #tpu.memory_space<vmem>>) attributes {dimension_semantics = [#tpu.dimension_semantics<arbitrary>], iteration_bounds = array<i64: 40>, scalar_prefetch = 0 : i64, scratch_operands = 0 : i64, tpu.core_type = #tpu.core_type<tc>, window_params = [{transform_indices = @transform_0, window_bounds = array<i64: 8000, 16>}, {pipeline_mode = #tpu.pipeline_mode<synchronous>, transform_indices = @transform_1, window_bounds = array<i64: 16, 128>}, {pipeline_mode = #tpu.pipeline_mode<synchronous>, transform_indices = @transform_2, window_bounds = array<i64: 1, 128>}, {pipeline_mode = #tpu.pipeline_mode<synchronous>, transform_indices = @transform_3, window_bounds = array<i64: 16, 128>}, {pipeline_mode = #tpu.pipeline_mode<synchronous>, transform_indices = @transform_4, window_bounds = array<i64: 1, 128>}, {transform_indices = @transform_5, window_bounds = array<i64: 256, 128>}, {pipeline_mode = #tpu.pipeline_mode<synchronous>, transform_indices = @transform_6, window_bounds = array<i64: 128, 128>}, {pipeline_mode = #tpu.pipeline_mode<synchronous>, transform_indices = @transform_7, window_bounds = array<i64: 128, 128>}, {transform_indices = @transform_8, window_bounds = array<i64: 8000, 128>}, {transform_indices = @transform_9, window_bounds = array<i64: 8000, 128>}, {transform_indices = @transform_10, window_bounds = array<i64: 256, 128>}, {transform_indices = @transform_11, window_bounds = array<i64: 256, 128>}]} {
    %get3A = arith.constant 0 : index
    %get3A_0 = arith.constant 0 : index
    %get3A_1 = vector.load %arg1[%get3A, %get3A_0] : memref<8000x16xf32, #tpu.memory_space<vmem>>, vector<8000x16xf32>
    %get3A_2 = arith.constant 0 : index
    %get3A_3 = arith.constant 0 : index
    %get3A_4 = vector.load %arg2[%get3A_2, %get3A_3] : memref<16x128xf32, #tpu.memory_space<vmem>>, vector<16x128xf32>
    %dot_general3A = arith.constant dense<0.000000e+00> : vector<8000x128xf32>
    %dot_general3A_5 = tpu.matmul %get3A_1, %get3A_4, %dot_general3A {dimension_numbers = #tpu.dot_dimension_numbers<[1], [0], [0], [1], [0, 0, 1, 1], [], []>, transpose_lhs_hint = false} : vector<8000x16xf32>, vector<16x128xf32>, vector<8000x128xf32> -> vector<8000x128xf32>
    %get3A_6 = arith.constant 0 : index
    %get3A_7 = arith.constant 0 : index
    %get3A_8 = vector.load %arg3[%get3A_6, %get3A_7] : memref<1x128xf32, #tpu.memory_space<vmem>>, vector<1x128xf32>
    %add3A = vector.broadcast %get3A_8 : vector<1x128xf32> to vector<8000x128xf32>
    %add3A_9 = arith.addf %dot_general3A_5, %add3A : vector<8000x128xf32>
    %swap3A = arith.constant 0 : index
    %swap3A_10 = arith.constant 0 : index
    %swap3A_11 = vector.load %arg9[%swap3A, %swap3A_10] : memref<8000x128xf32, #tpu.memory_space<vmem>>, vector<8000x128xf32>
    tpu.vector_store %arg9[%swap3A, %swap3A_10], %add3A_9 {strides = array<i32>} : memref<8000x128xf32, #tpu.memory_space<vmem>>, vector<8000x128xf32>,
    %get3A_12 = arith.constant 0 : index
    %get3A_13 = arith.constant 0 : index
    %get3A_14 = vector.load %arg4[%get3A_12, %get3A_13] : memref<16x128xf32, #tpu.memory_space<vmem>>, vector<16x128xf32>
    %dot_general3A_15 = arith.constant dense<0.000000e+00> : vector<8000x128xf32>
    %dot_general3A_16 = tpu.matmul %get3A_1, %get3A_14, %dot_general3A_15 {dimension_numbers = #tpu.dot_dimension_numbers<[1], [0], [0], [1], [0, 0, 1, 1], [], []>, transpose_lhs_hint = false} : vector<8000x16xf32>, vector<16x128xf32>, vector<8000x128xf32> -> vector<8000x128xf32>
    %get3A_17 = arith.constant 0 : index
    %get3A_18 = arith.constant 0 : index
    %get3A_19 = vector.load %arg5[%get3A_17, %get3A_18] : memref<1x128xf32, #tpu.memory_space<vmem>>, vector<1x128xf32>
    %add3A_20 = vector.broadcast %get3A_19 : vector<1x128xf32> to vector<8000x128xf32>
    %add3A_21 = arith.addf %dot_general3A_16, %add3A_20 : vector<8000x128xf32>
    %swap3A_22 = arith.constant 0 : index
    %swap3A_23 = arith.constant 0 : index
    %swap3A_24 = vector.load %arg10[%swap3A_22, %swap3A_23] : memref<8000x128xf32, #tpu.memory_space<vmem>>, vector<8000x128xf32>
    tpu.vector_store %arg10[%swap3A_22, %swap3A_23], %add3A_21 {strides = array<i32>} : memref<8000x128xf32, #tpu.memory_space<vmem>>, vector<8000x128xf32>,
    %get3A_25 = arith.constant 0 : index
    %get3A_26 = arith.constant 0 : index
    %get3A_27 = vector.load %arg6[%get3A_25, %get3A_26] : memref<256x128xf32, #tpu.memory_space<vmem>>, vector<256x128xf32>
    %get3A_28 = arith.constant 0 : index
    %get3A_29 = arith.constant 0 : index
    %get3A_30 = vector.load %arg7[%get3A_28, %get3A_29] : memref<128x128xf32, #tpu.memory_space<vmem>>, vector<128x128xf32>
    %dot_general3A_31 = arith.constant dense<0.000000e+00> : vector<256x128xf32>
    %dot_general3A_32 = tpu.matmul %get3A_27, %get3A_30, %dot_general3A_31 {dimension_numbers = #tpu.dot_dimension_numbers<[1], [0], [0], [1], [0, 0, 1, 1], [], []>, transpose_lhs_hint = false} : vector<256x128xf32>, vector<128x128xf32>, vector<256x128xf32> -> vector<256x128xf32>
    %swap3A_33 = arith.constant 0 : index
    %swap3A_34 = arith.constant 0 : index
    %swap3A_35 = vector.load %arg11[%swap3A_33, %swap3A_34] : memref<256x128xf32, #tpu.memory_space<vmem>>, vector<256x128xf32>
    tpu.vector_store %arg11[%swap3A_33, %swap3A_34], %dot_general3A_32 {strides = array<i32>} : memref<256x128xf32, #tpu.memory_space<vmem>>, vector<256x128xf32>,
    %get3A_36 = arith.constant 0 : index
    %get3A_37 = arith.constant 0 : index
    %get3A_38 = vector.load %arg8[%get3A_36, %get3A_37] : memref<128x128xf32, #tpu.memory_space<vmem>>, vector<128x128xf32>
    %dot_general3A_39 = arith.constant dense<0.000000e+00> : vector<256x128xf32>
    %dot_general3A_40 = tpu.matmul %get3A_27, %get3A_38, %dot_general3A_39 {dimension_numbers = #tpu.dot_dimension_numbers<[1], [0], [0], [1], [0, 0, 1, 1], [], []>, transpose_lhs_hint = false} : vector<256x128xf32>, vector<128x128xf32>, vector<256x128xf32> -> vector<256x128xf32>
    %swap3A_41 = arith.constant 0 : index
    %swap3A_42 = arith.constant 0 : index
    %swap3A_43 = vector.load %arg12[%swap3A_41, %swap3A_42] : memref<256x128xf32, #tpu.memory_space<vmem>>, vector<256x128xf32>
    tpu.vector_store %arg12[%swap3A_41, %swap3A_42], %dot_general3A_40 {strides = array<i32>} : memref<256x128xf32, #tpu.memory_space<vmem>>, vector<256x128xf32>,
    return
  }
  func.func @transform_0(%arg0: i32) -> (i32, i32) {
    %c0_i32 = arith.constant 0 : i32
    %c0_i32_0 = arith.constant 0 : i32
    return %arg0, %c0_i32 : i32, i32
  }
  func.func @transform_1(%arg0: i32) -> (i32, i32) {
    %c0_i32 = arith.constant 0 : i32
    %c0_i32_0 = arith.constant 0 : i32
    %c0_i32_1 = arith.constant 0 : i32
    return %c0_i32, %c0_i32_0 : i32, i32
  }
  func.func @transform_2(%arg0: i32) -> (i32, i32) {
    %c0_i32 = arith.constant 0 : i32
    %c0_i32_0 = arith.constant 0 : i32
    %c0_i32_1 = arith.constant 0 : i32
    return %c0_i32, %c0_i32_0 : i32, i32
  }
  func.func @transform_3(%arg0: i32) -> (i32, i32) {
    %c0_i32 = arith.constant 0 : i32
    %c0_i32_0 = arith.constant 0 : i32
    %c0_i32_1 = arith.constant 0 : i32
    return %c0_i32, %c0_i32_0 : i32, i32
  }
  func.func @transform_4(%arg0: i32) -> (i32, i32) {
    %c0_i32 = arith.constant 0 : i32
    %c0_i32_0 = arith.constant 0 : i32
    %c0_i32_1 = arith.constant 0 : i32
    return %c0_i32, %c0_i32_0 : i32, i32
  }
  func.func @transform_5(%arg0: i32) -> (i32, i32) {
    %c0_i32 = arith.constant 0 : i32
    %c0_i32_0 = arith.constant 0 : i32
    return %arg0, %c0_i32 : i32, i32
  }
  func.func @transform_6(%arg0: i32) -> (i32, i32) {
    %c0_i32 = arith.constant 0 : i32
    %c0_i32_0 = arith.constant 0 : i32
    %c0_i32_1 = arith.constant 0 : i32
    return %c0_i32, %c0_i32_0 : i32, i32
  }
  func.func @transform_7(%arg0: i32) -> (i32, i32) {
    %c0_i32 = arith.constant 0 : i32
    %c0_i32_0 = arith.constant 0 : i32
    %c0_i32_1 = arith.constant 0 : i32
    return %c0_i32, %c0_i32_0 : i32, i32
  }
  func.func @transform_8(%arg0: i32) -> (i32, i32) {
    %c0_i32 = arith.constant 0 : i32
    %c0_i32_0 = arith.constant 0 : i32
    return %arg0, %c0_i32 : i32, i32
  }
  func.func @transform_9(%arg0: i32) -> (i32, i32) {
    %c0_i32 = arith.constant 0 : i32
    %c0_i32_0 = arith.constant 0 : i32
    return %arg0, %c0_i32 : i32, i32
  }
  func.func @transform_10(%arg0: i32) -> (i32, i32) {
    %c0_i32 = arith.constant 0 : i32
    %c0_i32_0 = arith.constant 0 : i32
    return %arg0, %c0_i32 : i32, i32
  }
  func.func @transform_11(%arg0: i32) -> (i32, i32) {
    %c0_i32 = arith.constant 0 : i32
    %c0_i32_0 = arith.constant 0 : i32
    return %arg0, %c0_i32 : i32, i32
  }
}

module attributes {stable_mosaic.version = 14 : i64} {
  func.func @_up_ab_body(%arg0: i32, %arg1: memref<1000x128xf32, #tpu.memory_space<vmem>>, %arg2: memref<2x1000x128xf32, #tpu.memory_space<vmem>>, %arg3: memref<128x128xf32, #tpu.memory_space<vmem>>, %arg4: memref<128x128xf32, #tpu.memory_space<vmem>>, %arg5: memref<1x128xf32, #tpu.memory_space<vmem>>, %arg6: memref<128x128xf32, #tpu.memory_space<vmem>>, %arg7: memref<128x128xf32, #tpu.memory_space<vmem>>, %arg8: memref<1000x128xf32, #tpu.memory_space<vmem>>, %arg9: memref<1000x128xf32, #tpu.memory_space<vmem>>, %arg10: memref<1000x128xf32, #tpu.memory_space<vmem>>) attributes {dimension_semantics = [#tpu.dimension_semantics<arbitrary>], iteration_bounds = array<i64: 10>, scalar_prefetch = 0 : i64, scratch_operands = 0 : i64, tpu.core_type = #tpu.core_type<tc>, window_params = [{transform_indices = @transform_0, window_bounds = array<i64: 1000, 128>}, {transform_indices = @transform_1, window_bounds = array<i64: 2, 1000, 128>}, {pipeline_mode = #tpu.pipeline_mode<synchronous>, transform_indices = @transform_2, window_bounds = array<i64: 128, 128>}, {pipeline_mode = #tpu.pipeline_mode<synchronous>, transform_indices = @transform_3, window_bounds = array<i64: 128, 128>}, {pipeline_mode = #tpu.pipeline_mode<synchronous>, transform_indices = @transform_4, window_bounds = array<i64: 1, 128>}, {pipeline_mode = #tpu.pipeline_mode<synchronous>, transform_indices = @transform_5, window_bounds = array<i64: 128, 128>}, {pipeline_mode = #tpu.pipeline_mode<synchronous>, transform_indices = @transform_6, window_bounds = array<i64: 128, 128>}, {transform_indices = @transform_7, window_bounds = array<i64: 1000, 128>}, {transform_indices = @transform_8, window_bounds = array<i64: 1000, 128>}, {transform_indices = @transform_9, window_bounds = array<i64: 1000, 128>}]} {
    %get3A = arith.constant 0 : index
    %get3A_0 = arith.constant 0 : index
    %get3A_1 = arith.constant 0 : index
    %get3A_2 = vector.load %arg2[%get3A, %get3A_0, %get3A_1] : memref<2x1000x128xf32, #tpu.memory_space<vmem>>, vector<1x1000x128xf32>
    %get3A_3 = vector.shape_cast %get3A_2 : vector<1x1000x128xf32> to vector<1000x128xf32>
    %get3A_4 = arith.constant 1 : index
    %get3A_5 = arith.constant 0 : index
    %get3A_6 = arith.constant 0 : index
    %get3A_7 = vector.load %arg2[%get3A_4, %get3A_5, %get3A_6] : memref<2x1000x128xf32, #tpu.memory_space<vmem>>, vector<1x1000x128xf32>
    %get3A_8 = vector.shape_cast %get3A_7 : vector<1x1000x128xf32> to vector<1000x128xf32>
    %add3A = arith.addf %get3A_3, %get3A_8 : vector<1000x128xf32>
    %get3A_9 = arith.constant 0 : index
    %get3A_10 = arith.constant 0 : index
    %get3A_11 = vector.load %arg1[%get3A_9, %get3A_10] : memref<1000x128xf32, #tpu.memory_space<vmem>>, vector<1000x128xf32>
    %get3A_12 = arith.constant 0 : index
    %get3A_13 = arith.constant 0 : index
    %get3A_14 = vector.load %arg3[%get3A_12, %get3A_13] : memref<128x128xf32, #tpu.memory_space<vmem>>, vector<128x128xf32>
    %dot_general3A = arith.constant dense<0.000000e+00> : vector<1000x128xf32>
    %dot_general3A_15 = tpu.matmul %get3A_11, %get3A_14, %dot_general3A {dimension_numbers = #tpu.dot_dimension_numbers<[1], [0], [0], [1], [0, 0, 1, 1], [], []>, transpose_lhs_hint = false} : vector<1000x128xf32>, vector<128x128xf32>, vector<1000x128xf32> -> vector<1000x128xf32>
    %get3A_16 = arith.constant 0 : index
    %get3A_17 = arith.constant 0 : index
    %get3A_18 = vector.load %arg4[%get3A_16, %get3A_17] : memref<128x128xf32, #tpu.memory_space<vmem>>, vector<128x128xf32>
    %dot_general3A_19 = arith.constant dense<0.000000e+00> : vector<1000x128xf32>
    %dot_general3A_20 = tpu.matmul %add3A, %get3A_18, %dot_general3A_19 {dimension_numbers = #tpu.dot_dimension_numbers<[1], [0], [0], [1], [0, 0, 1, 1], [], []>, transpose_lhs_hint = false} : vector<1000x128xf32>, vector<128x128xf32>, vector<1000x128xf32> -> vector<1000x128xf32>
    %add3A_21 = arith.addf %dot_general3A_15, %dot_general3A_20 : vector<1000x128xf32>
    %get3A_22 = arith.constant 0 : index
    %get3A_23 = arith.constant 0 : index
    %get3A_24 = vector.load %arg5[%get3A_22, %get3A_23] : memref<1x128xf32, #tpu.memory_space<vmem>>, vector<1x128xf32>
    %add3A_25 = vector.broadcast %get3A_24 : vector<1x128xf32> to vector<1000x128xf32>
    %add3A_26 = arith.addf %add3A_21, %add3A_25 : vector<1000x128xf32>
    %max3A = arith.constant 0.000000e+00 : f32
    %max3A_27 = vector.broadcast %max3A : f32 to vector<1000x128xf32>
    %max3A_28 = arith.maximumf %add3A_26, %max3A_27 : vector<1000x128xf32>
    %swap3A = arith.constant 0 : index
    %swap3A_29 = arith.constant 0 : index
    %swap3A_30 = vector.load %arg8[%swap3A, %swap3A_29] : memref<1000x128xf32, #tpu.memory_space<vmem>>, vector<1000x128xf32>
    tpu.vector_store %arg8[%swap3A, %swap3A_29], %max3A_28 {strides = array<i32>} : memref<1000x128xf32, #tpu.memory_space<vmem>>, vector<1000x128xf32>,
    %get3A_31 = arith.constant 0 : index
    %get3A_32 = arith.constant 0 : index
    %get3A_33 = vector.load %arg6[%get3A_31, %get3A_32] : memref<128x128xf32, #tpu.memory_space<vmem>>, vector<128x128xf32>
    %dot_general3A_34 = arith.constant dense<0.000000e+00> : vector<1000x128xf32>
    %dot_general3A_35 = tpu.matmul %max3A_28, %get3A_33, %dot_general3A_34 {dimension_numbers = #tpu.dot_dimension_numbers<[1], [0], [0], [1], [0, 0, 1, 1], [], []>, transpose_lhs_hint = false} : vector<1000x128xf32>, vector<128x128xf32>, vector<1000x128xf32> -> vector<1000x128xf32>
    %swap3A_36 = arith.constant 0 : index
    %swap3A_37 = arith.constant 0 : index
    %swap3A_38 = vector.load %arg9[%swap3A_36, %swap3A_37] : memref<1000x128xf32, #tpu.memory_space<vmem>>, vector<1000x128xf32>
    tpu.vector_store %arg9[%swap3A_36, %swap3A_37], %dot_general3A_35 {strides = array<i32>} : memref<1000x128xf32, #tpu.memory_space<vmem>>, vector<1000x128xf32>,
    %get3A_39 = arith.constant 0 : index
    %get3A_40 = arith.constant 0 : index
    %get3A_41 = vector.load %arg7[%get3A_39, %get3A_40] : memref<128x128xf32, #tpu.memory_space<vmem>>, vector<128x128xf32>
    %dot_general3A_42 = arith.constant dense<0.000000e+00> : vector<1000x128xf32>
    %dot_general3A_43 = tpu.matmul %max3A_28, %get3A_41, %dot_general3A_42 {dimension_numbers = #tpu.dot_dimension_numbers<[1], [0], [0], [1], [0, 0, 1, 1], [], []>, transpose_lhs_hint = false} : vector<1000x128xf32>, vector<128x128xf32>, vector<1000x128xf32> -> vector<1000x128xf32>
    %swap3A_44 = arith.constant 0 : index
    %swap3A_45 = arith.constant 0 : index
    %swap3A_46 = vector.load %arg10[%swap3A_44, %swap3A_45] : memref<1000x128xf32, #tpu.memory_space<vmem>>, vector<1000x128xf32>
    tpu.vector_store %arg10[%swap3A_44, %swap3A_45], %dot_general3A_43 {strides = array<i32>} : memref<1000x128xf32, #tpu.memory_space<vmem>>, vector<1000x128xf32>,
    return
  }
  func.func @transform_0(%arg0: i32) -> (i32, i32) {
    %c0_i32 = arith.constant 0 : i32
    %c0_i32_0 = arith.constant 0 : i32
    return %arg0, %c0_i32 : i32, i32
  }
  func.func @transform_1(%arg0: i32) -> (i32, i32, i32) {
    %c0_i32 = arith.constant 0 : i32
    %c0_i32_0 = arith.constant 0 : i32
    %c0_i32_1 = arith.constant 0 : i32
    return %c0_i32, %arg0, %c0_i32_0 : i32, i32, i32
  }
  func.func @transform_2(%arg0: i32) -> (i32, i32) {
    %c0_i32 = arith.constant 0 : i32
    %c0_i32_0 = arith.constant 0 : i32
    %c0_i32_1 = arith.constant 0 : i32
    return %c0_i32, %c0_i32_0 : i32, i32
  }
  func.func @transform_3(%arg0: i32) -> (i32, i32) {
    %c0_i32 = arith.constant 0 : i32
    %c0_i32_0 = arith.constant 0 : i32
    %c0_i32_1 = arith.constant 0 : i32
    return %c0_i32, %c0_i32_0 : i32, i32
  }
  func.func @transform_4(%arg0: i32) -> (i32, i32) {
    %c0_i32 = arith.constant 0 : i32
    %c0_i32_0 = arith.constant 0 : i32
    %c0_i32_1 = arith.constant 0 : i32
    return %c0_i32, %c0_i32_0 : i32, i32
  }
  func.func @transform_5(%arg0: i32) -> (i32, i32) {
    %c0_i32 = arith.constant 0 : i32
    %c0_i32_0 = arith.constant 0 : i32
    %c0_i32_1 = arith.constant 0 : i32
    return %c0_i32, %c0_i32_0 : i32, i32
  }
  func.func @transform_6(%arg0: i32) -> (i32, i32) {
    %c0_i32 = arith.constant 0 : i32
    %c0_i32_0 = arith.constant 0 : i32
    %c0_i32_1 = arith.constant 0 : i32
    return %c0_i32, %c0_i32_0 : i32, i32
  }
  func.func @transform_7(%arg0: i32) -> (i32, i32) {
    %c0_i32 = arith.constant 0 : i32
    %c0_i32_0 = arith.constant 0 : i32
    return %arg0, %c0_i32 : i32, i32
  }
  func.func @transform_8(%arg0: i32) -> (i32, i32) {
    %c0_i32 = arith.constant 0 : i32
    %c0_i32_0 = arith.constant 0 : i32
    return %arg0, %c0_i32 : i32, i32
  }
  func.func @transform_9(%arg0: i32) -> (i32, i32) {
    %c0_i32 = arith.constant 0 : i32
    %c0_i32_0 = arith.constant 0 : i32
    return %arg0, %c0_i32 : i32, i32
  }
}

module attributes {stable_mosaic.version = 14 : i64} {
  func.func @_up_final_body(%arg0: i32, %arg1: memref<1000x128xf32, #tpu.memory_space<vmem>>, %arg2: memref<2x1000x128xf32, #tpu.memory_space<vmem>>, %arg3: memref<128x128xf32, #tpu.memory_space<vmem>>, %arg4: memref<128x128xf32, #tpu.memory_space<vmem>>, %arg5: memref<1x128xf32, #tpu.memory_space<vmem>>, %arg6: memref<1000x128xf32, #tpu.memory_space<vmem>>) attributes {dimension_semantics = [#tpu.dimension_semantics<arbitrary>], iteration_bounds = array<i64: 10>, scalar_prefetch = 0 : i64, scratch_operands = 0 : i64, tpu.core_type = #tpu.core_type<tc>, window_params = [{transform_indices = @transform_0, window_bounds = array<i64: 1000, 128>}, {transform_indices = @transform_1, window_bounds = array<i64: 2, 1000, 128>}, {pipeline_mode = #tpu.pipeline_mode<synchronous>, transform_indices = @transform_2, window_bounds = array<i64: 128, 128>}, {pipeline_mode = #tpu.pipeline_mode<synchronous>, transform_indices = @transform_3, window_bounds = array<i64: 128, 128>}, {pipeline_mode = #tpu.pipeline_mode<synchronous>, transform_indices = @transform_4, window_bounds = array<i64: 1, 128>}, {transform_indices = @transform_5, window_bounds = array<i64: 1000, 128>}]} {
    %get3A = arith.constant 0 : index
    %get3A_0 = arith.constant 0 : index
    %get3A_1 = arith.constant 0 : index
    %get3A_2 = vector.load %arg2[%get3A, %get3A_0, %get3A_1] : memref<2x1000x128xf32, #tpu.memory_space<vmem>>, vector<1x1000x128xf32>
    %get3A_3 = vector.shape_cast %get3A_2 : vector<1x1000x128xf32> to vector<1000x128xf32>
    %get3A_4 = arith.constant 1 : index
    %get3A_5 = arith.constant 0 : index
    %get3A_6 = arith.constant 0 : index
    %get3A_7 = vector.load %arg2[%get3A_4, %get3A_5, %get3A_6] : memref<2x1000x128xf32, #tpu.memory_space<vmem>>, vector<1x1000x128xf32>
    %get3A_8 = vector.shape_cast %get3A_7 : vector<1x1000x128xf32> to vector<1000x128xf32>
    %add3A = arith.addf %get3A_3, %get3A_8 : vector<1000x128xf32>
    %get3A_9 = arith.constant 0 : index
    %get3A_10 = arith.constant 0 : index
    %get3A_11 = vector.load %arg1[%get3A_9, %get3A_10] : memref<1000x128xf32, #tpu.memory_space<vmem>>, vector<1000x128xf32>
    %get3A_12 = arith.constant 0 : index
    %get3A_13 = arith.constant 0 : index
    %get3A_14 = vector.load %arg3[%get3A_12, %get3A_13] : memref<128x128xf32, #tpu.memory_space<vmem>>, vector<128x128xf32>
    %dot_general3A = arith.constant dense<0.000000e+00> : vector<1000x128xf32>
    %dot_general3A_15 = tpu.matmul %get3A_11, %get3A_14, %dot_general3A {dimension_numbers = #tpu.dot_dimension_numbers<[1], [0], [0], [1], [0, 0, 1, 1], [], []>, transpose_lhs_hint = false} : vector<1000x128xf32>, vector<128x128xf32>, vector<1000x128xf32> -> vector<1000x128xf32>
    %get3A_16 = arith.constant 0 : index
    %get3A_17 = arith.constant 0 : index
    %get3A_18 = vector.load %arg4[%get3A_16, %get3A_17] : memref<128x128xf32, #tpu.memory_space<vmem>>, vector<128x128xf32>
    %dot_general3A_19 = arith.constant dense<0.000000e+00> : vector<1000x128xf32>
    %dot_general3A_20 = tpu.matmul %add3A, %get3A_18, %dot_general3A_19 {dimension_numbers = #tpu.dot_dimension_numbers<[1], [0], [0], [1], [0, 0, 1, 1], [], []>, transpose_lhs_hint = false} : vector<1000x128xf32>, vector<128x128xf32>, vector<1000x128xf32> -> vector<1000x128xf32>
    %add3A_21 = arith.addf %dot_general3A_15, %dot_general3A_20 : vector<1000x128xf32>
    %get3A_22 = arith.constant 0 : index
    %get3A_23 = arith.constant 0 : index
    %get3A_24 = vector.load %arg5[%get3A_22, %get3A_23] : memref<1x128xf32, #tpu.memory_space<vmem>>, vector<1x128xf32>
    %add3A_25 = vector.broadcast %get3A_24 : vector<1x128xf32> to vector<1000x128xf32>
    %add3A_26 = arith.addf %add3A_21, %add3A_25 : vector<1000x128xf32>
    %swap3A = arith.constant 0 : index
    %swap3A_27 = arith.constant 0 : index
    %swap3A_28 = vector.load %arg6[%swap3A, %swap3A_27] : memref<1000x128xf32, #tpu.memory_space<vmem>>, vector<1000x128xf32>
    tpu.vector_store %arg6[%swap3A, %swap3A_27], %add3A_26 {strides = array<i32>} : memref<1000x128xf32, #tpu.memory_space<vmem>>, vector<1000x128xf32>,
    return
  }
  func.func @transform_0(%arg0: i32) -> (i32, i32) {
    %c0_i32 = arith.constant 0 : i32
    %c0_i32_0 = arith.constant 0 : i32
    return %arg0, %c0_i32 : i32, i32
  }
  func.func @transform_1(%arg0: i32) -> (i32, i32, i32) {
    %c0_i32 = arith.constant 0 : i32
    %c0_i32_0 = arith.constant 0 : i32
    %c0_i32_1 = arith.constant 0 : i32
    return %c0_i32, %arg0, %c0_i32_0 : i32, i32, i32
  }
  func.func @transform_2(%arg0: i32) -> (i32, i32) {
    %c0_i32 = arith.constant 0 : i32
    %c0_i32_0 = arith.constant 0 : i32
    %c0_i32_1 = arith.constant 0 : i32
    return %c0_i32, %c0_i32_0 : i32, i32
  }
  func.func @transform_3(%arg0: i32) -> (i32, i32) {
    %c0_i32 = arith.constant 0 : i32
    %c0_i32_0 = arith.constant 0 : i32
    %c0_i32_1 = arith.constant 0 : i32
    return %c0_i32, %c0_i32_0 : i32, i32
  }
  func.func @transform_4(%arg0: i32) -> (i32, i32) {
    %c0_i32 = arith.constant 0 : i32
    %c0_i32_0 = arith.constant 0 : i32
    %c0_i32_1 = arith.constant 0 : i32
    return %c0_i32, %c0_i32_0 : i32, i32
  }
  func.func @transform_5(%arg0: i32) -> (i32, i32) {
    %c0_i32 = arith.constant 0 : i32
    %c0_i32_0 = arith.constant 0 : i32
    return %arg0, %c0_i32 : i32, i32
  }
}

</mosaic_0001>

<sc_bundles>
// kernel: kernel.10.cloned.1.call-start
scs
__scs_entry_jumppad:
0x0: {  	(pc) =	sbr.rel $0x88, $3  }
0x1: {  	(tag) =	ssettag $0x0;
	lr =	simm.s32 $0x1  }
0x2: {  	[smem:$0x3F96] =	sst lr;
	_ =	strace $0xD0000000  }
0x3: {  	_ = 	snop  }
0x4: {  	_ = 	snop  }
0x5: {  	_ = 	snop  }
0x6: {  	_ = 	snop  }
0x7: {  	_ = 	snop  }
__scs_overlays_trampoline_lowered:
0x8: {  	[smem:$0x3FA5] =	sst s0  }
0x9: {  	[smem:$0x3FA6] =	sst s1  }
0xa: {  	[smem:$0x3FA7] =	sst s2  }
0xb: {  	[smem:$0x3FA8] =	sst s3  }
0xc: {  	[smem:$0x3FA9] =	sst s4  }
0xd: {  	[smem:$0x3FAA] =	sst s5  }
0xe: {  	[smem:$0x3FAB] =	sst s6  }
0xf: {  	[smem:$0x3FAC] =	sst s7  }
0x10: {  	[smem:$0x3FAD] =	sst s8  }
0x11: {  	[smem:$0x3FAE] =	sst s9;
	s0 =	simm.s32 @!p0 $0x0  }
0x12: {  	s1 =	sld [smem:$0x3F94];
	s0 =	simm.s32 @p0 $0x1  }
0x13: {  	[smem:$0x3FAF] =	sst s0;
	s0 =	simm.s32 @!p1 $0x0  }
0x14: {  	s2 =	sld [smem:$0x3F93];
	s0 =	simm.s32 @p1 $0x1  }
0x15: {  	[smem:$0x3FB0] =	sst s0;
	s0 =	simm.s32 @!p2 $0x0  }
0x16: {  	s3 =	sld [smem:$0x3FDB];
	s0 =	simm.s32 @p2 $0x1  }
0x17: {  	s4 =	simm.s32 $0x1BF5;
	[smem:$0x3FB2] =	sst s0  }
0x18: {  	s0 =	sld [smem:$0x3F95];
	_ =	swait.ge [sflag:s4], $0x0  }
0x19: {  	s7 =	sld [smem:$0x3F96]  }
0x1a: {  	s8 =	sadd.s32 $0xFFFFE003, lr  }
0x1b: {  	s9 =	sadd.s32 $0xFFFFFEF7, lr;
	s5 =	simm.s32 $0xFFFFFFFF;
	p2 =	slt.u32 s8, $0xFFFFF086  }
0x1c: {  	p1 =	slt.u32 s9, $0xF7A;
	s5 =	simm.s32 @!p2 $0x0  }
0x1d: {  	s5 =	simm.s32 @p1 $0x1;
	p0 =	seq.s32 s7, s2  }
0x1e: {  	s7 =	smul.u32 @!p0 $0xF7A, s2;
	p2 =	seq.s32 @!p0 s5, $0x0  }
0x1f: {  	s9 =	smul.u32 $0xF7A, s1;
	s8 =	simm.s32 @!p0 $0x1BF5;
	p2 =	por !p2, p0  }
0x20: {  	[sflag:s8] =	ssyncset.s32 @!p0 $0xFFFFF086;
	s6 =	sadd.s32 @!p0 s3, s7;
	s7 =	simm.s32 @!p0 $0x108  }
0x21: {  	s3 =	sadd.s32 s3, s9;
	s6 =	sadd.s32 @!p0 $0x88, s6;
	s7 =	simm.s32 @p2 $0x1082  }
0x22: {  	[simem:s7], [sflag:s8] =	dma.local @!p0 [hbm:s6], $0xF7A  }
0x23: {  	s9 =	sor.u32 $0xD0000000, s2;
	s6 =	simm.s32 $0x108;
	_ =	swait.ge @!p0 [sflag:s8], $0x0  }
0x24: {  	s3 =	sadd.s32 $0x88, s3;
	s6 =	simm.s32 @!p1 $0x1082;
	[sflag:s4] =	ssyncset.s32 $0xFFFFF086  }
0x25: {  	[simem:s6], [sflag:s4] =	dma.local [hbm:s3], $0xF7A  }
0x26: {  	[smem:$0x3F96] =	sst s1;
	(tag) =	ssettag s2;
	_ =	strace s9  }
0x27: {  	s1 =	sld [smem:$0x3FA6]  }
0x28: {  	s2 =	sld [smem:$0x3FA7]  }
0x29: {  	s4 =	sld [smem:$0x3FA9]  }
0x2a: {  	p0 =	seq.s32 s5, $0x0;
	s5 =	sld [smem:$0x3FAA]  }
0x2b: {  	s6 =	sld [smem:$0x3FAB]  }
0x2c: {  	s7 =	sld [smem:$0x3FAC]  }
0x2d: {  	s3 =	simm.s32 $0x108;
	s8 =	sld [smem:$0x3FAD]  }
0x2e: {  	s3 =	simm.s32 @!p0 $0x1082;
	s9 =	sld [smem:$0x3FAE]  }
0x2f: {  	lr =	sadd.s32 s0, s3;
	s0 =	sld [smem:$0x3FA5]  }
0x30: {  	s3 =	sld [smem:$0x3FA8]  }
0x31: {  	[smem:$0x3FB1] =	sst s10  }
0x32: {  	s10 =	sld [smem:$0x3FAF];
	_ =	sdelay $0x3  }
0x33: {  	p0 =	seq.s32 s10, $0x1;
	s10 =	sld [smem:$0x3FB1];
	_ =	sdelay $0x3  }
0x34: {  	[smem:$0x3FB1] =	sst s10  }
0x35: {  	s10 =	sld [smem:$0x3FB0];
	_ =	sdelay $0x3  }
0x36: {  	p1 =	seq.s32 s10, $0x1;
	s10 =	sld [smem:$0x3FB1];
	_ =	sdelay $0x3  }
0x37: {  	[smem:$0x3FB1] =	sst s10  }
0x38: {  	s10 =	sld [smem:$0x3FB2]  }
0x39: {  	_ = 	snop;
	(pc) =	sbr.ind lr, $3  }
0x3a: {  	_ = 	snop  }
0x3b: {  	_ = 	snop  }
0x3c: {  	p2 =	seq.s32 s10, $0x1;
	s10 =	sld [smem:$0x3FB1]  }
0x3d: {  	_ =	shalt  }
0x3e: {  	_ =	shalt  }
0x3f: {  	_ =	shalt  }
0x40: {  	_ =	shalt  }
0x41: {  	_ =	shalt  }
0x42: {  	_ =	shalt  }
0x43: {  	_ =	shalt  }
0x44: {  	_ =	shalt  }
0x45: {  	_ =	shalt  }
0x46: {  	_ =	shalt  }
0x47: {  	_ =	shalt  }
0x48: {  	_ =	shalt  }
0x49: {  	_ =	shalt  }
0x4a: {  	_ =	shalt  }
0x4b: {  	_ =	shalt  }
0x4c: {  	_ =	shalt  }
0x4d: {  	_ =	shalt  }
0x4e: {  	_ =	shalt  }
0x4f: {  	_ =	shalt  }
0x50: {  	_ =	shalt  }
0x51: {  	_ =	shalt  }
0x52: {  	_ =	shalt  }
0x53: {  	_ =	shalt  }
0x54: {  	_ =	shalt  }
0x55: {  	_ =	shalt  }
0x56: {  	_ =	shalt  }
0x57: {  	_ =	shalt  }
0x58: {  	_ =	shalt  }
0x59: {  	_ =	shalt  }
0x5a: {  	_ =	shalt  }
0x5b: {  	_ =	shalt  }
0x5c: {  	_ =	shalt  }
0x5d: {  	_ =	shalt  }
0x5e: {  	_ =	shalt  }
0x5f: {  	_ =	shalt  }
0x60: {  	_ =	shalt  }
0x61: {  	_ =	shalt  }
0x62: {  	_ =	shalt  }
0x63: {  	_ =	shalt  }
0x64: {  	_ =	shalt  }
0x65: {  	_ =	shalt  }
0x66: {  	_ =	shalt  }
0x67: {  	_ =	shalt  }
0x68: {  	_ =	shalt  }
0x69: {  	_ =	shalt  }
0x6a: {  	_ =	shalt  }
0x6b: {  	_ =	shalt  }
0x6c: {  	_ =	shalt  }
0x6d: {  	_ =	shalt  }
0x6e: {  	_ =	shalt  }
0x6f: {  	_ =	shalt  }
0x70: {  	_ =	shalt  }
0x71: {  	_ =	shalt  }
0x72: {  	_ =	shalt  }
0x73: {  	_ =	shalt  }
0x74: {  	_ =	shalt  }
0x75: {  	_ =	shalt  }
0x76: {  	_ =	shalt  }
0x77: {  	_ =	shalt  }
0x78: {  	_ =	shalt  }
0x79: {  	_ =	shalt  }
0x7a: {  	_ =	shalt  }
0x7b: {  	_ =	shalt  }
0x7c: {  	_ =	shalt  }
0x7d: {  	_ =	shalt  }
0x7e: {  	_ =	shalt  }
0x7f: {  	_ =	shalt  }
0x80: {  	_ =	shalt  }
0x81: {  	_ =	shalt  }
0x82: {  	_ =	shalt  }
0x83: {  	_ =	shalt  }
0x84: {  	_ =	shalt  }
0x85: {  	_ =	shalt  }
0x86: {  	_ =	shalt  }
0x87: {  	_ =	shalt  }
.Lfunc_end0:
.L_simem_size_0:
called_computation.1_lowered:
.L_overlay_start_0:
0x88: {  	s2 =	sld [smem:$0x3FD9]  }
0x89: {  	s3 =	sld [smem:$0x3FFE];
	_ =	sdelay $0x1  }
0x8a: {  	s1 =	srdreg.scid  }
0x8b: {  	s0 =	sand.u32 $0x1, s1  }
0x8c: {  	s16 =	sshll.u32 s0, $0xA;
	s2 =	sadd.s32 s3, s2  }
0x8d: {  	s2 =	sadd.s32 s2, s16  }
0x8e: {  	[smem:$0x3FBD] =	sst s2  }
0x8f: {  	_ = 	snop  }
0x90: {  	(tm) =	ssettm $0x1  }
0x91: {  	s17 =	sld [smem:$0x3FFB];
	_ =	sdelay $0x3  }
0x92: {  	_ =	strace s17  }
0x93: {  	s2 =	sld [smem:$0x3FFC];
	_ =	sdelay $0x3  }
0x94: {  	_ =	strace s2  }
0x95: {  	s2 =	sld [smem:$0x3FFD];
	_ =	sdelay $0x3  }
0x96: {  	_ =	strace s2  }
0x97: {  	_ =	strace $0x8FFFFFFF  }
0x98: {  	s18 =	sld [smem:$0x3FDB];
	_ =	sdelay $0x1  }
0x99: {  	s19 =	simm.s32 $_scs_section_size  }
0x9a: {  	s4 =	simm.s32 $_size__tile_overlayer_lowered;
	s5 =	simm.s32 $_tile_overlayer_lowered  }
0x9b: {  	s22 =	simm.s32 $0x1BFF;
	s21 =	sshll.u32 s5, $0x1;
	s2 =	sadd.s32 s19, s18  }
0x9c: {  	s6 =	simm.s32 $0x0;
	s20 =	sshll.u32 s4, $0x1;
	s4 =	sadd.s32 s21, s2  }
0x9d: {  	[timem:s6], [sflag:s22] =	dma.local [hbm:s4], s20  }
0x9e: {  	_ =	swait.ge [sflag:s22], s20  }
0x9f: {  	s3 =	ssub.s32 $0x0, s20;
	[sflag:s22] =	ssyncset.done $0x0  }
0xa0: {  	[sflag:s22] =	ssyncadd.s32 s3;
	_ =	sdelay $0x1  }
0xa1: {  	s23 =	simm.s32 $0x1B8B  }
0xa2: {  	_ =	swait.ge [sflag:s23], $0x1  }
0xa3: {  	[sflag:s23] =	ssyncset.done $0x0  }
0xa4: {  	s25 =	simm.s32 $0x1B8E;
	s24 =	sld [smem:$0x3FFE];
	[sflag:s23] =	ssyncadd.s32 $0xFFFFFFFF  }
0xa5: {  	s26 =	simm.s32 $execute0_lowered;
	[smem:$0x3FD2] =	sst s25  }
0xa6: {  	s4 =	sshll.u32 s26, $0x1;
	_ =	strace $0x80000049;
	[dreg:$0x1] =	wrdreg $0xFFFFFFFF  }
0xa7: {  	s28 =	simm.s32 $_size_execute0_lowered;
	s2 =	sadd.s32 s2, s4;
	[dreg:$0x0] =	wrdreg $0x0  }
0xa8: {  	s4 =	sshll.u32 s28, $0x1;
	[dreg:$0x2] =	wrdreg s2  }
0xa9: {  	[dreg:$0x3] =	wrdreg s4  }
0xaa: {  	[dreg:$0x4] =	wrdreg $0xC0  }
0xab: {  	_ =	task [dreg:s6], $0x5FFFF  }
0xac: {  	[dreg:$0x1] =	wrdreg $0xFFFFFFFF  }
0xad: {  	[dreg:$0x0] =	wrdreg $0x60  }
0xae: {  	[dreg:$0x2] =	wrdreg s24  }
0xaf: {  	[dreg:$0x3] =	wrdreg $0xA4000  }
0xb0: {  	[dreg:$0x4] =	wrdreg $0x9  }
0xb1: {  	_ =	task.clear_ibuf [dreg:s6], $0x5FFFF;
	_ =	strace $0x90000049  }
0xb2: {  	s29 =	simm.s32 $0x9;
	_ =	strace $0x8000004B  }
0xb3: {  	_ =	swait.ge [sflag:s29], $0x1  }
0xb4: {  	[sflag:s29] =	ssyncadd.s32 $0xFFFFFFFF  }
0xb5: {  	_ =	strace $0x9000004B  }
0xb6: {  	_ =	sfence  }
0xb7: {  	s30 =	sld [smem:$0x0];
	_ =	sdelay $0x2  }
0xb8: {  	s31 =	sshll.u32 s1, $0xD;
	s1 =	sshrl.u32 s1, $0x2  }
0xb9: {  	s3 =	sand.u32 $0x4000, s31;
	s1 =	sadd.s32 s1, s30  }
0xba: {  	s0 =	sor.u32 s3, s0;
	s1 =	sshll.u32 s1, $0x11  }
0xbb: {  	s0 =	sor.u32 s1, s0  }
0xbc: {  	s0 =	sadd.s32 $0x8F2B, s0  }
0xbd: {  	[sflag:s0] =	ssyncadd.remote.s32 $0x1  }
0xbe: {  	_ =	sfence.sel $0xFFFF  }
0xbf: {  	[dreg:$0x0] =	wrdreg $0xFFFFFFFF;
	(pc) =	sbr.abs _section_cstart, $3  }
0xc0: {  	[dreg:$0x1] =	wrdreg $0xFFFFFFFF  }
0xc1: {  	_ =	task.clear_ibuf [dreg:s6], $0x2FFFF;
	_ =	strace $0x9FFFFFFF  }
0xc2: {  	(tm) =	ssettm $0x7FFFFFFF  }
0xc3: {  	_ =	shalt  }
tec
execute0_lowered:
.L_overlay_start_1:
0x0: {  	(tag) =	ssettag $0x1  }
0x1: {  	s0 =	rddreg [dreg:$0x0]  }
0x2: {  	s1 =	rddreg [dreg:$0x1];
	s2 =	simm.s32 $0x0;
	s3 =	srdreg.scid  }
0x3: {  	s14 =	stileid.u32;
	s28 =	simm.s32 $0x5100;
	s29 =	simm.s32 $0x5180  }
0x4: {  	s30 =	simm.s32 $0x2900;
	s31 =	simm.s32 $0x7A00;
	[smem:$0x7FF] =	sst s2  }
0x5: {  	s4 =	sadd.s32 $0x2C00, s0;
	s3 =	sand.u32 $0x1, s3;
	s5 =	sadd.s32 $0x9DA800, s0  }
0x6: {  	s7 =	sshll.u32 s14, $0x1;
	s6 =	sadd.s32 $0x4EEA00, s0;
	s22 =	smul.u32 $0x13C00, s14  }
0x7: {  	s8 =	sadd.s32 $0x4E4C00, s0;
	s11 =	sadd.s32 $0x29E00, s0;
	s23 =	smul.u32 $0x4F000, s14  }
0x8: {  	p0 =	sne.s32 s14, $0x0;
	p1 =	seq.s32 s14, $0xF;
	s14 =	simm.s32 $0xA380  }
0x9: {  	_ =	strace $0x8000004A;
	s9 =	sor.u32 s3, s7;
	s7 =	sadd.s32 $0x51000, s0  }
0xa: {  	[dreg:$0x3] =	wrdreg s11;
	s26 =	ssub.s32 $0x2, s3;
	s3 =	smul.u32 $0x138800, s3  }
0xb: {  	s0 =	sadd.s32 $0x78200, s0;
	s10 =	smul.u32 $0x2710, s9;
	s12 =	sshrl.u32 s26, $0x1  }
0xc: {  	s9 =	smul.u32 $0x27100, s9;
	s25 =	sshrl.u32 s23, $0x2;
	s23 =	simm.s32 $0x2800  }
0xd: {  	s11 =	ssub.s32 s26, s12;
	s24 =	sadd.s32 s22, s3;
	s3 =	sshrl.u32 s3, $0x3  }
0xe: {  	s13 =	sshrl.u32 s10, $0x3;
	s16 =	sadd.s32 $0x50, s10;
	s9 =	sadd.s32 s5, s9  }
0xf: {  	s19 =	sadd.s32 $0xA0, s10;
	s26 =	smax.u32 s11, $0x1;
	s11 =	simm.s32 $0x4  }
0x10: {  	s15 =	sadd.s32 s6, s13;
	s13 =	sadd.s32 s8, s13;
	[dreg:$0x6] =	wrdreg s9  }
0x11: {  	s17 =	sshrl.u32 s16, $0x3;
	s12 =	sshll.u32 s16, $0x4;
	[dreg:$0xf] =	wrdreg s26  }
0x12: {  	s20 =	sshrl.u32 s19, $0x3;
	s26 =	simm.s32 $0x2880;
	[dreg:$0x4] =	wrdreg s15  }
0x13: {  	s16 =	simm.s32 $0x5;
	[dreg:$0x5] =	wrdreg s13;
	s18 =	sadd.s32 s6, s17  }
0x14: {  	s9 =	sadd.s32 s8, s17;
	s12 =	sadd.s32 s5, s12;
	[dreg:$0x7] =	wrdreg s18  }
0x15: {  	s21 =	sadd.s32 s6, s20;
	s13 =	sadd.s32 s8, s20;
	[dreg:$0x8] =	wrdreg s9  }
0x16: {  	s15 =	simm.s32 $0x7B00;
	s17 =	simm.s32 $0x8;
	[dreg:$0x9] =	wrdreg s12  }
0x17: {  	s20 =	simm.s32 $0xB;
	[dreg:$0xa] =	wrdreg s21;
	s9 =	sshll.u32 s19, $0x4  }
0x18: {  	[dreg:$0xb] =	wrdreg s13;
	s19 =	sadd.s32 $0xF0, s10;
	s9 =	sadd.s32 s5, s9  }
0x19: {  	s10 =	simm.s32 $0x50;
	[dreg:$0xc] =	wrdreg s9;
	s9 =	sshrl.u32 s24, $0x3  }
0x1a: {  	s12 =	simm.s32 $0x2;
	s9 =	sadd.s32 s0, s9;
	s0 =	sadd.s32 s0, s3  }
.Ltmp0:
0x1b: {  	s13 =	simm.s32 $0xA300;
	s0 =	sadd.s32 $0x25080, s0;
	(pc) =	sbr.rel .LBB2_1-.Ltmp0, $4  }
0x1c: {  	s21 =	simm.s32 $0x0;
	[dreg:$0xe] =	wrdreg s0;
	s0 =	sadd.s32 $0x128400, s1  }
0x1d: {  	[dreg:$0xd] =	wrdreg s9;
	s9 =	sadd.s32 s25, s1;
	s0 =	sshrl.u32 @p1 s0, $0x3  }
0x1e: {  	s3 =	simm.s32 $0x5200;
	[dreg:$0x10] =	wrdreg s0;
	s0 =	sshrl.u32 @!p1 s9, $0x3  }
0x1f: {  	s9 =	simm.s32 $0x1;
	[dreg:$0x11] =	wrdreg s0;
	s0 =	simm.s32 $0x7A80  }
.LBB2_34:
0x20: {  	s18 =	simm.s32 $0x3  }
0x21: {  	_ =	swait.ge [sflag:s18], $0x2800  }
0x22: {  	[sflag:s18] =	ssyncset.done $0x0  }
0x23: {  	[sflag:s18] =	ssyncadd.s32 $0xFFFFD800  }
0x24: {  	[bflag:$0x0] =	sbarrier.arrive $0xFFFF  }
0x25: {  	s22 =	rddreg [dreg:$0xe]  }
0x26: {  	s18 =	simm.s32 @p1 $0x1FCD;
	s24 =	rddreg [dreg:$0x10]  }
0x27: {  	[hbm:s22], [sflag:s18] =	dma.local @p1 [spmem:s24], $0x2080  }
0x28: {  	s18 =	simm.s32 @p1 $0xD  }
0x29: {  	s22 =	stileid.u32;
	_ =	swait.ge @p1 [sflag:s18], $0x2080  }
0x2a: {  	s22 =	sshll.u32 @!p1 s22, $0x6;
	[sflag:s18] =	ssyncset.done @p1 $0x0;
	s24 =	rddreg [dreg:$0x11]  }
0x2b: {  	[sflag:s18] =	ssyncadd.s32 @p1 $0xFFFFDF80;
	s18 =	sor.u32 @!p1 $0x1C0D, s22;
	s22 =	rddreg [dreg:$0xd]  }
0x2c: {  	[hbm:s22], [sflag:s18] =	dma.local @!p1 [spmem:s24], $0x2780  }
0x2d: {  	s18 =	simm.s32 @!p1 $0xD  }
0x2e: {  	_ =	swait.ge @!p1 [sflag:s18], $0x2780  }
0x2f: {  	s21 =	sadd.s32 $0x1, s21;
	s25 =	rddreg [dreg:$0xf]  }
0x30: {  	p2 =	sne.s32 s21, s25  }
.Ltmp1:
0x31: {  	_ = 	snop;
	(pc) =	sbr.rel @!p2 .LBB2_35-.Ltmp1, $3  }
0x32: {  	_ =	sdelay $0x1  }
0x33: {  	[sflag:s18] =	ssyncset.done @!p1 $0x0  }
0x34: {  	[sflag:s18] =	ssyncadd.s32 @!p1 $0xFFFFD880  }
.LBB2_1:
0x35: {  	s22 =	sshrl.u32 @!p0 s1, $0x3;
	s24 =	simm.s32 @!p0 $0x1C0D;
	s18 =	rddreg [dreg:$0x3]  }
0x36: {  	[spmem:s22], [sflag:s24] =	dma.local @!p0 [hbm:s18], $0x27100  }
0x37: {  	s22 =	simm.s32 @!p0 $0xD  }
0x38: {  	_ =	swait.ge @!p0 [sflag:s22], $0x27100  }
0x39: {  	[sflag:s22] =	ssyncset.done @!p0 $0x0  }
0x3a: {  	[sflag:s22] =	ssyncadd.s32 @!p0 $0xFFFD8F00  }
0x3b: {  	[bflag:$0x0] =	sbarrier.arrive $0xFFFF  }
0x3c: {  	s22 =	rddreg [dreg:$0x4]  }
0x3d: {  	[tilespmem:s23], [sflag:$0x1] =	stream.linear.gather [hbm4b:s22+s2], $0x50, $0x38;
	[tilespmem:$0x1DC80] =	vst v63  }
0x3e: {  	s24 =	rddreg [dreg:$0x5]  }
0x3f: {  	[tilespmem:s26], [sflag:$0x1] =	stream.linear.gather [hbm4b:s24+s2], $0x50, $0x38;
	[tilespmem:$0x1DC80] =	vst v63  }
0x40: {  	s25 =	rddreg [dreg:$0x6]  }
0x41: {  	[tilespmem:s2], [sflag:$0x1] =	stream.linear.gather [hbm4b:s25+s2], $0x2800, $0x38;
	[tilespmem:$0x1DC80] =	vst v63  }
0x42: {  	s22 =	rddreg [dreg:$0x7]  }
0x43: {  	[tilespmem:s28], [sflag:$0x4] =	stream.linear.gather [hbm4b:s22+s2], $0x50, $0x38;
	[tilespmem:$0x1DC80] =	vst v63  }
0x44: {  	s24 =	rddreg [dreg:$0x8]  }
0x45: {  	[tilespmem:s29], [sflag:$0x4] =	stream.linear.gather [hbm4b:s24+s2], $0x50, $0x38;
	[tilespmem:$0x1DC80] =	vst v63  }
0x46: {  	s25 =	rddreg [dreg:$0x9]  }
0x47: {  	[tilespmem:s30], [sflag:$0x4] =	stream.linear.gather [hbm4b:s25+s2], $0x2800, $0x38;
	[tilespmem:$0x1DC80] =	vst v63  }
0x48: {  	s22 =	rddreg [dreg:$0xa]  }
0x49: {  	[tilespmem:s31], [sflag:$0x7] =	stream.linear.gather [hbm4b:s22+s2], $0x50, $0x38;
	[tilespmem:$0x1DC80] =	vst v63  }
0x4a: {  	s24 =	rddreg [dreg:$0xb]  }
0x4b: {  	[tilespmem:s0], [sflag:$0x7] =	stream.linear.gather [hbm4b:s24+s2], $0x50, $0x38;
	[tilespmem:$0x1DC80] =	vst v63  }
0x4c: {  	s25 =	rddreg [dreg:$0xc]  }
0x4d: {  	[tilespmem:s3], [sflag:$0x7] =	stream.linear.gather [hbm4b:s25+s2], $0x2800, $0x38;
	[tilespmem:$0x1DC80] =	vst v63  }
0x4e: {  	_ =	swait.ge [sflag:s9], $0x50  }
0x4f: {  	[sflag:s9] =	ssyncset.done $0x0  }
0x50: {  	[sflag:s9] =	ssyncadd.s32 $0xFFFFFFB0  }
0x51: {  	_ =	swait.ge [sflag:s9], $0x50  }
0x52: {  	[sflag:s9] =	ssyncset.done $0x0  }
0x53: {  	[sflag:s9] =	ssyncadd.s32 $0xFFFFFFB0  }
0x54: {  	_ =	swait.ge [sflag:s9], $0x2800  }
0x55: {  	[sflag:s9] =	ssyncset.done $0x0  }
0x56: {  	[sflag:s9] =	ssyncadd.s32 $0xFFFFD800  }
0x57: {  	[tilespmem:s2], [sflag:$0x2] =	stream.indirect.gather.add.f32 [hbm:s4], $0x80, s23, s10, $0xb8;
	[tilespmem:$0x1DC80] =	vst v63  }
0x58: {  	_ =	swait.ge [sflag:s11], $0x50  }
0x59: {  	[sflag:s11] =	ssyncset.done $0x0  }
0x5a: {  	[sflag:s11] =	ssyncadd.s32 $0xFFFFFFB0  }
0x5b: {  	_ =	swait.ge [sflag:s11], $0x50  }
0x5c: {  	[sflag:s11] =	ssyncset.done $0x0  }
0x5d: {  	[sflag:s11] =	ssyncadd.s32 $0xFFFFFFB0  }
0x5e: {  	_ =	swait.ge [sflag:s11], $0x2800  }
0x5f: {  	[sflag:s11] =	ssyncset.done $0x0  }
0x60: {  	[sflag:s11] =	ssyncadd.s32 $0xFFFFD800  }
0x61: {  	[tilespmem:s30], [sflag:$0x5] =	stream.indirect.gather.add.f32 [hbm:s4], $0x80, s28, s10, $0xb8;
	[tilespmem:$0x1DC80] =	vst v63  }
.Ltmp2:
0x62: {  	_ = 	snop;
	(pc) =	sbr.rel .LBB2_2-.Ltmp2, $4  }
0x63: {  	_ =	swait.ge [sflag:s12], $0x2800  }
0x64: {  	[sflag:s12] =	ssyncset.done $0x0  }
0x65: {  	s22 =	simm.s32 $0x0;
	[sflag:s12] =	ssyncadd.s32 $0xFFFFD800  }
0x66: {  	[tilespmem:s2], [sflag:$0x2] =	stream.indirect.gather.add.f32 [hbm:s7], $0x80, s26, s10, $0xb8;
	[tilespmem:$0x1DC80] =	vst v63  }
.LBB2_32:
0x67: {  	[tilespmem:s24+$0x7B10] =	vst v5;
	v3 =	vmax.f32 v3, $0.0e+00;
	v60 =	vld [tilespmem:s24+$0x7B70]  }
0x68: {  	v1 =	vmax.f32 v1, $0.0e+00;
	[tilespmem:s24+$0x7B20] =	vst v3  }
0x69: {  	v0 =	vmax.f32 v0, $0.0e+00;
	[tilespmem:s24+$0x7B30] =	vst v1  }
0x6a: {  	v61 =	vmax.f32 v2, $0.0e+00;
	[tilespmem:s24+$0x7B40] =	vst v0  }
0x6b: {  	v62 =	vmax.f32 v4, $0.0e+00;
	[tilespmem:s24+$0x7B50] =	vst v61  }
0x6c: {  	[tilespmem:s24+$0x7B60] =	vst v62;
	v63 =	vmax.f32 v60, $0.0e+00  }
0x6d: {  	[tilespmem:s24+$0x7B70] =	vst v63  }
0x6e: {  	[spmem:s1] =	stream.indirect.scatter.add.f32 [tilespmem:s15], [sflag:$0xC], $0x80, s14, s10, $0xb8;
	[tilespmem:$0x1DC80] =	vst v63  }
.LBB2_33:
0x6f: {  	s22 =	sadd.s32 $0x1, s22  }
0x70: {  	p2 =	sne.s32 s22, $0x7D  }
.Ltmp3:
0x71: {  	_ = 	snop;
	(pc) =	sbr.rel @!p2 .LBB2_34-.Ltmp3, $1  }
0x72: {  	_ =	sdelay $0x3  }
.LBB2_2:
0x73: {  	s24 =	sand.u32 $0x3, s22  }
0x74: {  	p2 =	sgt.s32 s24, $0x1  }
.Ltmp4:
0x75: {  	_ = 	snop;
	(pc) =	sbr.rel @p2 .LBB2_25-.Ltmp4, $1  }
0x76: {  	_ =	sdelay $0x3  }
0x77: {  	p2 =	seq.s32 s24, $0x0  }
.Ltmp5:
0x78: {  	_ = 	snop;
	(pc) =	sbr.rel @!p2 .LBB2_11-.Ltmp5, $1  }
0x79: {  	_ =	sdelay $0x3  }
0x7a: {  	p2 =	seq.s32 s22, $0x0  }
0x7b: {  	p3 =	sgt.u32 @!p2 s22, $0x79  }
0x7c: {  	_ =	swait.ge [sflag:s12], $0x2800;
	p3 =	por p2, !p3  }
.Ltmp6:
0x7d: {  	[sflag:s12] =	ssyncset.done $0x0;
	(pc) =	sbr.rel @!p3 .LBB2_6-.Ltmp6, $4  }
0x7e: {  	s24 =	simm.s32 @!p2 $0xC;
	[sflag:s12] =	ssyncadd.s32 $0xFFFFD800  }
0x7f: {  	_ =	swait.ge @!p2 [sflag:s24], $0x2800  }
0x80: {  	[sflag:s24] =	ssyncset.done @!p2 $0x0  }
0x81: {  	[sflag:s24] =	ssyncadd.s32 @!p2 $0xFFFFD800  }
0x82: {  	s24 =	smul.u32 $0x50, s22;
	_ =	sdelay $0x1  }
0x83: {  	s24 =	sadd.s32 s24, s19  }
0x84: {  	s25 =	sshrl.u32 s24, $0x3  }
0x85: {  	s18 =	sadd.s32 s6, s25  }
0x86: {  	[tilespmem:s13], [sflag:$0xA] =	stream.linear.gather [hbm4b:s18+s2], $0x50, $0x38;
	[tilespmem:$0x1DC80] =	vst v63  }
.Ltmp7:
0x87: {  	s25 =	sadd.s32 s8, s25;
	(pc) =	sbr.rel .LBB2_7-.Ltmp7, $4  }
0x88: {  	[tilespmem:s14], [sflag:$0xA] =	stream.linear.gather [hbm4b:s25+s2], $0x50, $0x38;
	[tilespmem:$0x1DC80] =	vst v63  }
0x89: {  	s25 =	sshll.u32 s24, $0x4  }
0x8a: {  	s18 =	sadd.s32 s5, s25  }
0x8b: {  	[tilespmem:s15], [sflag:$0xA] =	stream.linear.gather [hbm4b:s18+s2], $0x2800, $0x38;
	[tilespmem:$0x1DC80] =	vst v63  }
.LBB2_25:
0x8c: {  	p4 =	seq.s32 s24, $0x2  }
.Ltmp8:
0x8d: {  	_ = 	snop;
	(pc) =	sbr.rel @!p4 .LBB2_26-.Ltmp8, $3  }
0x8e: {  	_ =	sdelay $0x1  }
0x8f: {  	p2 =	seq.s32 s22, $0x0  }
0x90: {  	p3 =	sgt.u32 @!p2 s22, $0x79  }
0x91: {  	_ =	swait.ge [sflag:s17], $0x2800;
	p3 =	por p2, !p3  }
.Ltmp9:
0x92: {  	[sflag:s17] =	ssyncset.done $0x0;
	(pc) =	sbr.rel @!p3 .LBB2_20-.Ltmp9, $4  }
0x93: {  	s18 =	simm.s32 @!p2 $0x6;
	[sflag:s17] =	ssyncadd.s32 $0xFFFFD800  }
0x94: {  	_ =	swait.ge @!p2 [sflag:s18], $0x2800  }
0x95: {  	[sflag:s18] =	ssyncset.done @!p2 $0x0  }
0x96: {  	[sflag:s18] =	ssyncadd.s32 @!p2 $0xFFFFD800  }
0x97: {  	s18 =	smul.u32 $0x50, s22;
	_ =	sdelay $0x1  }
0x98: {  	s18 =	sadd.s32 s18, s19  }
0x99: {  	s24 =	sshrl.u32 s18, $0x3  }
0x9a: {  	s25 =	sadd.s32 s6, s24  }
0x9b: {  	[tilespmem:s28], [sflag:$0x4] =	stream.linear.gather [hbm4b:s25+s2], $0x50, $0x38;
	[tilespmem:$0x1DC80] =	vst v63  }
.Ltmp10:
0x9c: {  	_ = 	snop;
	(pc) =	sbr.rel .LBB2_21-.Ltmp10, $4  }
0x9d: {  	s18 =	sshll.u32 s18, $0x4;
	s24 =	sadd.s32 s8, s24  }
0x9e: {  	[tilespmem:s29], [sflag:$0x4] =	stream.linear.gather [hbm4b:s24+s2], $0x50, $0x38;
	[tilespmem:$0x1DC80] =	vst v63  }
0x9f: {  	s18 =	sadd.s32 s5, s18  }
0xa0: {  	[tilespmem:s30], [sflag:$0x4] =	stream.linear.gather [hbm4b:s18+s2], $0x2800, $0x38;
	[tilespmem:$0x1DC80] =	vst v63  }
.LBB2_11:
0xa1: {  	p2 =	seq.s32 s22, $0x0  }
0xa2: {  	p3 =	sgt.u32 @!p2 s22, $0x79  }
0xa3: {  	_ =	swait.ge [sflag:s16], $0x2800;
	p3 =	por p2, !p3  }
.Ltmp11:
0xa4: {  	[sflag:s16] =	ssyncset.done $0x0;
	(pc) =	sbr.rel @!p3 .LBB2_13-.Ltmp11, $4  }
0xa5: {  	s18 =	simm.s32 @!p2 $0x3;
	[sflag:s16] =	ssyncadd.s32 $0xFFFFD800  }
0xa6: {  	_ =	swait.ge @!p2 [sflag:s18], $0x2800  }
0xa7: {  	[sflag:s18] =	ssyncset.done @!p2 $0x0  }
0xa8: {  	[sflag:s18] =	ssyncadd.s32 @!p2 $0xFFFFD800  }
0xa9: {  	s18 =	smul.u32 $0x50, s22;
	_ =	sdelay $0x1  }
0xaa: {  	s18 =	sadd.s32 s18, s19  }
0xab: {  	s24 =	sshrl.u32 s18, $0x3  }
0xac: {  	s25 =	sadd.s32 s6, s24  }
0xad: {  	[tilespmem:s23], [sflag:$0x1] =	stream.linear.gather [hbm4b:s25+s2], $0x50, $0x38;
	[tilespmem:$0x1DC80] =	vst v63  }
.Ltmp12:
0xae: {  	_ = 	snop;
	(pc) =	sbr.rel .LBB2_14-.Ltmp12, $4  }
0xaf: {  	s18 =	sshll.u32 s18, $0x4;
	s24 =	sadd.s32 s8, s24  }
0xb0: {  	[tilespmem:s26], [sflag:$0x1] =	stream.linear.gather [hbm4b:s24+s2], $0x50, $0x38;
	[tilespmem:$0x1DC80] =	vst v63  }
0xb1: {  	s18 =	sadd.s32 s5, s18  }
0xb2: {  	[tilespmem:s2], [sflag:$0x1] =	stream.linear.gather [hbm4b:s18+s2], $0x2800, $0x38;
	[tilespmem:$0x1DC80] =	vst v63  }
.LBB2_26:
0xb3: {  	_ =	swait.ge [sflag:s20], $0x2800;
	p3 =	por p2, !p3  }
.Ltmp13:
0xb4: {  	[sflag:s20] =	ssyncset.done $0x0;
	(pc) =	sbr.rel @!p3 .LBB2_28-.Ltmp13, $4  }
0xb5: {  	s18 =	simm.s32 @!p2 $0x9;
	[sflag:s20] =	ssyncadd.s32 $0xFFFFD800  }
0xb6: {  	_ =	swait.ge @!p2 [sflag:s18], $0x2800  }
0xb7: {  	[sflag:s18] =	ssyncset.done @!p2 $0x0  }
0xb8: {  	[sflag:s18] =	ssyncadd.s32 @!p2 $0xFFFFD800  }
0xb9: {  	s18 =	smul.u32 $0x50, s22;
	_ =	sdelay $0x1  }
0xba: {  	s18 =	sadd.s32 s18, s19  }
0xbb: {  	s24 =	sshrl.u32 s18, $0x3  }
0xbc: {  	s25 =	sadd.s32 s6, s24  }
0xbd: {  	[tilespmem:s31], [sflag:$0x7] =	stream.linear.gather [hbm4b:s25+s2], $0x50, $0x38;
	[tilespmem:$0x1DC80] =	vst v63  }
.Ltmp14:
0xbe: {  	_ = 	snop;
	(pc) =	sbr.rel .LBB2_29-.Ltmp14, $4  }
0xbf: {  	s18 =	sshll.u32 s18, $0x4;
	s24 =	sadd.s32 s8, s24  }
0xc0: {  	[tilespmem:s0], [sflag:$0x7] =	stream.linear.gather [hbm4b:s24+s2], $0x50, $0x38;
	[tilespmem:$0x1DC80] =	vst v63  }
0xc1: {  	s18 =	sadd.s32 s5, s18  }
0xc2: {  	[tilespmem:s3], [sflag:$0x7] =	stream.linear.gather [hbm4b:s18+s2], $0x2800, $0x38;
	[tilespmem:$0x1DC80] =	vst v63  }
.LBB2_6:
0xc3: {  	p2 =	seq.s32 s22, $0x7C  }
.Ltmp15:
0xc4: {  	_ = 	snop;
	(pc) =	sbr.rel @p2 .LBB2_8-.Ltmp15, $1  }
0xc5: {  	_ =	sdelay $0x3  }
.LBB2_7:
0xc6: {  	_ =	swait.ge [sflag:s16], $0x2800  }
0xc7: {  	p2 =	sgt.u32 s22, $0x7A;
	[sflag:s16] =	ssyncset.done $0x0  }
0xc8: {  	s18 =	simm.s32 @!p2 $0x7;
	[sflag:s16] =	ssyncadd.s32 $0xFFFFD800  }
0xc9: {  	[tilespmem:s30], [sflag:$0x5] =	stream.indirect.gather.add.f32 [hbm:s7], $0x80, s29, s10, $0xb8;
	[tilespmem:$0x1DC80] =	vst v63  }
0xca: {  	_ =	swait.ge @!p2 [sflag:s18], $0x50  }
0xcb: {  	[sflag:s18] =	ssyncset.done @!p2 $0x0  }
0xcc: {  	[sflag:s18] =	ssyncadd.s32 @!p2 $0xFFFFFFB0  }
0xcd: {  	_ =	swait.ge @!p2 [sflag:s18], $0x50  }
0xce: {  	[sflag:s18] =	ssyncset.done @!p2 $0x0  }
0xcf: {  	[sflag:s18] =	ssyncadd.s32 @!p2 $0xFFFFFFB0  }
0xd0: {  	_ =	swait.ge @!p2 [sflag:s18], $0x2800  }
0xd1: {  	s24 =	simm.s32 @!p2 $0x7A00;
	[sflag:s18] =	ssyncset.done @!p2 $0x0  }
0xd2: {  	s25 =	simm.s32 @!p2 $0x5200;
	[sflag:s18] =	ssyncadd.s32 @!p2 $0xFFFFD800;
	s18 =	simm.s32 @!p2 $0x50  }
0xd3: {  	[tilespmem:s25], [sflag:$0x8] =	stream.indirect.gather.add.f32 @!p2 [hbm:s4], $0x80, s24, s18, $0xb8;
	[tilespmem:$0x1DC80] =	vst v63  }
.LBB2_8:
0xd4: {  	s24 =	simm.s32 $0x0  }
0xd5: {  	v2 =	vld [tilespmem:s24+$0x0]  }
0xd6: {  	v4 =	vld [tilespmem:s24+$0x10]  }
0xd7: {  	v3 =	vld [tilespmem:s24+$0x20]  }
0xd8: {  	v1 =	vld [tilespmem:s24+$0x30]  }
0xd9: {  	v0 =	vld [tilespmem:s24+$0x40]  }
0xda: {  	v5 =	vmax.f32 v2, $0.0e+00;
	v2 =	vld [tilespmem:s24+$0x50]  }
0xdb: {  	s25 =	simm.s32 $0x200;
	[tilespmem:s24+$0x0] =	vst v5;
	v5 =	vmax.f32 v4, $0.0e+00;
	v4 =	vld [tilespmem:s24+$0x60]  }
.LBB2_9:
0xdc: {  	s18 =	sshra.s32 s25, $0x2;
	p2 =	sne.s32 s25, $0x9E00;
	[tilespmem:s24+$0x10] =	vst v5;
	v3 =	vmax.f32 v3, $0.0e+00;
	v5 =	vld [tilespmem:s24+$0x70]  }
0xdd: {  	v6 =	vld [tilespmem:s18+$0x0];
	[tilespmem:s24+$0x20] =	vst v3;
	v1 =	vmax.f32 v1, $0.0e+00  }
0xde: {  	v7 =	vld [tilespmem:s18+$0x10];
	[tilespmem:s24+$0x30] =	vst v1;
	v0 =	vmax.f32 v0, $0.0e+00  }
.Ltmp16:
0xdf: {  	v3 =	vld [tilespmem:s18+$0x20];
	[tilespmem:s24+$0x40] =	vst v0;
	v0 =	vmax.f32 v2, $0.0e+00;
	(pc) =	sbr.rel @p2 .LBB2_9-.Ltmp16, $4  }
0xe0: {  	v1 =	vld [tilespmem:s18+$0x30];
	[tilespmem:s24+$0x50] =	vst v0;
	v2 =	vmax.f32 v4, $0.0e+00  }
0xe1: {  	v0 =	vld [tilespmem:s18+$0x40];
	[tilespmem:s24+$0x60] =	vst v2;
	v4 =	vmax.f32 v5, $0.0e+00  }
0xe2: {  	v5 =	vmax.f32 v6, $0.0e+00;
	v2 =	vld [tilespmem:s18+$0x50];
	[tilespmem:s24+$0x70] =	vst v4;
	s24 =	smov.u32 s18  }
0xe3: {  	s25 =	sadd.s32 $0x200, s25;
	[tilespmem:s24+$0x0] =	vst v5;
	v5 =	vmax.f32 v7, $0.0e+00;
	v4 =	vld [tilespmem:s24+$0x60]  }
0xe4: {  	[tilespmem:s24+$0x10] =	vst v5;
	v3 =	vmax.f32 v3, $0.0e+00;
	v60 =	vld [tilespmem:s24+$0x70]  }
0xe5: {  	[tilespmem:s24+$0x20] =	vst v3;
	v1 =	vmax.f32 v1, $0.0e+00  }
0xe6: {  	[tilespmem:s24+$0x30] =	vst v1;
	v0 =	vmax.f32 v0, $0.0e+00  }
.Ltmp17:
0xe7: {  	[tilespmem:s24+$0x40] =	vst v0;
	v61 =	vmax.f32 v2, $0.0e+00;
	(pc) =	sbr.rel .LBB2_33-.Ltmp17, $4  }
0xe8: {  	[tilespmem:s24+$0x50] =	vst v61;
	v62 =	vmax.f32 v4, $0.0e+00  }
0xe9: {  	[tilespmem:s24+$0x60] =	vst v62;
	v63 =	vmax.f32 v60, $0.0e+00  }
0xea: {  	[tilespmem:s24+$0x70] =	vst v63  }
0xeb: {  	[spmem:s1] =	stream.indirect.scatter.add.f32 [tilespmem:s2], [sflag:$0x3], $0x80, s26, s10, $0xb8;
	[tilespmem:$0x1DC80] =	vst v63  }
.LBB2_20:
0xec: {  	p2 =	seq.s32 s22, $0x7C  }
.Ltmp18:
0xed: {  	_ = 	snop;
	(pc) =	sbr.rel @p2 .LBB2_22-.Ltmp18, $1  }
0xee: {  	_ =	sdelay $0x3  }
.LBB2_21:
0xef: {  	_ =	swait.ge [sflag:s20], $0x2800  }
0xf0: {  	p2 =	sgt.u32 s22, $0x7A;
	[sflag:s20] =	ssyncset.done $0x0  }
0xf1: {  	s18 =	simm.s32 @!p2 $0x1;
	[sflag:s20] =	ssyncadd.s32 $0xFFFFD800  }
0xf2: {  	[tilespmem:s15], [sflag:$0xB] =	stream.indirect.gather.add.f32 [hbm:s7], $0x80, s14, s10, $0xb8;
	[tilespmem:$0x1DC80] =	vst v63  }
0xf3: {  	_ =	swait.ge @!p2 [sflag:s18], $0x50  }
0xf4: {  	[sflag:s18] =	ssyncset.done @!p2 $0x0  }
0xf5: {  	[sflag:s18] =	ssyncadd.s32 @!p2 $0xFFFFFFB0  }
0xf6: {  	_ =	swait.ge @!p2 [sflag:s18], $0x50  }
0xf7: {  	[sflag:s18] =	ssyncset.done @!p2 $0x0  }
0xf8: {  	[sflag:s18] =	ssyncadd.s32 @!p2 $0xFFFFFFB0  }
0xf9: {  	_ =	swait.ge @!p2 [sflag:s18], $0x2800  }
0xfa: {  	s24 =	simm.s32 @!p2 $0x2800;
	[sflag:s18] =	ssyncset.done @!p2 $0x0  }
0xfb: {  	s25 =	simm.s32 @!p2 $0x0;
	[sflag:s18] =	ssyncadd.s32 @!p2 $0xFFFFD800;
	s18 =	simm.s32 @!p2 $0x50  }
0xfc: {  	[tilespmem:s25], [sflag:$0x2] =	stream.indirect.gather.add.f32 @!p2 [hbm:s4], $0x80, s24, s18, $0xb8;
	[tilespmem:$0x1DC80] =	vst v63  }
.LBB2_22:
0xfd: {  	s24 =	simm.s32 $0x0  }
0xfe: {  	v2 =	vld [tilespmem:s24+$0x5200]  }
0xff: {  	v4 =	vld [tilespmem:s24+$0x5210]  }
0x100: {  	v3 =	vld [tilespmem:s24+$0x5220]  }
0x101: {  	v1 =	vld [tilespmem:s24+$0x5230]  }
0x102: {  	v0 =	vld [tilespmem:s24+$0x5240]  }
0x103: {  	v5 =	vmax.f32 v2, $0.0e+00;
	v2 =	vld [tilespmem:s24+$0x5250]  }
0x104: {  	s25 =	simm.s32 $0x200;
	[tilespmem:s24+$0x5200] =	vst v5;
	v5 =	vmax.f32 v4, $0.0e+00;
	v4 =	vld [tilespmem:s24+$0x5260]  }
.LBB2_23:
0x105: {  	s18 =	sshra.s32 s25, $0x2;
	p2 =	sne.s32 s25, $0x9E00;
	[tilespmem:s24+$0x5210] =	vst v5;
	v3 =	vmax.f32 v3, $0.0e+00;
	v5 =	vld [tilespmem:s24+$0x5270]  }
0x106: {  	v6 =	vld [tilespmem:s18+$0x5200];
	[tilespmem:s24+$0x5220] =	vst v3;
	v1 =	vmax.f32 v1, $0.0e+00  }
0x107: {  	v7 =	vld [tilespmem:s18+$0x5210];
	[tilespmem:s24+$0x5230] =	vst v1;
	v0 =	vmax.f32 v0, $0.0e+00  }
.Ltmp19:
0x108: {  	v3 =	vld [tilespmem:s18+$0x5220];
	[tilespmem:s24+$0x5240] =	vst v0;
	v0 =	vmax.f32 v2, $0.0e+00;
	(pc) =	sbr.rel @p2 .LBB2_23-.Ltmp19, $4  }
0x109: {  	v1 =	vld [tilespmem:s18+$0x5230];
	[tilespmem:s24+$0x5250] =	vst v0;
	v2 =	vmax.f32 v4, $0.0e+00  }
0x10a: {  	v0 =	vld [tilespmem:s18+$0x5240];
	[tilespmem:s24+$0x5260] =	vst v2;
	v4 =	vmax.f32 v5, $0.0e+00  }
0x10b: {  	v5 =	vmax.f32 v6, $0.0e+00;
	v2 =	vld [tilespmem:s18+$0x5250];
	[tilespmem:s24+$0x5270] =	vst v4;
	s24 =	smov.u32 s18  }
0x10c: {  	s25 =	sadd.s32 $0x200, s25;
	[tilespmem:s24+$0x5200] =	vst v5;
	v5 =	vmax.f32 v7, $0.0e+00;
	v4 =	vld [tilespmem:s24+$0x5260]  }
0x10d: {  	[tilespmem:s24+$0x5210] =	vst v5;
	v3 =	vmax.f32 v3, $0.0e+00;
	v60 =	vld [tilespmem:s24+$0x5270]  }
0x10e: {  	[tilespmem:s24+$0x5220] =	vst v3;
	v1 =	vmax.f32 v1, $0.0e+00  }
0x10f: {  	[tilespmem:s24+$0x5230] =	vst v1;
	v0 =	vmax.f32 v0, $0.0e+00  }
.Ltmp20:
0x110: {  	[tilespmem:s24+$0x5240] =	vst v0;
	v61 =	vmax.f32 v2, $0.0e+00;
	(pc) =	sbr.rel .LBB2_33-.Ltmp20, $4  }
0x111: {  	[tilespmem:s24+$0x5250] =	vst v61;
	v62 =	vmax.f32 v4, $0.0e+00  }
0x112: {  	[tilespmem:s24+$0x5260] =	vst v62;
	v63 =	vmax.f32 v60, $0.0e+00  }
0x113: {  	[tilespmem:s24+$0x5270] =	vst v63  }
0x114: {  	[spmem:s1] =	stream.indirect.scatter.add.f32 [tilespmem:s3], [sflag:$0x9], $0x80, s0, s10, $0xb8;
	[tilespmem:$0x1DC80] =	vst v63  }
.LBB2_13:
0x115: {  	p2 =	seq.s32 s22, $0x7C  }
.Ltmp21:
0x116: {  	_ = 	snop;
	(pc) =	sbr.rel @p2 .LBB2_15-.Ltmp21, $1  }
0x117: {  	_ =	sdelay $0x3  }
.LBB2_14:
0x118: {  	_ =	swait.ge [sflag:s17], $0x2800  }
0x119: {  	p2 =	sgt.u32 s22, $0x7A;
	[sflag:s17] =	ssyncset.done $0x0  }
0x11a: {  	s18 =	simm.s32 @!p2 $0xA;
	[sflag:s17] =	ssyncadd.s32 $0xFFFFD800  }
0x11b: {  	[tilespmem:s3], [sflag:$0x8] =	stream.indirect.gather.add.f32 [hbm:s7], $0x80, s0, s10, $0xb8;
	[tilespmem:$0x1DC80] =	vst v63  }
0x11c: {  	_ =	swait.ge @!p2 [sflag:s18], $0x50  }
0x11d: {  	[sflag:s18] =	ssyncset.done @!p2 $0x0  }
0x11e: {  	[sflag:s18] =	ssyncadd.s32 @!p2 $0xFFFFFFB0  }
0x11f: {  	_ =	swait.ge @!p2 [sflag:s18], $0x50  }
0x120: {  	[sflag:s18] =	ssyncset.done @!p2 $0x0  }
0x121: {  	[sflag:s18] =	ssyncadd.s32 @!p2 $0xFFFFFFB0  }
0x122: {  	_ =	swait.ge @!p2 [sflag:s18], $0x2800  }
0x123: {  	s24 =	simm.s32 @!p2 $0xA300;
	[sflag:s18] =	ssyncset.done @!p2 $0x0  }
0x124: {  	s25 =	simm.s32 @!p2 $0x7B00;
	[sflag:s18] =	ssyncadd.s32 @!p2 $0xFFFFD800;
	s18 =	simm.s32 @!p2 $0x50  }
0x125: {  	[tilespmem:s25], [sflag:$0xB] =	stream.indirect.gather.add.f32 @!p2 [hbm:s4], $0x80, s24, s18, $0xb8;
	[tilespmem:$0x1DC80] =	vst v63  }
.LBB2_15:
0x126: {  	s24 =	simm.s32 $0x0  }
0x127: {  	v2 =	vld [tilespmem:s24+$0x2900]  }
0x128: {  	v4 =	vld [tilespmem:s24+$0x2910]  }
0x129: {  	v3 =	vld [tilespmem:s24+$0x2920]  }
0x12a: {  	v1 =	vld [tilespmem:s24+$0x2930]  }
0x12b: {  	v0 =	vld [tilespmem:s24+$0x2940]  }
0x12c: {  	v5 =	vmax.f32 v2, $0.0e+00;
	v2 =	vld [tilespmem:s24+$0x2950]  }
0x12d: {  	s25 =	simm.s32 $0x200;
	[tilespmem:s24+$0x2900] =	vst v5;
	v5 =	vmax.f32 v4, $0.0e+00;
	v4 =	vld [tilespmem:s24+$0x2960]  }
.LBB2_16:
0x12e: {  	s18 =	sshra.s32 s25, $0x2;
	p2 =	sne.s32 s25, $0x9E00;
	[tilespmem:s24+$0x2910] =	vst v5;
	v3 =	vmax.f32 v3, $0.0e+00;
	v5 =	vld [tilespmem:s24+$0x2970]  }
0x12f: {  	v6 =	vld [tilespmem:s18+$0x2900];
	[tilespmem:s24+$0x2920] =	vst v3;
	v1 =	vmax.f32 v1, $0.0e+00  }
0x130: {  	v7 =	vld [tilespmem:s18+$0x2910];
	[tilespmem:s24+$0x2930] =	vst v1;
	v0 =	vmax.f32 v0, $0.0e+00  }
.Ltmp22:
0x131: {  	v3 =	vld [tilespmem:s18+$0x2920];
	[tilespmem:s24+$0x2940] =	vst v0;
	v0 =	vmax.f32 v2, $0.0e+00;
	(pc) =	sbr.rel @p2 .LBB2_16-.Ltmp22, $4  }
0x132: {  	v1 =	vld [tilespmem:s18+$0x2930];
	[tilespmem:s24+$0x2950] =	vst v0;
	v2 =	vmax.f32 v4, $0.0e+00  }
0x133: {  	v0 =	vld [tilespmem:s18+$0x2940];
	[tilespmem:s24+$0x2960] =	vst v2;
	v4 =	vmax.f32 v5, $0.0e+00  }
0x134: {  	v5 =	vmax.f32 v6, $0.0e+00;
	v2 =	vld [tilespmem:s18+$0x2950];
	[tilespmem:s24+$0x2970] =	vst v4;
	s24 =	smov.u32 s18  }
0x135: {  	s25 =	sadd.s32 $0x200, s25;
	[tilespmem:s24+$0x2900] =	vst v5;
	v5 =	vmax.f32 v7, $0.0e+00;
	v4 =	vld [tilespmem:s24+$0x2960]  }
0x136: {  	[tilespmem:s24+$0x2910] =	vst v5;
	v3 =	vmax.f32 v3, $0.0e+00;
	v60 =	vld [tilespmem:s24+$0x2970]  }
0x137: {  	[tilespmem:s24+$0x2920] =	vst v3;
	v1 =	vmax.f32 v1, $0.0e+00  }
0x138: {  	[tilespmem:s24+$0x2930] =	vst v1;
	v0 =	vmax.f32 v0, $0.0e+00  }
.Ltmp23:
0x139: {  	[tilespmem:s24+$0x2940] =	vst v0;
	v61 =	vmax.f32 v2, $0.0e+00;
	(pc) =	sbr.rel .LBB2_33-.Ltmp23, $4  }
0x13a: {  	[tilespmem:s24+$0x2950] =	vst v61;
	v62 =	vmax.f32 v4, $0.0e+00  }
0x13b: {  	[tilespmem:s24+$0x2960] =	vst v62;
	v63 =	vmax.f32 v60, $0.0e+00  }
0x13c: {  	[tilespmem:s24+$0x2970] =	vst v63  }
0x13d: {  	[spmem:s1] =	stream.indirect.scatter.add.f32 [tilespmem:s30], [sflag:$0x6], $0x80, s29, s10, $0xb8;
	[tilespmem:$0x1DC80] =	vst v63  }
.LBB2_28:
0x13e: {  	p2 =	seq.s32 s22, $0x7C  }
.Ltmp24:
0x13f: {  	_ = 	snop;
	(pc) =	sbr.rel @p2 .LBB2_30-.Ltmp24, $1  }
0x140: {  	_ =	sdelay $0x3  }
.LBB2_29:
0x141: {  	_ =	swait.ge [sflag:s12], $0x2800  }
0x142: {  	p2 =	sgt.u32 s22, $0x7A;
	[sflag:s12] =	ssyncset.done $0x0  }
0x143: {  	s18 =	simm.s32 @!p2 $0x4;
	[sflag:s12] =	ssyncadd.s32 $0xFFFFD800  }
0x144: {  	[tilespmem:s2], [sflag:$0x2] =	stream.indirect.gather.add.f32 [hbm:s7], $0x80, s26, s10, $0xb8;
	[tilespmem:$0x1DC80] =	vst v63  }
0x145: {  	_ =	swait.ge @!p2 [sflag:s18], $0x50  }
0x146: {  	[sflag:s18] =	ssyncset.done @!p2 $0x0  }
0x147: {  	[sflag:s18] =	ssyncadd.s32 @!p2 $0xFFFFFFB0  }
0x148: {  	_ =	swait.ge @!p2 [sflag:s18], $0x50  }
0x149: {  	[sflag:s18] =	ssyncset.done @!p2 $0x0  }
0x14a: {  	[sflag:s18] =	ssyncadd.s32 @!p2 $0xFFFFFFB0  }
0x14b: {  	_ =	swait.ge @!p2 [sflag:s18], $0x2800  }
0x14c: {  	s24 =	simm.s32 @!p2 $0x5100;
	[sflag:s18] =	ssyncset.done @!p2 $0x0  }
0x14d: {  	s25 =	simm.s32 @!p2 $0x2900;
	[sflag:s18] =	ssyncadd.s32 @!p2 $0xFFFFD800;
	s18 =	simm.s32 @!p2 $0x50  }
0x14e: {  	[tilespmem:s25], [sflag:$0x5] =	stream.indirect.gather.add.f32 @!p2 [hbm:s4], $0x80, s24, s18, $0xb8;
	[tilespmem:$0x1DC80] =	vst v63  }
.LBB2_30:
0x14f: {  	s24 =	simm.s32 $0x0  }
0x150: {  	v2 =	vld [tilespmem:s24+$0x7B00]  }
0x151: {  	v4 =	vld [tilespmem:s24+$0x7B10]  }
0x152: {  	v3 =	vld [tilespmem:s24+$0x7B20]  }
0x153: {  	v1 =	vld [tilespmem:s24+$0x7B30]  }
0x154: {  	v0 =	vld [tilespmem:s24+$0x7B40]  }
0x155: {  	v5 =	vmax.f32 v2, $0.0e+00;
	v2 =	vld [tilespmem:s24+$0x7B50]  }
0x156: {  	s25 =	simm.s32 $0x200;
	[tilespmem:s24+$0x7B00] =	vst v5;
	v5 =	vmax.f32 v4, $0.0e+00;
	v4 =	vld [tilespmem:s24+$0x7B60]  }
.LBB2_31:
0x157: {  	s18 =	sshra.s32 s25, $0x2;
	p2 =	sne.s32 s25, $0x9E00;
	[tilespmem:s24+$0x7B10] =	vst v5;
	v3 =	vmax.f32 v3, $0.0e+00;
	v5 =	vld [tilespmem:s24+$0x7B70]  }
0x158: {  	v1 =	vmax.f32 v1, $0.0e+00;
	v6 =	vld [tilespmem:s18+$0x7B00];
	[tilespmem:s24+$0x7B20] =	vst v3  }
0x159: {  	v0 =	vmax.f32 v0, $0.0e+00;
	v7 =	vld [tilespmem:s18+$0x7B10];
	[tilespmem:s24+$0x7B30] =	vst v1  }
.Ltmp25:
0x15a: {  	v3 =	vld [tilespmem:s18+$0x7B20];
	[tilespmem:s24+$0x7B40] =	vst v0;
	v0 =	vmax.f32 v2, $0.0e+00;
	(pc) =	sbr.rel @p2 .LBB2_31-.Ltmp25, $4  }
0x15b: {  	v2 =	vmax.f32 v4, $0.0e+00;
	v1 =	vld [tilespmem:s18+$0x7B30];
	[tilespmem:s24+$0x7B50] =	vst v0  }
0x15c: {  	v0 =	vld [tilespmem:s18+$0x7B40];
	[tilespmem:s24+$0x7B60] =	vst v2;
	v4 =	vmax.f32 v5, $0.0e+00  }
0x15d: {  	v5 =	vmax.f32 v6, $0.0e+00;
	v2 =	vld [tilespmem:s18+$0x7B50];
	[tilespmem:s24+$0x7B70] =	vst v4;
	s24 =	smov.u32 s18  }
0x15e: {  	s25 =	sadd.s32 $0x200, s25;
	[tilespmem:s24+$0x7B00] =	vst v5;
	v5 =	vmax.f32 v7, $0.0e+00;
	v4 =	vld [tilespmem:s24+$0x7B60]  }
.Ltmp26:
0x15f: {  	_ = 	snop;
	(pc) =	sbr.rel .LBB2_32-.Ltmp26, $1  }
0x160: {  	_ =	sdelay $0x3  }
.LBB2_35:
0x161: {  	_ =	sfence.sel $0x180000  }
0x162: {  	[bflag:$0x0] =	sbarrier.arrive $0xFFFF  }
0x163: {  	_ =	strace $0x9000004A  }
0x164: {  	[bflag:$0x2] =	sbarrier.arrive $0xFFFF  }
0x165: {  	s0 =	rddreg [dreg:$0x2]  }
0x166: {  	s0 =	sadd.s32 @!p0 $0x100000, s0  }
0x167: {  	[sflag:s0] =	ssyncadd.tile.s32 @!p0 $0x1;
	_ =	shalt  }
.Lfunc_end2:
_tile_overlayer_lowered:
.L_overlay_start_2:
0x168: {  	(tag) =	ssettag $0x2  }
0x169: {  	s0 =	rddreg [dreg:$0x0];
	s2 =	stileid.u32  }
0x16a: {  	s1 =	rddreg [dreg:$0x1];
	p0 =	sne.s32 s2, $0x0  }
0x16b: {  	s3 =	rddreg [dreg:$0x2];
	[bflag:$0x3] =	sbarrier.arrive $0xFFFF;
	s2 =	simm.s32 @!p0 $0x1C0D  }
0x16c: {  	[timem:s3], [sflag:s2] =	dma.local @!p0 [hbm:s0], s1  }
0x16d: {  	s0 =	simm.s32 @!p0 $0xD  }
0x16e: {  	_ =	swait.ge @!p0 [sflag:s0], s1  }
0x16f: {  	s1 =	ssub.s32 @!p0 $0x0, s1;
	[sflag:s0] =	ssyncset.done @!p0 $0x0  }
0x170: {  	[sflag:s0] =	ssyncadd.s32 @!p0 s1  }
0x171: {  	[bflag:$0x3] =	sbarrier.arrive $0xFFFF  }
0x172: {  	_ =	shalt  }

// kernel: kernel.7.cloned.1.call-start
scs
__scs_entry_jumppad:
0x0: {  	(pc) =	sbr.rel $0x88, $3  }
0x1: {  	(tag) =	ssettag $0x0;
	lr =	simm.s32 $0x1  }
0x2: {  	[smem:$0x3F96] =	sst lr;
	_ =	strace $0xD0000000  }
0x3: {  	_ = 	snop  }
0x4: {  	_ = 	snop  }
0x5: {  	_ = 	snop  }
0x6: {  	_ = 	snop  }
0x7: {  	_ = 	snop  }
__scs_overlays_trampoline_lowered:
0x8: {  	[smem:$0x3FA5] =	sst s0  }
0x9: {  	[smem:$0x3FA6] =	sst s1  }
0xa: {  	[smem:$0x3FA7] =	sst s2  }
0xb: {  	[smem:$0x3FA8] =	sst s3  }
0xc: {  	[smem:$0x3FA9] =	sst s4  }
0xd: {  	[smem:$0x3FAA] =	sst s5  }
0xe: {  	[smem:$0x3FAB] =	sst s6  }
0xf: {  	[smem:$0x3FAC] =	sst s7  }
0x10: {  	[smem:$0x3FAD] =	sst s8  }
0x11: {  	[smem:$0x3FAE] =	sst s9;
	s0 =	simm.s32 @!p0 $0x0  }
0x12: {  	s1 =	sld [smem:$0x3F94];
	s0 =	simm.s32 @p0 $0x1  }
0x13: {  	[smem:$0x3FAF] =	sst s0;
	s0 =	simm.s32 @!p1 $0x0  }
0x14: {  	s2 =	sld [smem:$0x3F93];
	s0 =	simm.s32 @p1 $0x1  }
0x15: {  	[smem:$0x3FB0] =	sst s0;
	s0 =	simm.s32 @!p2 $0x0  }
0x16: {  	s3 =	sld [smem:$0x3FDB];
	s0 =	simm.s32 @p2 $0x1  }
0x17: {  	s4 =	simm.s32 $0x1BF5;
	[smem:$0x3FB2] =	sst s0  }
0x18: {  	s0 =	sld [smem:$0x3F95];
	_ =	swait.ge [sflag:s4], $0x0  }
0x19: {  	s7 =	sld [smem:$0x3F96]  }
0x1a: {  	s8 =	sadd.s32 $0xFFFFE003, lr  }
0x1b: {  	s9 =	sadd.s32 $0xFFFFFEF7, lr;
	s5 =	simm.s32 $0xFFFFFFFF;
	p2 =	slt.u32 s8, $0xFFFFF086  }
0x1c: {  	p1 =	slt.u32 s9, $0xF7A;
	s5 =	simm.s32 @!p2 $0x0  }
0x1d: {  	s5 =	simm.s32 @p1 $0x1;
	p0 =	seq.s32 s7, s2  }
0x1e: {  	s7 =	smul.u32 @!p0 $0xF7A, s2;
	p2 =	seq.s32 @!p0 s5, $0x0  }
0x1f: {  	s9 =	smul.u32 $0xF7A, s1;
	s8 =	simm.s32 @!p0 $0x1BF5;
	p2 =	por !p2, p0  }
0x20: {  	[sflag:s8] =	ssyncset.s32 @!p0 $0xFFFFF086;
	s6 =	sadd.s32 @!p0 s3, s7;
	s7 =	simm.s32 @!p0 $0x108  }
0x21: {  	s3 =	sadd.s32 s3, s9;
	s6 =	sadd.s32 @!p0 $0x88, s6;
	s7 =	simm.s32 @p2 $0x1082  }
0x22: {  	[simem:s7], [sflag:s8] =	dma.local @!p0 [hbm:s6], $0xF7A  }
0x23: {  	s9 =	sor.u32 $0xD0000000, s2;
	s6 =	simm.s32 $0x108;
	_ =	swait.ge @!p0 [sflag:s8], $0x0  }
0x24: {  	s3 =	sadd.s32 $0x88, s3;
	s6 =	simm.s32 @!p1 $0x1082;
	[sflag:s4] =	ssyncset.s32 $0xFFFFF086  }
0x25: {  	[simem:s6], [sflag:s4] =	dma.local [hbm:s3], $0xF7A  }
0x26: {  	[smem:$0x3F96] =	sst s1;
	(tag) =	ssettag s2;
	_ =	strace s9  }
0x27: {  	s1 =	sld [smem:$0x3FA6]  }
0x28: {  	s2 =	sld [smem:$0x3FA7]  }
0x29: {  	s4 =	sld [smem:$0x3FA9]  }
0x2a: {  	p0 =	seq.s32 s5, $0x0;
	s5 =	sld [smem:$0x3FAA]  }
0x2b: {  	s6 =	sld [smem:$0x3FAB]  }
0x2c: {  	s7 =	sld [smem:$0x3FAC]  }
0x2d: {  	s3 =	simm.s32 $0x108;
	s8 =	sld [smem:$0x3FAD]  }
0x2e: {  	s3 =	simm.s32 @!p0 $0x1082;
	s9 =	sld [smem:$0x3FAE]  }
0x2f: {  	lr =	sadd.s32 s0, s3;
	s0 =	sld [smem:$0x3FA5]  }
0x30: {  	s3 =	sld [smem:$0x3FA8]  }
0x31: {  	[smem:$0x3FB1] =	sst s10  }
0x32: {  	s10 =	sld [smem:$0x3FAF];
	_ =	sdelay $0x3  }
0x33: {  	p0 =	seq.s32 s10, $0x1;
	s10 =	sld [smem:$0x3FB1];
	_ =	sdelay $0x3  }
0x34: {  	[smem:$0x3FB1] =	sst s10  }
0x35: {  	s10 =	sld [smem:$0x3FB0];
	_ =	sdelay $0x3  }
0x36: {  	p1 =	seq.s32 s10, $0x1;
	s10 =	sld [smem:$0x3FB1];
	_ =	sdelay $0x3  }
0x37: {  	[smem:$0x3FB1] =	sst s10  }
0x38: {  	s10 =	sld [smem:$0x3FB2]  }
0x39: {  	_ = 	snop;
	(pc) =	sbr.ind lr, $3  }
0x3a: {  	_ = 	snop  }
0x3b: {  	_ = 	snop  }
0x3c: {  	p2 =	seq.s32 s10, $0x1;
	s10 =	sld [smem:$0x3FB1]  }
0x3d: {  	_ =	shalt  }
0x3e: {  	_ =	shalt  }
0x3f: {  	_ =	shalt  }
0x40: {  	_ =	shalt  }
0x41: {  	_ =	shalt  }
0x42: {  	_ =	shalt  }
0x43: {  	_ =	shalt  }
0x44: {  	_ =	shalt  }
0x45: {  	_ =	shalt  }
0x46: {  	_ =	shalt  }
0x47: {  	_ =	shalt  }
0x48: {  	_ =	shalt  }
0x49: {  	_ =	shalt  }
0x4a: {  	_ =	shalt  }
0x4b: {  	_ =	shalt  }
0x4c: {  	_ =	shalt  }
0x4d: {  	_ =	shalt  }
0x4e: {  	_ =	shalt  }
0x4f: {  	_ =	shalt  }
0x50: {  	_ =	shalt  }
0x51: {  	_ =	shalt  }
0x52: {  	_ =	shalt  }
0x53: {  	_ =	shalt  }
0x54: {  	_ =	shalt  }
0x55: {  	_ =	shalt  }
0x56: {  	_ =	shalt  }
0x57: {  	_ =	shalt  }
0x58: {  	_ =	shalt  }
0x59: {  	_ =	shalt  }
0x5a: {  	_ =	shalt  }
0x5b: {  	_ =	shalt  }
0x5c: {  	_ =	shalt  }
0x5d: {  	_ =	shalt  }
0x5e: {  	_ =	shalt  }
0x5f: {  	_ =	shalt  }
0x60: {  	_ =	shalt  }
0x61: {  	_ =	shalt  }
0x62: {  	_ =	shalt  }
0x63: {  	_ =	shalt  }
0x64: {  	_ =	shalt  }
0x65: {  	_ =	shalt  }
0x66: {  	_ =	shalt  }
0x67: {  	_ =	shalt  }
0x68: {  	_ =	shalt  }
0x69: {  	_ =	shalt  }
0x6a: {  	_ =	shalt  }
0x6b: {  	_ =	shalt  }
0x6c: {  	_ =	shalt  }
0x6d: {  	_ =	shalt  }
0x6e: {  	_ =	shalt  }
0x6f: {  	_ =	shalt  }
0x70: {  	_ =	shalt  }
0x71: {  	_ =	shalt  }
0x72: {  	_ =	shalt  }
0x73: {  	_ =	shalt  }
0x74: {  	_ =	shalt  }
0x75: {  	_ =	shalt  }
0x76: {  	_ =	shalt  }
0x77: {  	_ =	shalt  }
0x78: {  	_ =	shalt  }
0x79: {  	_ =	shalt  }
0x7a: {  	_ =	shalt  }
0x7b: {  	_ =	shalt  }
0x7c: {  	_ =	shalt  }
0x7d: {  	_ =	shalt  }
0x7e: {  	_ =	shalt  }
0x7f: {  	_ =	shalt  }
0x80: {  	_ =	shalt  }
0x81: {  	_ =	shalt  }
0x82: {  	_ =	shalt  }
0x83: {  	_ =	shalt  }
0x84: {  	_ =	shalt  }
0x85: {  	_ =	shalt  }
0x86: {  	_ =	shalt  }
0x87: {  	_ =	shalt  }
.Lfunc_end0:
.L_simem_size_0:
called_computation_lowered:
.L_overlay_start_0:
0x88: {  	s2 =	sld [smem:$0x3FD9]  }
0x89: {  	s3 =	sld [smem:$0x3FFE];
	_ =	sdelay $0x1  }
0x8a: {  	s1 =	srdreg.scid  }
0x8b: {  	s0 =	sand.u32 $0x1, s1  }
0x8c: {  	s17 =	sshll.u32 s0, $0xA;
	s2 =	sadd.s32 s3, s2  }
0x8d: {  	s2 =	sadd.s32 s2, s17  }
0x8e: {  	[smem:$0x3FBD] =	sst s2  }
0x8f: {  	_ = 	snop  }
0x90: {  	s2 =	sld [smem:$0x3FD0];
	(tm) =	ssettm $0x1  }
0x91: {  	s18 =	sld [smem:$0x3FFB];
	_ =	sdelay $0x3  }
0x92: {  	_ =	strace s18  }
0x93: {  	s3 =	sld [smem:$0x3FFC];
	_ =	sdelay $0x3  }
0x94: {  	_ =	strace s3  }
0x95: {  	s3 =	sld [smem:$0x3FFD];
	_ =	sdelay $0x3  }
0x96: {  	_ =	strace s3  }
0x97: {  	_ =	strace $0x8FFFFFFF  }
0x98: {  	s19 =	sld [smem:$0x3FDB];
	_ =	sdelay $0x1  }
0x99: {  	s4 =	simm.s32 $_scs_section_size  }
0x9a: {  	s5 =	simm.s32 $_size__tile_overlayer_lowered;
	s6 =	simm.s32 $_tile_overlayer_lowered  }
0x9b: {  	s22 =	simm.s32 $0x1BFF;
	s21 =	sshll.u32 s6, $0x1;
	s3 =	sadd.s32 s4, s19  }
0x9c: {  	s7 =	simm.s32 $0x0;
	s20 =	sshll.u32 s5, $0x1;
	s5 =	sadd.s32 s21, s3  }
0x9d: {  	[timem:s7], [sflag:s22] =	dma.local [hbm:s5], s20  }
0x9e: {  	_ =	swait.ge [sflag:s22], s20  }
0x9f: {  	s4 =	ssub.s32 $0x0, s20;
	[sflag:s22] =	ssyncset.done $0x0  }
0xa0: {  	[sflag:s22] =	ssyncadd.s32 s4;
	_ =	sdelay $0x1  }
0xa1: {  	s23 =	simm.s32 $0x1B8B  }
0xa2: {  	_ =	swait.ge [sflag:s23], $0x1  }
0xa3: {  	[sflag:s23] =	ssyncset.done $0x0  }
0xa4: {  	s25 =	simm.s32 $0x1B8E;
	s24 =	sld [smem:$0x3FFE];
	[sflag:s23] =	ssyncadd.s32 $0xFFFFFFFF  }
0xa5: {  	s26 =	simm.s32 $execute0_lowered;
	[smem:$0x3FD2] =	sst s25  }
0xa6: {  	s5 =	sshll.u32 s26, $0x1;
	_ =	strace $0x80000046;
	[dreg:$0x1] =	wrdreg $0xFFFFFFFF  }
0xa7: {  	s28 =	simm.s32 $_size_execute0_lowered;
	s3 =	sadd.s32 s3, s5;
	[dreg:$0x0] =	wrdreg $0x0  }
0xa8: {  	s5 =	sshll.u32 s28, $0x1;
	[dreg:$0x2] =	wrdreg s3  }
0xa9: {  	[dreg:$0x3] =	wrdreg s5  }
0xaa: {  	[dreg:$0x4] =	wrdreg $0xC0  }
0xab: {  	_ =	task [dreg:s7], $0x5FFFF  }
0xac: {  	[dreg:$0x1] =	wrdreg $0xFFFFFFFF  }
0xad: {  	[dreg:$0x0] =	wrdreg $0x60  }
0xae: {  	[dreg:$0x2] =	wrdreg s2  }
0xaf: {  	[dreg:$0x3] =	wrdreg s24  }
0xb0: {  	[dreg:$0x4] =	wrdreg $0xA4000  }
0xb1: {  	[dreg:$0x5] =	wrdreg $0x9  }
0xb2: {  	_ =	task.clear_ibuf [dreg:s7], $0x6FFFF;
	_ =	strace $0x90000046  }
0xb3: {  	s29 =	simm.s32 $0x9;
	_ =	strace $0x80000048  }
0xb4: {  	_ =	swait.ge [sflag:s29], $0x1  }
0xb5: {  	[sflag:s29] =	ssyncadd.s32 $0xFFFFFFFF  }
0xb6: {  	_ =	strace $0x90000048  }
0xb7: {  	_ =	sfence  }
0xb8: {  	s30 =	sld [smem:$0x0];
	_ =	sdelay $0x2  }
0xb9: {  	s31 =	sshll.u32 s1, $0xD;
	s1 =	sshrl.u32 s1, $0x2  }
0xba: {  	s3 =	sand.u32 $0x4000, s31;
	s1 =	sadd.s32 s1, s30  }
0xbb: {  	s0 =	sor.u32 s3, s0;
	s1 =	sshll.u32 s1, $0x11  }
0xbc: {  	s0 =	sor.u32 s1, s0  }
0xbd: {  	s0 =	sadd.s32 $0x8F2B, s0  }
0xbe: {  	[sflag:s0] =	ssyncadd.remote.s32 $0x1  }
0xbf: {  	_ =	sfence.sel $0xFFFF  }
0xc0: {  	[dreg:$0x0] =	wrdreg $0xFFFFFFFF;
	(pc) =	sbr.abs _section_cstart, $3  }
0xc1: {  	[dreg:$0x1] =	wrdreg $0xFFFFFFFF  }
0xc2: {  	_ =	task.clear_ibuf [dreg:s7], $0x2FFFF;
	_ =	strace $0x9FFFFFFF  }
0xc3: {  	(tm) =	ssettm $0x7FFFFFFF  }
tec
execute0_lowered:
.L_overlay_start_1:
0x0: {  	(tag) =	ssettag $0x1  }
0x1: {  	s1 =	rddreg [dreg:$0x0]  }
0x2: {  	s0 =	rddreg [dreg:$0x1]  }
0x3: {  	s2 =	rddreg [dreg:$0x2];
	s3 =	simm.s32 $0x0  }
0x4: {  	s4 =	srdreg.scid;
	s14 =	stileid.u32;
	s28 =	simm.s32 $0x5100  }
0x5: {  	s29 =	simm.s32 $0x5180;
	s30 =	simm.s32 $0x2900;
	s31 =	simm.s32 $0x7A00  }
0x6: {  	[smem:$0x7FF] =	sst s3;
	s4 =	sand.u32 $0x1, s4;
	s5 =	sadd.s32 $0x4F8800, s0  }
0x7: {  	s7 =	sshll.u32 s14, $0x1;
	s6 =	sadd.s32 $0x4EEA00, s0;
	s22 =	smul.u32 $0x13C00, s14  }
0x8: {  	s8 =	sadd.s32 $0x4E4C00, s0;
	s11 =	sadd.s32 $0x29E00, s0;
	s23 =	smul.u32 $0x4F000, s14  }
0x9: {  	p0 =	sne.s32 s14, $0x0;
	p1 =	seq.s32 s14, $0xF;
	s14 =	simm.s32 $0xA380  }
0xa: {  	_ =	strace $0x80000047;
	s9 =	sor.u32 s4, s7;
	s7 =	sadd.s32 $0x2C00, s0  }
0xb: {  	[dreg:$0x4] =	wrdreg s11;
	s26 =	ssub.s32 $0x2, s4;
	s4 =	smul.u32 $0x138800, s4  }
0xc: {  	s0 =	sadd.s32 $0x51000, s0;
	s10 =	smul.u32 $0x2710, s9;
	s12 =	sshrl.u32 s26, $0x1  }
0xd: {  	s9 =	smul.u32 $0x27100, s9;
	s25 =	sshrl.u32 s23, $0x2;
	s23 =	simm.s32 $0x2800  }
0xe: {  	s11 =	ssub.s32 s26, s12;
	s24 =	sadd.s32 s22, s4;
	s4 =	sshrl.u32 s4, $0x3  }
0xf: {  	s13 =	sshrl.u32 s10, $0x3;
	s16 =	sadd.s32 $0x50, s10;
	s9 =	sadd.s32 s5, s9  }
0x10: {  	s19 =	sadd.s32 $0xA0, s10;
	s26 =	smax.u32 s11, $0x1;
	s11 =	simm.s32 $0x4  }
0x11: {  	s15 =	sadd.s32 s6, s13;
	s13 =	sadd.s32 s8, s13;
	[dreg:$0x7] =	wrdreg s9  }
0x12: {  	s17 =	sshrl.u32 s16, $0x3;
	s12 =	sshll.u32 s16, $0x4;
	[dreg:$0x10] =	wrdreg s26  }
0x13: {  	s20 =	sshrl.u32 s19, $0x3;
	s26 =	simm.s32 $0x2880;
	[dreg:$0x5] =	wrdreg s15  }
0x14: {  	s16 =	simm.s32 $0x5;
	[dreg:$0x6] =	wrdreg s13;
	s18 =	sadd.s32 s6, s17  }
0x15: {  	s9 =	sadd.s32 s8, s17;
	s12 =	sadd.s32 s5, s12;
	[dreg:$0x8] =	wrdreg s18  }
0x16: {  	s21 =	sadd.s32 s6, s20;
	s13 =	sadd.s32 s8, s20;
	[dreg:$0x9] =	wrdreg s9  }
0x17: {  	s15 =	simm.s32 $0x7B00;
	s17 =	simm.s32 $0x8;
	[dreg:$0xa] =	wrdreg s12  }
0x18: {  	s20 =	simm.s32 $0xB;
	[dreg:$0xb] =	wrdreg s21;
	s9 =	sshll.u32 s19, $0x4  }
0x19: {  	[dreg:$0xc] =	wrdreg s13;
	s19 =	sadd.s32 $0xF0, s10;
	s9 =	sadd.s32 s5, s9  }
0x1a: {  	s10 =	simm.s32 $0x50;
	[dreg:$0xd] =	wrdreg s9;
	s9 =	sshrl.u32 s24, $0x3  }
0x1b: {  	s12 =	simm.s32 $0x2;
	s9 =	sadd.s32 s0, s9;
	s0 =	sadd.s32 s0, s4  }
.Ltmp0:
0x1c: {  	s13 =	simm.s32 $0xA300;
	s0 =	sadd.s32 $0x25080, s0;
	(pc) =	sbr.rel .LBB2_1-.Ltmp0, $4  }
0x1d: {  	s21 =	simm.s32 $0x0;
	[dreg:$0xf] =	wrdreg s0;
	s0 =	sadd.s32 $0x128400, s2  }
0x1e: {  	[dreg:$0xe] =	wrdreg s9;
	s9 =	sadd.s32 s25, s2;
	s0 =	sshrl.u32 @p1 s0, $0x3  }
0x1f: {  	s4 =	simm.s32 $0x5200;
	[dreg:$0x11] =	wrdreg s0;
	s0 =	sshrl.u32 @!p1 s9, $0x3  }
0x20: {  	s9 =	simm.s32 $0x1;
	[dreg:$0x12] =	wrdreg s0;
	s0 =	simm.s32 $0x7A80  }
.LBB2_34:
0x21: {  	s18 =	simm.s32 $0x3  }
0x22: {  	_ =	swait.ge [sflag:s18], $0x2800  }
0x23: {  	[sflag:s18] =	ssyncset.done $0x0  }
0x24: {  	[sflag:s18] =	ssyncadd.s32 $0xFFFFD800  }
0x25: {  	[bflag:$0x0] =	sbarrier.arrive $0xFFFF  }
0x26: {  	s22 =	rddreg [dreg:$0xf]  }
0x27: {  	s18 =	simm.s32 @p1 $0x1FCD;
	s24 =	rddreg [dreg:$0x11]  }
0x28: {  	[hbm:s22], [sflag:s18] =	dma.local @p1 [spmem:s24], $0x2080  }
0x29: {  	s18 =	simm.s32 @p1 $0xD  }
0x2a: {  	s22 =	stileid.u32;
	_ =	swait.ge @p1 [sflag:s18], $0x2080  }
0x2b: {  	s22 =	sshll.u32 @!p1 s22, $0x6;
	[sflag:s18] =	ssyncset.done @p1 $0x0;
	s24 =	rddreg [dreg:$0x12]  }
0x2c: {  	[sflag:s18] =	ssyncadd.s32 @p1 $0xFFFFDF80;
	s18 =	sor.u32 @!p1 $0x1C0D, s22;
	s22 =	rddreg [dreg:$0xe]  }
0x2d: {  	[hbm:s22], [sflag:s18] =	dma.local @!p1 [spmem:s24], $0x2780  }
0x2e: {  	s18 =	simm.s32 @!p1 $0xD  }
0x2f: {  	_ =	swait.ge @!p1 [sflag:s18], $0x2780  }
0x30: {  	s21 =	sadd.s32 $0x1, s21;
	s25 =	rddreg [dreg:$0x10]  }
0x31: {  	p2 =	sne.s32 s21, s25  }
.Ltmp1:
0x32: {  	_ = 	snop;
	(pc) =	sbr.rel @!p2 .LBB2_35-.Ltmp1, $3  }
0x33: {  	_ =	sdelay $0x1  }
0x34: {  	[sflag:s18] =	ssyncset.done @!p1 $0x0  }
0x35: {  	[sflag:s18] =	ssyncadd.s32 @!p1 $0xFFFFD880  }
.LBB2_1:
0x36: {  	s22 =	sshrl.u32 @!p0 s2, $0x3;
	s24 =	simm.s32 @!p0 $0x1C0D;
	s18 =	rddreg [dreg:$0x4]  }
0x37: {  	[spmem:s22], [sflag:s24] =	dma.local @!p0 [hbm:s18], $0x27100  }
0x38: {  	s22 =	simm.s32 @!p0 $0xD  }
0x39: {  	_ =	swait.ge @!p0 [sflag:s22], $0x27100  }
0x3a: {  	[sflag:s22] =	ssyncset.done @!p0 $0x0  }
0x3b: {  	[sflag:s22] =	ssyncadd.s32 @!p0 $0xFFFD8F00  }
0x3c: {  	[bflag:$0x0] =	sbarrier.arrive $0xFFFF  }
0x3d: {  	s22 =	rddreg [dreg:$0x5]  }
0x3e: {  	[tilespmem:s23], [sflag:$0x1] =	stream.linear.gather [hbm4b:s22+s3], $0x50, $0x38;
	[tilespmem:$0x1DC80] =	vst v63  }
0x3f: {  	s24 =	rddreg [dreg:$0x6]  }
0x40: {  	[tilespmem:s26], [sflag:$0x1] =	stream.linear.gather [hbm4b:s24+s3], $0x50, $0x38;
	[tilespmem:$0x1DC80] =	vst v63  }
0x41: {  	s25 =	rddreg [dreg:$0x7]  }
0x42: {  	[tilespmem:s3], [sflag:$0x1] =	stream.linear.gather [hbm4b:s25+s3], $0x2800, $0x38;
	[tilespmem:$0x1DC80] =	vst v63  }
0x43: {  	s22 =	rddreg [dreg:$0x8]  }
0x44: {  	[tilespmem:s28], [sflag:$0x4] =	stream.linear.gather [hbm4b:s22+s3], $0x50, $0x38;
	[tilespmem:$0x1DC80] =	vst v63  }
0x45: {  	s24 =	rddreg [dreg:$0x9]  }
0x46: {  	[tilespmem:s29], [sflag:$0x4] =	stream.linear.gather [hbm4b:s24+s3], $0x50, $0x38;
	[tilespmem:$0x1DC80] =	vst v63  }
0x47: {  	s25 =	rddreg [dreg:$0xa]  }
0x48: {  	[tilespmem:s30], [sflag:$0x4] =	stream.linear.gather [hbm4b:s25+s3], $0x2800, $0x38;
	[tilespmem:$0x1DC80] =	vst v63  }
0x49: {  	s22 =	rddreg [dreg:$0xb]  }
0x4a: {  	[tilespmem:s31], [sflag:$0x7] =	stream.linear.gather [hbm4b:s22+s3], $0x50, $0x38;
	[tilespmem:$0x1DC80] =	vst v63  }
0x4b: {  	s24 =	rddreg [dreg:$0xc]  }
0x4c: {  	[tilespmem:s0], [sflag:$0x7] =	stream.linear.gather [hbm4b:s24+s3], $0x50, $0x38;
	[tilespmem:$0x1DC80] =	vst v63  }
0x4d: {  	s25 =	rddreg [dreg:$0xd]  }
0x4e: {  	[tilespmem:s4], [sflag:$0x7] =	stream.linear.gather [hbm4b:s25+s3], $0x2800, $0x38;
	[tilespmem:$0x1DC80] =	vst v63  }
0x4f: {  	_ =	swait.ge [sflag:s9], $0x50  }
0x50: {  	[sflag:s9] =	ssyncset.done $0x0  }
0x51: {  	[sflag:s9] =	ssyncadd.s32 $0xFFFFFFB0  }
0x52: {  	_ =	swait.ge [sflag:s9], $0x50  }
0x53: {  	[sflag:s9] =	ssyncset.done $0x0  }
0x54: {  	[sflag:s9] =	ssyncadd.s32 $0xFFFFFFB0  }
0x55: {  	_ =	swait.ge [sflag:s9], $0x2800  }
0x56: {  	[sflag:s9] =	ssyncset.done $0x0  }
0x57: {  	[sflag:s9] =	ssyncadd.s32 $0xFFFFD800  }
0x58: {  	[tilespmem:s3], [sflag:$0x2] =	stream.indirect.gather.add.f32 [hbm:s1], $0x80, s23, s10, $0xb8;
	[tilespmem:$0x1DC80] =	vst v63  }
0x59: {  	_ =	swait.ge [sflag:s11], $0x50  }
0x5a: {  	[sflag:s11] =	ssyncset.done $0x0  }
0x5b: {  	[sflag:s11] =	ssyncadd.s32 $0xFFFFFFB0  }
0x5c: {  	_ =	swait.ge [sflag:s11], $0x50  }
0x5d: {  	[sflag:s11] =	ssyncset.done $0x0  }
0x5e: {  	[sflag:s11] =	ssyncadd.s32 $0xFFFFFFB0  }
0x5f: {  	_ =	swait.ge [sflag:s11], $0x2800  }
0x60: {  	[sflag:s11] =	ssyncset.done $0x0  }
0x61: {  	[sflag:s11] =	ssyncadd.s32 $0xFFFFD800  }
0x62: {  	[tilespmem:s30], [sflag:$0x5] =	stream.indirect.gather.add.f32 [hbm:s1], $0x80, s28, s10, $0xb8;
	[tilespmem:$0x1DC80] =	vst v63  }
.Ltmp2:
0x63: {  	_ = 	snop;
	(pc) =	sbr.rel .LBB2_2-.Ltmp2, $4  }
0x64: {  	_ =	swait.ge [sflag:s12], $0x2800  }
0x65: {  	[sflag:s12] =	ssyncset.done $0x0  }
0x66: {  	s22 =	simm.s32 $0x0;
	[sflag:s12] =	ssyncadd.s32 $0xFFFFD800  }
0x67: {  	[tilespmem:s3], [sflag:$0x2] =	stream.indirect.gather.add.f32 [hbm:s7], $0x80, s26, s10, $0xb8;
	[tilespmem:$0x1DC80] =	vst v63  }
.LBB2_32:
0x68: {  	[tilespmem:s24+$0x7B10] =	vst v5;
	v3 =	vmax.f32 v3, $0.0e+00;
	v60 =	vld [tilespmem:s24+$0x7B70]  }
0x69: {  	v1 =	vmax.f32 v1, $0.0e+00;
	[tilespmem:s24+$0x7B20] =	vst v3  }
0x6a: {  	v0 =	vmax.f32 v0, $0.0e+00;
	[tilespmem:s24+$0x7B30] =	vst v1  }
0x6b: {  	v61 =	vmax.f32 v2, $0.0e+00;
	[tilespmem:s24+$0x7B40] =	vst v0  }
0x6c: {  	v62 =	vmax.f32 v4, $0.0e+00;
	[tilespmem:s24+$0x7B50] =	vst v61  }
0x6d: {  	[tilespmem:s24+$0x7B60] =	vst v62;
	v63 =	vmax.f32 v60, $0.0e+00  }
0x6e: {  	[tilespmem:s24+$0x7B70] =	vst v63  }
0x6f: {  	[spmem:s2] =	stream.indirect.scatter.add.f32 [tilespmem:s15], [sflag:$0xC], $0x80, s14, s10, $0xb8;
	[tilespmem:$0x1DC80] =	vst v63  }
.LBB2_33:
0x70: {  	s22 =	sadd.s32 $0x1, s22  }
0x71: {  	p2 =	sne.s32 s22, $0x7D  }
.Ltmp3:
0x72: {  	_ = 	snop;
	(pc) =	sbr.rel @!p2 .LBB2_34-.Ltmp3, $1  }
0x73: {  	_ =	sdelay $0x3  }
.LBB2_2:
0x74: {  	s24 =	sand.u32 $0x3, s22  }
0x75: {  	p2 =	sgt.s32 s24, $0x1  }
.Ltmp4:
0x76: {  	_ = 	snop;
	(pc) =	sbr.rel @p2 .LBB2_25-.Ltmp4, $1  }
0x77: {  	_ =	sdelay $0x3  }
0x78: {  	p2 =	seq.s32 s24, $0x0  }
.Ltmp5:
0x79: {  	_ = 	snop;
	(pc) =	sbr.rel @!p2 .LBB2_11-.Ltmp5, $1  }
0x7a: {  	_ =	sdelay $0x3  }
0x7b: {  	p2 =	seq.s32 s22, $0x0  }
0x7c: {  	p3 =	sgt.u32 @!p2 s22, $0x79  }
0x7d: {  	_ =	swait.ge [sflag:s12], $0x2800;
	p3 =	por p2, !p3  }
.Ltmp6:
0x7e: {  	[sflag:s12] =	ssyncset.done $0x0;
	(pc) =	sbr.rel @!p3 .LBB2_6-.Ltmp6, $4  }
0x7f: {  	s24 =	simm.s32 @!p2 $0xC;
	[sflag:s12] =	ssyncadd.s32 $0xFFFFD800  }
0x80: {  	_ =	swait.ge @!p2 [sflag:s24], $0x2800  }
0x81: {  	[sflag:s24] =	ssyncset.done @!p2 $0x0  }
0x82: {  	[sflag:s24] =	ssyncadd.s32 @!p2 $0xFFFFD800  }
0x83: {  	s24 =	smul.u32 $0x50, s22;
	_ =	sdelay $0x1  }
0x84: {  	s24 =	sadd.s32 s24, s19  }
0x85: {  	s25 =	sshrl.u32 s24, $0x3  }
0x86: {  	s18 =	sadd.s32 s6, s25  }
0x87: {  	[tilespmem:s13], [sflag:$0xA] =	stream.linear.gather [hbm4b:s18+s3], $0x50, $0x38;
	[tilespmem:$0x1DC80] =	vst v63  }
.Ltmp7:
0x88: {  	s25 =	sadd.s32 s8, s25;
	(pc) =	sbr.rel .LBB2_7-.Ltmp7, $4  }
0x89: {  	[tilespmem:s14], [sflag:$0xA] =	stream.linear.gather [hbm4b:s25+s3], $0x50, $0x38;
	[tilespmem:$0x1DC80] =	vst v63  }
0x8a: {  	s25 =	sshll.u32 s24, $0x4  }
0x8b: {  	s18 =	sadd.s32 s5, s25  }
0x8c: {  	[tilespmem:s15], [sflag:$0xA] =	stream.linear.gather [hbm4b:s18+s3], $0x2800, $0x38;
	[tilespmem:$0x1DC80] =	vst v63  }
.LBB2_25:
0x8d: {  	p4 =	seq.s32 s24, $0x2  }
.Ltmp8:
0x8e: {  	_ = 	snop;
	(pc) =	sbr.rel @!p4 .LBB2_26-.Ltmp8, $3  }
0x8f: {  	_ =	sdelay $0x1  }
0x90: {  	p2 =	seq.s32 s22, $0x0  }
0x91: {  	p3 =	sgt.u32 @!p2 s22, $0x79  }
0x92: {  	_ =	swait.ge [sflag:s17], $0x2800;
	p3 =	por p2, !p3  }
.Ltmp9:
0x93: {  	[sflag:s17] =	ssyncset.done $0x0;
	(pc) =	sbr.rel @!p3 .LBB2_20-.Ltmp9, $4  }
0x94: {  	s18 =	simm.s32 @!p2 $0x6;
	[sflag:s17] =	ssyncadd.s32 $0xFFFFD800  }
0x95: {  	_ =	swait.ge @!p2 [sflag:s18], $0x2800  }
0x96: {  	[sflag:s18] =	ssyncset.done @!p2 $0x0  }
0x97: {  	[sflag:s18] =	ssyncadd.s32 @!p2 $0xFFFFD800  }
0x98: {  	s18 =	smul.u32 $0x50, s22;
	_ =	sdelay $0x1  }
0x99: {  	s18 =	sadd.s32 s18, s19  }
0x9a: {  	s24 =	sshrl.u32 s18, $0x3  }
0x9b: {  	s25 =	sadd.s32 s6, s24  }
0x9c: {  	[tilespmem:s28], [sflag:$0x4] =	stream.linear.gather [hbm4b:s25+s3], $0x50, $0x38;
	[tilespmem:$0x1DC80] =	vst v63  }
.Ltmp10:
0x9d: {  	_ = 	snop;
	(pc) =	sbr.rel .LBB2_21-.Ltmp10, $4  }
0x9e: {  	s18 =	sshll.u32 s18, $0x4;
	s24 =	sadd.s32 s8, s24  }
0x9f: {  	[tilespmem:s29], [sflag:$0x4] =	stream.linear.gather [hbm4b:s24+s3], $0x50, $0x38;
	[tilespmem:$0x1DC80] =	vst v63  }
0xa0: {  	s18 =	sadd.s32 s5, s18  }
0xa1: {  	[tilespmem:s30], [sflag:$0x4] =	stream.linear.gather [hbm4b:s18+s3], $0x2800, $0x38;
	[tilespmem:$0x1DC80] =	vst v63  }
.LBB2_11:
0xa2: {  	p2 =	seq.s32 s22, $0x0  }
0xa3: {  	p3 =	sgt.u32 @!p2 s22, $0x79  }
0xa4: {  	_ =	swait.ge [sflag:s16], $0x2800;
	p3 =	por p2, !p3  }
.Ltmp11:
0xa5: {  	[sflag:s16] =	ssyncset.done $0x0;
	(pc) =	sbr.rel @!p3 .LBB2_13-.Ltmp11, $4  }
0xa6: {  	s18 =	simm.s32 @!p2 $0x3;
	[sflag:s16] =	ssyncadd.s32 $0xFFFFD800  }
0xa7: {  	_ =	swait.ge @!p2 [sflag:s18], $0x2800  }
0xa8: {  	[sflag:s18] =	ssyncset.done @!p2 $0x0  }
0xa9: {  	[sflag:s18] =	ssyncadd.s32 @!p2 $0xFFFFD800  }
0xaa: {  	s18 =	smul.u32 $0x50, s22;
	_ =	sdelay $0x1  }
0xab: {  	s18 =	sadd.s32 s18, s19  }
0xac: {  	s24 =	sshrl.u32 s18, $0x3  }
0xad: {  	s25 =	sadd.s32 s6, s24  }
0xae: {  	[tilespmem:s23], [sflag:$0x1] =	stream.linear.gather [hbm4b:s25+s3], $0x50, $0x38;
	[tilespmem:$0x1DC80] =	vst v63  }
.Ltmp12:
0xaf: {  	_ = 	snop;
	(pc) =	sbr.rel .LBB2_14-.Ltmp12, $4  }
0xb0: {  	s18 =	sshll.u32 s18, $0x4;
	s24 =	sadd.s32 s8, s24  }
0xb1: {  	[tilespmem:s26], [sflag:$0x1] =	stream.linear.gather [hbm4b:s24+s3], $0x50, $0x38;
	[tilespmem:$0x1DC80] =	vst v63  }
0xb2: {  	s18 =	sadd.s32 s5, s18  }
0xb3: {  	[tilespmem:s3], [sflag:$0x1] =	stream.linear.gather [hbm4b:s18+s3], $0x2800, $0x38;
	[tilespmem:$0x1DC80] =	vst v63  }
.LBB2_26:
0xb4: {  	_ =	swait.ge [sflag:s20], $0x2800;
	p3 =	por p2, !p3  }
.Ltmp13:
0xb5: {  	[sflag:s20] =	ssyncset.done $0x0;
	(pc) =	sbr.rel @!p3 .LBB2_28-.Ltmp13, $4  }
0xb6: {  	s18 =	simm.s32 @!p2 $0x9;
	[sflag:s20] =	ssyncadd.s32 $0xFFFFD800  }
0xb7: {  	_ =	swait.ge @!p2 [sflag:s18], $0x2800  }
0xb8: {  	[sflag:s18] =	ssyncset.done @!p2 $0x0  }
0xb9: {  	[sflag:s18] =	ssyncadd.s32 @!p2 $0xFFFFD800  }
0xba: {  	s18 =	smul.u32 $0x50, s22;
	_ =	sdelay $0x1  }
0xbb: {  	s18 =	sadd.s32 s18, s19  }
0xbc: {  	s24 =	sshrl.u32 s18, $0x3  }
0xbd: {  	s25 =	sadd.s32 s6, s24  }
0xbe: {  	[tilespmem:s31], [sflag:$0x7] =	stream.linear.gather [hbm4b:s25+s3], $0x50, $0x38;
	[tilespmem:$0x1DC80] =	vst v63  }
.Ltmp14:
0xbf: {  	_ = 	snop;
	(pc) =	sbr.rel .LBB2_29-.Ltmp14, $4  }
0xc0: {  	s18 =	sshll.u32 s18, $0x4;
	s24 =	sadd.s32 s8, s24  }
0xc1: {  	[tilespmem:s0], [sflag:$0x7] =	stream.linear.gather [hbm4b:s24+s3], $0x50, $0x38;
	[tilespmem:$0x1DC80] =	vst v63  }
0xc2: {  	s18 =	sadd.s32 s5, s18  }
0xc3: {  	[tilespmem:s4], [sflag:$0x7] =	stream.linear.gather [hbm4b:s18+s3], $0x2800, $0x38;
	[tilespmem:$0x1DC80] =	vst v63  }
.LBB2_6:
0xc4: {  	p2 =	seq.s32 s22, $0x7C  }
.Ltmp15:
0xc5: {  	_ = 	snop;
	(pc) =	sbr.rel @p2 .LBB2_8-.Ltmp15, $1  }
0xc6: {  	_ =	sdelay $0x3  }
.LBB2_7:
0xc7: {  	_ =	swait.ge [sflag:s16], $0x2800  }
0xc8: {  	p2 =	sgt.u32 s22, $0x7A;
	[sflag:s16] =	ssyncset.done $0x0  }
0xc9: {  	s18 =	simm.s32 @!p2 $0x7;
	[sflag:s16] =	ssyncadd.s32 $0xFFFFD800  }
0xca: {  	[tilespmem:s30], [sflag:$0x5] =	stream.indirect.gather.add.f32 [hbm:s7], $0x80, s29, s10, $0xb8;
	[tilespmem:$0x1DC80] =	vst v63  }
0xcb: {  	_ =	swait.ge @!p2 [sflag:s18], $0x50  }
0xcc: {  	[sflag:s18] =	ssyncset.done @!p2 $0x0  }
0xcd: {  	[sflag:s18] =	ssyncadd.s32 @!p2 $0xFFFFFFB0  }
0xce: {  	_ =	swait.ge @!p2 [sflag:s18], $0x50  }
0xcf: {  	[sflag:s18] =	ssyncset.done @!p2 $0x0  }
0xd0: {  	[sflag:s18] =	ssyncadd.s32 @!p2 $0xFFFFFFB0  }
0xd1: {  	_ =	swait.ge @!p2 [sflag:s18], $0x2800  }
0xd2: {  	s24 =	simm.s32 @!p2 $0x7A00;
	[sflag:s18] =	ssyncset.done @!p2 $0x0  }
0xd3: {  	s25 =	simm.s32 @!p2 $0x5200;
	[sflag:s18] =	ssyncadd.s32 @!p2 $0xFFFFD800;
	s18 =	simm.s32 @!p2 $0x50  }
0xd4: {  	[tilespmem:s25], [sflag:$0x8] =	stream.indirect.gather.add.f32 @!p2 [hbm:s1], $0x80, s24, s18, $0xb8;
	[tilespmem:$0x1DC80] =	vst v63  }
.LBB2_8:
0xd5: {  	s24 =	simm.s32 $0x0  }
0xd6: {  	v2 =	vld [tilespmem:s24+$0x0]  }
0xd7: {  	v4 =	vld [tilespmem:s24+$0x10]  }
0xd8: {  	v3 =	vld [tilespmem:s24+$0x20]  }
0xd9: {  	v1 =	vld [tilespmem:s24+$0x30]  }
0xda: {  	v0 =	vld [tilespmem:s24+$0x40]  }
0xdb: {  	v5 =	vmax.f32 v2, $0.0e+00;
	v2 =	vld [tilespmem:s24+$0x50]  }
0xdc: {  	s25 =	simm.s32 $0x200;
	[tilespmem:s24+$0x0] =	vst v5;
	v5 =	vmax.f32 v4, $0.0e+00;
	v4 =	vld [tilespmem:s24+$0x60]  }
.LBB2_9:
0xdd: {  	s18 =	sshra.s32 s25, $0x2;
	p2 =	sne.s32 s25, $0x9E00;
	[tilespmem:s24+$0x10] =	vst v5;
	v3 =	vmax.f32 v3, $0.0e+00;
	v5 =	vld [tilespmem:s24+$0x70]  }
0xde: {  	v6 =	vld [tilespmem:s18+$0x0];
	[tilespmem:s24+$0x20] =	vst v3;
	v1 =	vmax.f32 v1, $0.0e+00  }
0xdf: {  	v7 =	vld [tilespmem:s18+$0x10];
	[tilespmem:s24+$0x30] =	vst v1;
	v0 =	vmax.f32 v0, $0.0e+00  }
.Ltmp16:
0xe0: {  	v3 =	vld [tilespmem:s18+$0x20];
	[tilespmem:s24+$0x40] =	vst v0;
	v0 =	vmax.f32 v2, $0.0e+00;
	(pc) =	sbr.rel @p2 .LBB2_9-.Ltmp16, $4  }
0xe1: {  	v1 =	vld [tilespmem:s18+$0x30];
	[tilespmem:s24+$0x50] =	vst v0;
	v2 =	vmax.f32 v4, $0.0e+00  }
0xe2: {  	v0 =	vld [tilespmem:s18+$0x40];
	[tilespmem:s24+$0x60] =	vst v2;
	v4 =	vmax.f32 v5, $0.0e+00  }
0xe3: {  	v5 =	vmax.f32 v6, $0.0e+00;
	v2 =	vld [tilespmem:s18+$0x50];
	[tilespmem:s24+$0x70] =	vst v4;
	s24 =	smov.u32 s18  }
0xe4: {  	s25 =	sadd.s32 $0x200, s25;
	[tilespmem:s24+$0x0] =	vst v5;
	v5 =	vmax.f32 v7, $0.0e+00;
	v4 =	vld [tilespmem:s24+$0x60]  }
0xe5: {  	[tilespmem:s24+$0x10] =	vst v5;
	v3 =	vmax.f32 v3, $0.0e+00;
	v60 =	vld [tilespmem:s24+$0x70]  }
0xe6: {  	[tilespmem:s24+$0x20] =	vst v3;
	v1 =	vmax.f32 v1, $0.0e+00  }
0xe7: {  	[tilespmem:s24+$0x30] =	vst v1;
	v0 =	vmax.f32 v0, $0.0e+00  }
.Ltmp17:
0xe8: {  	[tilespmem:s24+$0x40] =	vst v0;
	v61 =	vmax.f32 v2, $0.0e+00;
	(pc) =	sbr.rel .LBB2_33-.Ltmp17, $4  }
0xe9: {  	[tilespmem:s24+$0x50] =	vst v61;
	v62 =	vmax.f32 v4, $0.0e+00  }
0xea: {  	[tilespmem:s24+$0x60] =	vst v62;
	v63 =	vmax.f32 v60, $0.0e+00  }
0xeb: {  	[tilespmem:s24+$0x70] =	vst v63  }
0xec: {  	[spmem:s2] =	stream.indirect.scatter.add.f32 [tilespmem:s3], [sflag:$0x3], $0x80, s26, s10, $0xb8;
	[tilespmem:$0x1DC80] =	vst v63  }
.LBB2_20:
0xed: {  	p2 =	seq.s32 s22, $0x7C  }
.Ltmp18:
0xee: {  	_ = 	snop;
	(pc) =	sbr.rel @p2 .LBB2_22-.Ltmp18, $1  }
0xef: {  	_ =	sdelay $0x3  }
.LBB2_21:
0xf0: {  	_ =	swait.ge [sflag:s20], $0x2800  }
0xf1: {  	p2 =	sgt.u32 s22, $0x7A;
	[sflag:s20] =	ssyncset.done $0x0  }
0xf2: {  	s18 =	simm.s32 @!p2 $0x1;
	[sflag:s20] =	ssyncadd.s32 $0xFFFFD800  }
0xf3: {  	[tilespmem:s15], [sflag:$0xB] =	stream.indirect.gather.add.f32 [hbm:s7], $0x80, s14, s10, $0xb8;
	[tilespmem:$0x1DC80] =	vst v63  }
0xf4: {  	_ =	swait.ge @!p2 [sflag:s18], $0x50  }
0xf5: {  	[sflag:s18] =	ssyncset.done @!p2 $0x0  }
0xf6: {  	[sflag:s18] =	ssyncadd.s32 @!p2 $0xFFFFFFB0  }
0xf7: {  	_ =	swait.ge @!p2 [sflag:s18], $0x50  }
0xf8: {  	[sflag:s18] =	ssyncset.done @!p2 $0x0  }
0xf9: {  	[sflag:s18] =	ssyncadd.s32 @!p2 $0xFFFFFFB0  }
0xfa: {  	_ =	swait.ge @!p2 [sflag:s18], $0x2800  }
0xfb: {  	s24 =	simm.s32 @!p2 $0x2800;
	[sflag:s18] =	ssyncset.done @!p2 $0x0  }
0xfc: {  	s25 =	simm.s32 @!p2 $0x0;
	[sflag:s18] =	ssyncadd.s32 @!p2 $0xFFFFD800;
	s18 =	simm.s32 @!p2 $0x50  }
0xfd: {  	[tilespmem:s25], [sflag:$0x2] =	stream.indirect.gather.add.f32 @!p2 [hbm:s1], $0x80, s24, s18, $0xb8;
	[tilespmem:$0x1DC80] =	vst v63  }
.LBB2_22:
0xfe: {  	s24 =	simm.s32 $0x0  }
0xff: {  	v2 =	vld [tilespmem:s24+$0x5200]  }
0x100: {  	v4 =	vld [tilespmem:s24+$0x5210]  }
0x101: {  	v3 =	vld [tilespmem:s24+$0x5220]  }
0x102: {  	v1 =	vld [tilespmem:s24+$0x5230]  }
0x103: {  	v0 =	vld [tilespmem:s24+$0x5240]  }
0x104: {  	v5 =	vmax.f32 v2, $0.0e+00;
	v2 =	vld [tilespmem:s24+$0x5250]  }
0x105: {  	s25 =	simm.s32 $0x200;
	[tilespmem:s24+$0x5200] =	vst v5;
	v5 =	vmax.f32 v4, $0.0e+00;
	v4 =	vld [tilespmem:s24+$0x5260]  }
.LBB2_23:
0x106: {  	s18 =	sshra.s32 s25, $0x2;
	p2 =	sne.s32 s25, $0x9E00;
	[tilespmem:s24+$0x5210] =	vst v5;
	v3 =	vmax.f32 v3, $0.0e+00;
	v5 =	vld [tilespmem:s24+$0x5270]  }
0x107: {  	v6 =	vld [tilespmem:s18+$0x5200];
	[tilespmem:s24+$0x5220] =	vst v3;
	v1 =	vmax.f32 v1, $0.0e+00  }
0x108: {  	v7 =	vld [tilespmem:s18+$0x5210];
	[tilespmem:s24+$0x5230] =	vst v1;
	v0 =	vmax.f32 v0, $0.0e+00  }
.Ltmp19:
0x109: {  	v3 =	vld [tilespmem:s18+$0x5220];
	[tilespmem:s24+$0x5240] =	vst v0;
	v0 =	vmax.f32 v2, $0.0e+00;
	(pc) =	sbr.rel @p2 .LBB2_23-.Ltmp19, $4  }
0x10a: {  	v1 =	vld [tilespmem:s18+$0x5230];
	[tilespmem:s24+$0x5250] =	vst v0;
	v2 =	vmax.f32 v4, $0.0e+00  }
0x10b: {  	v0 =	vld [tilespmem:s18+$0x5240];
	[tilespmem:s24+$0x5260] =	vst v2;
	v4 =	vmax.f32 v5, $0.0e+00  }
0x10c: {  	v5 =	vmax.f32 v6, $0.0e+00;
	v2 =	vld [tilespmem:s18+$0x5250];
	[tilespmem:s24+$0x5270] =	vst v4;
	s24 =	smov.u32 s18  }
0x10d: {  	s25 =	sadd.s32 $0x200, s25;
	[tilespmem:s24+$0x5200] =	vst v5;
	v5 =	vmax.f32 v7, $0.0e+00;
	v4 =	vld [tilespmem:s24+$0x5260]  }
0x10e: {  	[tilespmem:s24+$0x5210] =	vst v5;
	v3 =	vmax.f32 v3, $0.0e+00;
	v60 =	vld [tilespmem:s24+$0x5270]  }
0x10f: {  	[tilespmem:s24+$0x5220] =	vst v3;
	v1 =	vmax.f32 v1, $0.0e+00  }
0x110: {  	[tilespmem:s24+$0x5230] =	vst v1;
	v0 =	vmax.f32 v0, $0.0e+00  }
.Ltmp20:
0x111: {  	[tilespmem:s24+$0x5240] =	vst v0;
	v61 =	vmax.f32 v2, $0.0e+00;
	(pc) =	sbr.rel .LBB2_33-.Ltmp20, $4  }
0x112: {  	[tilespmem:s24+$0x5250] =	vst v61;
	v62 =	vmax.f32 v4, $0.0e+00  }
0x113: {  	[tilespmem:s24+$0x5260] =	vst v62;
	v63 =	vmax.f32 v60, $0.0e+00  }
0x114: {  	[tilespmem:s24+$0x5270] =	vst v63  }
0x115: {  	[spmem:s2] =	stream.indirect.scatter.add.f32 [tilespmem:s4], [sflag:$0x9], $0x80, s0, s10, $0xb8;
	[tilespmem:$0x1DC80] =	vst v63  }
.LBB2_13:
0x116: {  	p2 =	seq.s32 s22, $0x7C  }
.Ltmp21:
0x117: {  	_ = 	snop;
	(pc) =	sbr.rel @p2 .LBB2_15-.Ltmp21, $1  }
0x118: {  	_ =	sdelay $0x3  }
.LBB2_14:
0x119: {  	_ =	swait.ge [sflag:s17], $0x2800  }
0x11a: {  	p2 =	sgt.u32 s22, $0x7A;
	[sflag:s17] =	ssyncset.done $0x0  }
0x11b: {  	s18 =	simm.s32 @!p2 $0xA;
	[sflag:s17] =	ssyncadd.s32 $0xFFFFD800  }
0x11c: {  	[tilespmem:s4], [sflag:$0x8] =	stream.indirect.gather.add.f32 [hbm:s7], $0x80, s0, s10, $0xb8;
	[tilespmem:$0x1DC80] =	vst v63  }
0x11d: {  	_ =	swait.ge @!p2 [sflag:s18], $0x50  }
0x11e: {  	[sflag:s18] =	ssyncset.done @!p2 $0x0  }
0x11f: {  	[sflag:s18] =	ssyncadd.s32 @!p2 $0xFFFFFFB0  }
0x120: {  	_ =	swait.ge @!p2 [sflag:s18], $0x50  }
0x121: {  	[sflag:s18] =	ssyncset.done @!p2 $0x0  }
0x122: {  	[sflag:s18] =	ssyncadd.s32 @!p2 $0xFFFFFFB0  }
0x123: {  	_ =	swait.ge @!p2 [sflag:s18], $0x2800  }
0x124: {  	s24 =	simm.s32 @!p2 $0xA300;
	[sflag:s18] =	ssyncset.done @!p2 $0x0  }
0x125: {  	s25 =	simm.s32 @!p2 $0x7B00;
	[sflag:s18] =	ssyncadd.s32 @!p2 $0xFFFFD800;
	s18 =	simm.s32 @!p2 $0x50  }
0x126: {  	[tilespmem:s25], [sflag:$0xB] =	stream.indirect.gather.add.f32 @!p2 [hbm:s1], $0x80, s24, s18, $0xb8;
	[tilespmem:$0x1DC80] =	vst v63  }
.LBB2_15:
0x127: {  	s24 =	simm.s32 $0x0  }
0x128: {  	v2 =	vld [tilespmem:s24+$0x2900]  }
0x129: {  	v4 =	vld [tilespmem:s24+$0x2910]  }
0x12a: {  	v3 =	vld [tilespmem:s24+$0x2920]  }
0x12b: {  	v1 =	vld [tilespmem:s24+$0x2930]  }
0x12c: {  	v0 =	vld [tilespmem:s24+$0x2940]  }
0x12d: {  	v5 =	vmax.f32 v2, $0.0e+00;
	v2 =	vld [tilespmem:s24+$0x2950]  }
0x12e: {  	s25 =	simm.s32 $0x200;
	[tilespmem:s24+$0x2900] =	vst v5;
	v5 =	vmax.f32 v4, $0.0e+00;
	v4 =	vld [tilespmem:s24+$0x2960]  }
.LBB2_16:
0x12f: {  	s18 =	sshra.s32 s25, $0x2;
	p2 =	sne.s32 s25, $0x9E00;
	[tilespmem:s24+$0x2910] =	vst v5;
	v3 =	vmax.f32 v3, $0.0e+00;
	v5 =	vld [tilespmem:s24+$0x2970]  }
0x130: {  	v6 =	vld [tilespmem:s18+$0x2900];
	[tilespmem:s24+$0x2920] =	vst v3;
	v1 =	vmax.f32 v1, $0.0e+00  }
0x131: {  	v7 =	vld [tilespmem:s18+$0x2910];
	[tilespmem:s24+$0x2930] =	vst v1;
	v0 =	vmax.f32 v0, $0.0e+00  }
.Ltmp22:
0x132: {  	v3 =	vld [tilespmem:s18+$0x2920];
	[tilespmem:s24+$0x2940] =	vst v0;
	v0 =	vmax.f32 v2, $0.0e+00;
	(pc) =	sbr.rel @p2 .LBB2_16-.Ltmp22, $4  }
0x133: {  	v1 =	vld [tilespmem:s18+$0x2930];
	[tilespmem:s24+$0x2950] =	vst v0;
	v2 =	vmax.f32 v4, $0.0e+00  }
0x134: {  	v0 =	vld [tilespmem:s18+$0x2940];
	[tilespmem:s24+$0x2960] =	vst v2;
	v4 =	vmax.f32 v5, $0.0e+00  }
0x135: {  	v5 =	vmax.f32 v6, $0.0e+00;
	v2 =	vld [tilespmem:s18+$0x2950];
	[tilespmem:s24+$0x2970] =	vst v4;
	s24 =	smov.u32 s18  }
0x136: {  	s25 =	sadd.s32 $0x200, s25;
	[tilespmem:s24+$0x2900] =	vst v5;
	v5 =	vmax.f32 v7, $0.0e+00;
	v4 =	vld [tilespmem:s24+$0x2960]  }
0x137: {  	[tilespmem:s24+$0x2910] =	vst v5;
	v3 =	vmax.f32 v3, $0.0e+00;
	v60 =	vld [tilespmem:s24+$0x2970]  }
0x138: {  	[tilespmem:s24+$0x2920] =	vst v3;
	v1 =	vmax.f32 v1, $0.0e+00  }
0x139: {  	[tilespmem:s24+$0x2930] =	vst v1;
	v0 =	vmax.f32 v0, $0.0e+00  }
.Ltmp23:
0x13a: {  	[tilespmem:s24+$0x2940] =	vst v0;
	v61 =	vmax.f32 v2, $0.0e+00;
	(pc) =	sbr.rel .LBB2_33-.Ltmp23, $4  }
0x13b: {  	[tilespmem:s24+$0x2950] =	vst v61;
	v62 =	vmax.f32 v4, $0.0e+00  }
0x13c: {  	[tilespmem:s24+$0x2960] =	vst v62;
	v63 =	vmax.f32 v60, $0.0e+00  }
0x13d: {  	[tilespmem:s24+$0x2970] =	vst v63  }
0x13e: {  	[spmem:s2] =	stream.indirect.scatter.add.f32 [tilespmem:s30], [sflag:$0x6], $0x80, s29, s10, $0xb8;
	[tilespmem:$0x1DC80] =	vst v63  }
.LBB2_28:
0x13f: {  	p2 =	seq.s32 s22, $0x7C  }
.Ltmp24:
0x140: {  	_ = 	snop;
	(pc) =	sbr.rel @p2 .LBB2_30-.Ltmp24, $1  }
0x141: {  	_ =	sdelay $0x3  }
.LBB2_29:
0x142: {  	_ =	swait.ge [sflag:s12], $0x2800  }
0x143: {  	p2 =	sgt.u32 s22, $0x7A;
	[sflag:s12] =	ssyncset.done $0x0  }
0x144: {  	s18 =	simm.s32 @!p2 $0x4;
	[sflag:s12] =	ssyncadd.s32 $0xFFFFD800  }
0x145: {  	[tilespmem:s3], [sflag:$0x2] =	stream.indirect.gather.add.f32 [hbm:s7], $0x80, s26, s10, $0xb8;
	[tilespmem:$0x1DC80] =	vst v63  }
0x146: {  	_ =	swait.ge @!p2 [sflag:s18], $0x50  }
0x147: {  	[sflag:s18] =	ssyncset.done @!p2 $0x0  }
0x148: {  	[sflag:s18] =	ssyncadd.s32 @!p2 $0xFFFFFFB0  }
0x149: {  	_ =	swait.ge @!p2 [sflag:s18], $0x50  }
0x14a: {  	[sflag:s18] =	ssyncset.done @!p2 $0x0  }
0x14b: {  	[sflag:s18] =	ssyncadd.s32 @!p2 $0xFFFFFFB0  }
0x14c: {  	_ =	swait.ge @!p2 [sflag:s18], $0x2800  }
0x14d: {  	s24 =	simm.s32 @!p2 $0x5100;
	[sflag:s18] =	ssyncset.done @!p2 $0x0  }
0x14e: {  	s25 =	simm.s32 @!p2 $0x2900;
	[sflag:s18] =	ssyncadd.s32 @!p2 $0xFFFFD800;
	s18 =	simm.s32 @!p2 $0x50  }
0x14f: {  	[tilespmem:s25], [sflag:$0x5] =	stream.indirect.gather.add.f32 @!p2 [hbm:s1], $0x80, s24, s18, $0xb8;
	[tilespmem:$0x1DC80] =	vst v63  }
.LBB2_30:
0x150: {  	s24 =	simm.s32 $0x0  }
0x151: {  	v2 =	vld [tilespmem:s24+$0x7B00]  }
0x152: {  	v4 =	vld [tilespmem:s24+$0x7B10]  }
0x153: {  	v3 =	vld [tilespmem:s24+$0x7B20]  }
0x154: {  	v1 =	vld [tilespmem:s24+$0x7B30]  }
0x155: {  	v0 =	vld [tilespmem:s24+$0x7B40]  }
0x156: {  	v5 =	vmax.f32 v2, $0.0e+00;
	v2 =	vld [tilespmem:s24+$0x7B50]  }
0x157: {  	s25 =	simm.s32 $0x200;
	[tilespmem:s24+$0x7B00] =	vst v5;
	v5 =	vmax.f32 v4, $0.0e+00;
	v4 =	vld [tilespmem:s24+$0x7B60]  }
.LBB2_31:
0x158: {  	s18 =	sshra.s32 s25, $0x2;
	p2 =	sne.s32 s25, $0x9E00;
	[tilespmem:s24+$0x7B10] =	vst v5;
	v3 =	vmax.f32 v3, $0.0e+00;
	v5 =	vld [tilespmem:s24+$0x7B70]  }
0x159: {  	v1 =	vmax.f32 v1, $0.0e+00;
	v6 =	vld [tilespmem:s18+$0x7B00];
	[tilespmem:s24+$0x7B20] =	vst v3  }
0x15a: {  	v0 =	vmax.f32 v0, $0.0e+00;
	v7 =	vld [tilespmem:s18+$0x7B10];
	[tilespmem:s24+$0x7B30] =	vst v1  }
.Ltmp25:
0x15b: {  	v3 =	vld [tilespmem:s18+$0x7B20];
	[tilespmem:s24+$0x7B40] =	vst v0;
	v0 =	vmax.f32 v2, $0.0e+00;
	(pc) =	sbr.rel @p2 .LBB2_31-.Ltmp25, $4  }
0x15c: {  	v2 =	vmax.f32 v4, $0.0e+00;
	v1 =	vld [tilespmem:s18+$0x7B30];
	[tilespmem:s24+$0x7B50] =	vst v0  }
0x15d: {  	v0 =	vld [tilespmem:s18+$0x7B40];
	[tilespmem:s24+$0x7B60] =	vst v2;
	v4 =	vmax.f32 v5, $0.0e+00  }
0x15e: {  	v5 =	vmax.f32 v6, $0.0e+00;
	v2 =	vld [tilespmem:s18+$0x7B50];
	[tilespmem:s24+$0x7B70] =	vst v4;
	s24 =	smov.u32 s18  }
0x15f: {  	s25 =	sadd.s32 $0x200, s25;
	[tilespmem:s24+$0x7B00] =	vst v5;
	v5 =	vmax.f32 v7, $0.0e+00;
	v4 =	vld [tilespmem:s24+$0x7B60]  }
.Ltmp26:
0x160: {  	_ = 	snop;
	(pc) =	sbr.rel .LBB2_32-.Ltmp26, $1  }
0x161: {  	_ =	sdelay $0x3  }
.LBB2_35:
0x162: {  	_ =	sfence.sel $0x180000  }
0x163: {  	[bflag:$0x0] =	sbarrier.arrive $0xFFFF  }
0x164: {  	_ =	strace $0x90000047  }
0x165: {  	[bflag:$0x2] =	sbarrier.arrive $0xFFFF  }
0x166: {  	s0 =	rddreg [dreg:$0x3]  }
0x167: {  	s0 =	sadd.s32 @!p0 $0x100000, s0  }
0x168: {  	[sflag:s0] =	ssyncadd.tile.s32 @!p0 $0x1;
	_ =	shalt  }
.Lfunc_end2:
_tile_overlayer_lowered:
.L_overlay_start_2:
0x169: {  	(tag) =	ssettag $0x2  }
0x16a: {  	s0 =	rddreg [dreg:$0x0];
	s2 =	stileid.u32  }
0x16b: {  	s1 =	rddreg [dreg:$0x1];
	p0 =	sne.s32 s2, $0x0  }
0x16c: {  	s3 =	rddreg [dreg:$0x2];
	[bflag:$0x3] =	sbarrier.arrive $0xFFFF;
	s2 =	simm.s32 @!p0 $0x1C0D  }
0x16d: {  	[timem:s3], [sflag:s2] =	dma.local @!p0 [hbm:s0], s1  }
0x16e: {  	s0 =	simm.s32 @!p0 $0xD  }
0x16f: {  	_ =	swait.ge @!p0 [sflag:s0], s1  }
0x170: {  	s1 =	ssub.s32 @!p0 $0x0, s1;
	[sflag:s0] =	ssyncset.done @!p0 $0x0  }
0x171: {  	[sflag:s0] =	ssyncadd.s32 @!p0 s1  }
0x172: {  	[bflag:$0x3] =	sbarrier.arrive $0xFFFF  }
0x173: {  	_ =	shalt  }

</sc_bundles>
